<compile_context>
chip_gen: v7x
topology: tpu7x:2x2x1
jax: 0.10.2.dev20260603
libtpu: 0.0.44.dev20260713+nightly
codegen_flags: <defaults>
</compile_context>

<pallas_src>
import dataclasses
import functools

import jax
import jax.numpy as jnp
from jax import lax
from jax.experimental import pallas as pl
from jax.experimental.pallas import tpu as pltpu
from jax.experimental.pallas import tpu_sc as plsc

N = 10000
E = 320000
D = 128
H1 = 8
C1 = 8
F1 = H1 * C1
NC = 10
NCORES = 2
NSUB = 16
NW = NCORES * NSUB
CHUNK = 128
NCH = E // CHUNK
CPW = 78
XW = NCH - NW * CPW
RPT = 632
NACC = RPT * NSUB
RB = 1000
f32 = jnp.float32
i32 = jnp.int32


def _sc_compiler_params():
    cp = pltpu.CompilerParams(use_tc_tiling_on_sc=False)
    if "needs_layout_passes" in pltpu.CompilerParams.__dataclass_fields__:
        cp = dataclasses.replace(cp, needs_layout_passes=False)
    return cp


def _tc1_body(x_ref, w_ref, as_ref, ad_ref, h_ref, asp_ref, adp_ref):
    h = jnp.dot(x_ref[...], w_ref[...], preferred_element_type=f32)
    h_ref[...] = h
    asp_ref[...] = jnp.dot(h, as_ref[...], preferred_element_type=f32)
    adp_ref[...] = jnp.dot(h, ad_ref[...], preferred_element_type=f32)


def _tc1(x, W1, Asp, Adp):
    return pl.pallas_call(
        _tc1_body,
        grid=(N // RB,),
        in_specs=[
            pl.BlockSpec((RB, D), lambda i: (i, 0)),
            pl.BlockSpec((D, F1), lambda i: (0, 0)),
            pl.BlockSpec((F1, 16), lambda i: (0, 0)),
            pl.BlockSpec((F1, 16), lambda i: (0, 0)),
        ],
        out_specs=[
            pl.BlockSpec((RB, F1), lambda i: (i, 0)),
            pl.BlockSpec((RB, 16), lambda i: (i, 0)),
            pl.BlockSpec((RB, 16), lambda i: (i, 0)),
        ],
        out_shape=[
            jax.ShapeDtypeStruct((N, F1), f32),
            jax.ShapeDtypeStruct((N, 16), f32),
            jax.ShapeDtypeStruct((N, 16), f32),
        ],
    )(x, W1, Asp, Adp)


def _sc1_body(h_hbm, as_hbm, ad_hbm, eidx_hbm, out0, out1,
              idxb, hv, av, bv, msg, tidx, acc,
              gsem, ssem, isem):
    cid = lax.axis_index("c")
    sid = lax.axis_index("s")
    wid = cid * NSUB + sid
    lane = lax.iota(i32, 16)
    zeros16 = jnp.zeros((16,), f32)

    i1 = pltpu.async_copy(eidx_hbm.at[pl.ds(wid * CPW, CPW)],
                          idxb.at[pl.ds(0, CPW)], isem)

    for b in range(2):
        @pl.loop(0, CHUNK)
        def _z(k):
            for off in range(0, 80, 16):
                msg[b, k, pl.ds(off, 16)] = zeros16

    @pl.loop(0, 8)
    def _zt(k):
        tidx[pl.ds(k * 16, 16)] = lane * 0 + N

    r0 = sid * RPT
    for t in range(4):
        pltpu.sync_copy(msg.at[0], acc.at[pl.ds(r0 + t * CHUNK, CHUNK)])
    pltpu.sync_copy(msg.at[0].at[pl.ds(0, RPT - 4 * CHUNK)],
                    acc.at[pl.ds(r0 + 4 * CHUNK, RPT - 4 * CHUNK)])
    i1.wait()

    @pl.when(wid < XW)
    def _xtra_idx():
        pltpu.sync_copy(eidx_hbm.at[pl.ds(NW * CPW + wid, 1)],
                        idxb.at[pl.ds(CPW, 1)])

    plsc.subcore_barrier()

    def _gather_descs(g, b, mk):
        return ()

    def gather(g, b):
        return _gather_descs(g, b, pltpu.async_copy)

    def wait_gather(g, b):
        for c in _gather_descs(g, b, pltpu.make_async_copy):
            c.wait()

    def compute(g, b):
        pass

    def scatter(g, b):
        return pltpu.async_copy(msg.at[b].at[pl.ds(0, 8)], acc.at[pl.ds(r0, 8)],
                                ssem.at[b])

    pltpu.async_copy(msg.at[0].at[pl.ds(0, 8)], acc.at[pl.ds(r0, 8)], ssem.at[0])
    pltpu.async_copy(msg.at[1].at[pl.ds(0, 8)], acc.at[pl.ds(r0, 8)], ssem.at[1])
    gather(0, 0)

    @pl.loop(0, CPW // 2)
    def _pipe(t):
        g0 = t * 2
        wait_gather(g0, 0)
        gather(g0 + 1, 1)
        pltpu.make_async_copy(msg.at[0].at[pl.ds(0, 8)], acc.at[pl.ds(r0, 8)], ssem.at[0]).wait()
        compute(g0, 0)
        scatter(g0, 0)

        wait_gather(g0 + 1, 1)

        @pl.when(t < CPW // 2 - 1)
        def _nx():
            gather(g0 + 2, 0)

        pltpu.make_async_copy(msg.at[1].at[pl.ds(0, 8)], acc.at[pl.ds(r0, 8)], ssem.at[1]).wait()
        compute(g0 + 1, 1)
        scatter(g0 + 1, 1)

    pltpu.make_async_copy(msg.at[0].at[pl.ds(0, 8)], acc.at[pl.ds(r0, 8)], ssem.at[0]).wait()
    pltpu.make_async_copy(msg.at[1].at[pl.ds(0, 8)], acc.at[pl.ds(r0, 8)], ssem.at[1]).wait()

    @pl.when(wid < XW)
    def _extra():
        wait_gather_x = gather(CPW, 0)
        for c in wait_gather_x:
            c.wait()
        compute(CPW, 0)
        pltpu.sync_copy(msg.at[0], acc.at[idxb.at[CPW, 1]], add=True)

    plsc.subcore_barrier()

    @pl.when(cid == 0)
    def _o0():
        pltpu.sync_copy(acc.at[pl.ds(r0, RPT)],
                        out0.at[pl.ds(r0, RPT), pl.ds(0, 80)])

    @pl.when(cid == 1)
    def _o1():
        pltpu.sync_copy(acc.at[pl.ds(r0, RPT)],
                        out1.at[pl.ds(r0, RPT), pl.ds(0, 80)])


def _sc1(h1, asp, adp, eidx3):
    mesh = plsc.VectorSubcoreMesh(core_axis_name="c", subcore_axis_name="s",
                                  num_cores=NCORES, num_subcores=NSUB)
    acc_ty = jax.ShapeDtypeStruct((NACC, 128), f32)
    kern = pl.kernel(
        _sc1_body,
        out_type=[acc_ty, acc_ty],
        mesh=mesh,
        scratch_types=[
            pltpu.VMEM((CPW + 1, 2, CHUNK), i32),
            pltpu.VMEM((2, CHUNK, F1), f32),
            pltpu.VMEM((2, CHUNK, 16), f32),
            pltpu.VMEM((2, CHUNK, 16), f32),
            pltpu.VMEM((2, CHUNK, 80), f32),
            pltpu.VMEM((CHUNK,), i32),
            pltpu.VMEM_SHARED((NACC, 80), f32),
            pltpu.SemaphoreType.DMA((2,)),
            pltpu.SemaphoreType.DMA((2,)),
            pltpu.SemaphoreType.DMA,
        ],
        compiler_params=_sc_compiler_params(),
    )
    return kern(h1, asp, adp, eidx3)


def _tc2_body(p0_ref, p1_ref, h_ref, asp_ref, adp_ref, e8_ref, b1_ref,
              w2t_ref, c12_ref, t2_ref):
    asum = asp_ref[...] + adp_ref[...]
    e = jnp.exp(jnp.where(asum > 0.0, asum, 0.2 * asum))
    den16 = p0_ref[:, 64:80] + p1_ref[:, 64:80] + e
    e64 = jnp.dot(e, e8_ref[...], preferred_element_type=f32)
    den64 = jnp.dot(den16, e8_ref[...], preferred_element_type=f32)
    num = p0_ref[:, 0:64] + p1_ref[:, 0:64] + e64 * h_ref[...]
    o1 = num / den64 + b1_ref[...]
    o1 = jnp.where(o1 > 0.0, o1, jnp.exp(o1) - 1.0)
    t2_ref[...] = (jnp.dot(o1, w2t_ref[...], preferred_element_type=f32)
                   + c12_ref[...])


def _tc2(p0, p1, h1, asp, adp, E8p, b1r, W2t, c12):
    return pl.pallas_call(
        _tc2_body,
        grid=(N // RB,),
        in_specs=[
            pl.BlockSpec((RB, 128), lambda i: (i, 0)),
            pl.BlockSpec((RB, 128), lambda i: (i, 0)),
            pl.BlockSpec((RB, F1), lambda i: (i, 0)),
            pl.BlockSpec((RB, 16), lambda i: (i, 0)),
            pl.BlockSpec((RB, 16), lambda i: (i, 0)),
            pl.BlockSpec((16, F1), lambda i: (0, 0)),
            pl.BlockSpec((1, F1), lambda i: (0, 0)),
            pl.BlockSpec((F1, 16), lambda i: (0, 0)),
            pl.BlockSpec((1, 16), lambda i: (0, 0)),
        ],
        out_specs=pl.BlockSpec((RB, 16), lambda i: (i, 0)),
        out_shape=jax.ShapeDtypeStruct((N, 16), f32),
    )(p0, p1, h1, asp, adp, E8p, b1r, W2t, c12)


def _sc2_body(t2_hbm, eidx_hbm, out0, out1,
              idxb, sv, dv, ev1, msg, tidx, acc,
              gsem, ssem, isem):
    cid = lax.axis_index("c")
    sid = lax.axis_index("s")
    wid = cid * NSUB + sid
    lane = lax.iota(i32, 16)
    zeros16 = jnp.zeros((16,), f32)
    ten = jnp.full((16,), 10, i32)
    eleven = jnp.full((16,), 11, i32)

    i1 = pltpu.async_copy(eidx_hbm.at[pl.ds(wid * CPW, CPW)],
                          idxb.at[pl.ds(0, CPW)], isem)

    for b in range(2):
        @pl.loop(0, CHUNK)
        def _z(k):
            msg[b, k, :] = zeros16

    @pl.loop(0, 8)
    def _zt(k):
        tidx[pl.ds(k * 16, 16)] = lane * 0 + N

    r0 = sid * RPT
    for t in range(4):
        pltpu.sync_copy(msg.at[0], acc.at[pl.ds(r0 + t * CHUNK, CHUNK)])
    pltpu.sync_copy(msg.at[0].at[pl.ds(0, RPT - 4 * CHUNK)],
                    acc.at[pl.ds(r0 + 4 * CHUNK, RPT - 4 * CHUNK)])
    i1.wait()

    @pl.when(wid < XW)
    def _xtra_idx():
        pltpu.sync_copy(eidx_hbm.at[pl.ds(NW * CPW + wid, 1)],
                        idxb.at[pl.ds(CPW, 1)])

    plsc.subcore_barrier()

    def gather(g, b):
        pltpu.async_copy(t2_hbm.at[idxb.at[g, 0]], sv.at[b], gsem.at[b])
        pltpu.async_copy(t2_hbm.at[idxb.at[g, 1]], dv.at[b], gsem.at[b])

    def wait_gather(g, b):
        pltpu.make_async_copy(t2_hbm.at[idxb.at[g, 0]], sv.at[b],
                              gsem.at[b]).wait()
        pltpu.make_async_copy(t2_hbm.at[idxb.at[g, 1]], dv.at[b],
                              gsem.at[b]).wait()

    def compute(g, b):
        @plsc.parallel_loop(0, CHUNK // 16, unroll=2)
        def _e16(i):
            rows = lane + i * 16
            a = plsc.load_gather(sv.at[b], [rows, ten])
            bb = plsc.load_gather(dv.at[b], [rows, eleven])
            al = a + bb
            ev1[pl.ds(i * 16, 16)] = jnp.exp(
                jnp.where(al > 0.0, al, 0.2 * al))

        @plsc.parallel_loop(0, CHUNK, unroll=4)
        def _edge(k):
            ebc = plsc.load_gather(ev1, [jnp.full((16,), 0, i32) + k])
            msg[b, k, :] = ebc * sv[b, k, :]

    def scatter(g, b):
        pltpu.async_copy(msg.at[b], acc.at[idxb.at[g, 1]], ssem.at[b],
                         add=True)

    def wait_scatter(b):
        pltpu.make_async_copy(msg.at[b], acc.at[tidx], ssem.at[b]).wait()

    pltpu.async_copy(msg.at[0], acc.at[tidx], ssem.at[0], add=True)
    pltpu.async_copy(msg.at[1], acc.at[tidx], ssem.at[1], add=True)
    gather(0, 0)

    @pl.loop(0, CPW // 2)
    def _pipe(t):
        g0 = t * 2
        wait_gather(g0, 0)
        gather(g0 + 1, 1)
        wait_scatter(0)
        compute(g0, 0)
        scatter(g0, 0)

        wait_gather(g0 + 1, 1)

        @pl.when(t < CPW // 2 - 1)
        def _nx():
            gather(g0 + 2, 0)

        wait_scatter(1)
        compute(g0 + 1, 1)
        scatter(g0 + 1, 1)

    wait_scatter(0)
    wait_scatter(1)

    @pl.when(wid < XW)
    def _extra():
        gather(CPW, 0)
        wait_gather(CPW, 0)
        compute(CPW, 0)
        pltpu.sync_copy(msg.at[0], acc.at[idxb.at[CPW, 1]], add=True)

    plsc.subcore_barrier()

    @pl.when(cid == 0)
    def _o0():
        pltpu.sync_copy(acc.at[pl.ds(r0, RPT)],
                        out0.at[pl.ds(r0, RPT), pl.ds(0, 16)])

    @pl.when(cid == 1)
    def _o1():
        pltpu.sync_copy(acc.at[pl.ds(r0, RPT)],
                        out1.at[pl.ds(r0, RPT), pl.ds(0, 16)])


def _sc2(t2, eidx3):
    mesh = plsc.VectorSubcoreMesh(core_axis_name="c", subcore_axis_name="s",
                                  num_cores=NCORES, num_subcores=NSUB)
    acc_ty = jax.ShapeDtypeStruct((NACC, 128), f32)
    kern = pl.kernel(
        _sc2_body,
        out_type=[acc_ty, acc_ty],
        mesh=mesh,
        scratch_types=[
            pltpu.VMEM((CPW + 1, 2, CHUNK), i32),
            pltpu.VMEM((2, CHUNK, 16), f32),
            pltpu.VMEM((2, CHUNK, 16), f32),
            pltpu.VMEM((CHUNK,), f32),
            pltpu.VMEM((2, CHUNK, 16), f32),
            pltpu.VMEM((CHUNK,), i32),
            pltpu.VMEM_SHARED((NACC, 16), f32),
            pltpu.SemaphoreType.DMA((2,)),
            pltpu.SemaphoreType.DMA((2,)),
            pltpu.SemaphoreType.DMA,
        ],
        compiler_params=_sc_compiler_params(),
    )
    return kern(t2, eidx3)


def _tc3_body(q0_ref, q1_ref, t2_ref, u_ref, u10_ref, b2_ref, o_ref):
    t2 = t2_ref[...]
    q = q0_ref[:, 0:16] + q1_ref[:, 0:16]
    s16 = jnp.dot(t2, u_ref[...], preferred_element_type=f32)
    e = jnp.exp(jnp.where(s16 > 0.0, s16, 0.2 * s16))
    den = jnp.dot(q, u10_ref[...], preferred_element_type=f32) + e
    o = (q + e * t2) / den + b2_ref[...]
    col = lax.broadcasted_iota(i32, o.shape, 1)
    o = jnp.where(col < NC, o, -1e30)
    m = jnp.max(o, axis=1, keepdims=True)
    lse = jnp.log(jnp.sum(jnp.exp(o - m), axis=1, keepdims=True)) + m
    o_ref[...] = (o - lse)[:, 0:NC]


def _tc3(q0, q1, t2, u_all, u10, b2p):
    return pl.pallas_call(
        _tc3_body,
        grid=(N // RB,),
        in_specs=[
            pl.BlockSpec((RB, 128), lambda i: (i, 0)),
            pl.BlockSpec((RB, 128), lambda i: (i, 0)),
            pl.BlockSpec((RB, 16), lambda i: (i, 0)),
            pl.BlockSpec((16, 16), lambda i: (0, 0)),
            pl.BlockSpec((16, 16), lambda i: (0, 0)),
            pl.BlockSpec((1, 16), lambda i: (0, 0)),
        ],
        out_specs=pl.BlockSpec((RB, NC), lambda i: (i, 0)),
        out_shape=jax.ShapeDtypeStruct((N, NC), f32),
    )(q0, q1, t2, u_all, u10, b2p)


def kernel(x, edge_index, W1, att_src1, att_dst1, b1, W2, att_src2, att_dst2,
           b2):
    eidx3 = edge_index.astype(i32).reshape(2, NCH, CHUNK).transpose(1, 0, 2)

    eye8 = jnp.eye(H1, dtype=f32)
    As = (att_src1.reshape(H1, C1)[:, :, None] * eye8[:, None, :]).reshape(F1, H1)
    Ad = (att_dst1.reshape(H1, C1)[:, :, None] * eye8[:, None, :]).reshape(F1, H1)
    Asp = jnp.pad(As, ((0, 0), (0, 8)))
    Adp = jnp.pad(Ad, ((0, 0), (0, 8)))
    E8p = jnp.concatenate(
        [jnp.kron(eye8, jnp.ones((1, C1), f32)), jnp.zeros((8, F1), f32)],
        axis=0)
    P = jnp.zeros((NC, 16), f32).at[:, :NC].set(jnp.eye(NC, dtype=f32))
    P = P.at[:, 10].set(att_src2.reshape(NC)).at[:, 11].set(att_dst2.reshape(NC))
    W2t = jnp.dot(W2, P, preferred_element_type=f32)
    b1r = b1.reshape(1, F1)
    b2p = jnp.zeros((1, 16), f32).at[0, :NC].set(b2)
    c12 = jnp.zeros((1, 16), f32).at[0, 12].set(1.0)
    u_all = jnp.zeros((16, 16), f32).at[10, :].set(1.0).at[11, :].set(1.0)
    u10 = jnp.zeros((16, 16), f32).at[12, :].set(1.0)

    h1, asp1, adp1 = _tc1(x, W1, Asp, Adp)
    p0, p1 = _sc1(h1, asp1, adp1, eidx3)
    t2 = _tc2(p0, p1, h1, asp1, adp1, E8p, b1r, W2t, c12)
    q0, q1 = _sc2(t2, eidx3)
    return _tc3(q0, q1, t2, u_all, u10, b2p)

# --- scband reference (transcript-rebuilt; emitter-appended) ---
"""Pipeline reference for scband-gat-63007170232683 (READ-ONLY COPY).

The authoritative reference and input builder live on the scoring server;
editing this copy changes nothing except your own understanding.
"""

import jax, jax.numpy as jnp
import numpy as np

N_NODES = 10000
N_EDGES = 320000
D_FEAT = 128
H1 = 8
C1 = 8
H2 = 1
NUM_CLASSES = 10


def gat_conv(x, edge_index, W, att_src, att_dst, bias, heads, out_ch, concat):
    N = x.shape[0]
    src = edge_index[0]
    dst = edge_index[1]
    # add self loops (PyG GATConv default add_self_loops=True)
    loop = jnp.arange(N, dtype=src.dtype)
    src = jnp.concatenate([src, loop])
    dst = jnp.concatenate([dst, loop])
    h = (x @ W).reshape(N, heads, out_ch)
    a_src = (h * att_src).sum(-1)  # [N, H]
    a_dst = (h * att_dst).sum(-1)  # [N, H]
    alpha = a_src[src] + a_dst[dst]  # [E, H]
    alpha = jax.nn.leaky_relu(alpha, negative_slope=0.2)
    # segment softmax over incoming edges per dst node
    m = jax.ops.segment_max(alpha, dst, num_segments=N)
    alpha = jnp.exp(alpha - m[dst])
    denom = jax.ops.segment_sum(alpha, dst, num_segments=N)
    alpha = alpha / (denom[dst] + 1e-16)
    msg = h[src] * alpha[..., None]  # [E, H, C]
    out = jax.ops.segment_sum(msg, dst, num_segments=N)  # [N, H, C]
    if concat:
        out = out.reshape(N, heads * out_ch)
    else:
        out = out.mean(axis=1)
    return out + bias


def setup_inputs(seed: int = 0) -> dict:
    key = jax.random.key(seed)
    ks = [jax.random.fold_in(key, i) for i in range(12)]
    x = jax.random.normal(ks[0], (N_NODES, D_FEAT), dtype=jnp.float32)
    edge_index = jax.random.randint(ks[1], (2, N_EDGES), 0, N_NODES, dtype=jnp.int64)
    W1 = jax.random.normal(ks[2], (D_FEAT, H1 * C1), dtype=jnp.float32) * (1.0 / np.sqrt(D_FEAT))
    att_src1 = jax.random.normal(ks[3], (1, H1, C1), dtype=jnp.float32) * 0.1
    att_dst1 = jax.random.normal(ks[4], (1, H1, C1), dtype=jnp.float32) * 0.1
    b1 = jnp.zeros((H1 * C1,), dtype=jnp.float32)
    W2 = jax.random.normal(ks[5], (H1 * C1, H2 * NUM_CLASSES), dtype=jnp.float32) * (1.0 / np.sqrt(H1 * C1))
    att_src2 = jax.random.normal(ks[6], (1, H2, NUM_CLASSES), dtype=jnp.float32) * 0.1
    att_dst2 = jax.random.normal(ks[7], (1, H2, NUM_CLASSES), dtype=jnp.float32) * 0.1
    b2 = jnp.zeros((NUM_CLASSES,), dtype=jnp.float32)
    return {"x": x, "edge_index": edge_index, "W1": W1, "att_src1": att_src1,
            "att_dst1": att_dst1, "b1": b1, "W2": W2, "att_src2": att_src2,
            "att_dst2": att_dst2, "b2": b2}


def reference(x, edge_index, W1, att_src1, att_dst1, b1, W2, att_src2, att_dst2, b2):
    # eval mode: F.dropout is identity; GATConv attention dropout disabled
    h = gat_conv(x, edge_index, W1, att_src1, att_dst1, b1, H1, C1, True)
    h = jax.nn.elu(h)
    h = gat_conv(h, edge_index, W2, att_src2, att_dst2, b2, H2, NUM_CLASSES, False)
    return jax.nn.log_softmax(h, axis=1)

if __name__ == "__main__":
    import jax
    _d = setup_inputs()
    print(jax.jit(kernel)(*tuple(_d.values())))

</pallas_src>

<mosaic_0001>
#map = affine_map<(d0, d1) -> (0, 0)>
#map1 = affine_map<(d0, d1) -> (0, 0, 0)>
module attributes {stable_mosaic.version = 14 : i64} {
  func.func @_sc1_body(%arg0: i32, %arg1: i32, %arg2: memref<10000x64xf32, #tpu.memory_space<hbm>>, %arg3: memref<10000x16xf32, #tpu.memory_space<hbm>>, %arg4: memref<10000x16xf32, #tpu.memory_space<hbm>>, %arg5: memref<2500x2x128xi32, #tpu.memory_space<hbm>>, %arg6: memref<10112x128xf32, #tpu.memory_space<hbm>>, %arg7: memref<10112x128xf32, #tpu.memory_space<hbm>>, %arg8: memref<79x2x128xi32, #tpu.memory_space<vmem>>, %arg9: memref<2x128x64xf32, #tpu.memory_space<vmem>>, %arg10: memref<2x128x16xf32, #tpu.memory_space<vmem>>, %arg11: memref<2x128x16xf32, #tpu.memory_space<vmem>>, %arg12: memref<2x128x80xf32, #tpu.memory_space<vmem>>, %arg13: memref<128xi32, #tpu.memory_space<vmem>>, %arg14: memref<10112x80xf32, #tpu.memory_space<vmem_shared>>, %arg15: memref<2x!tpu.dma_semaphore, #tpu.memory_space<semaphore_mem>>, %arg16: memref<2x!tpu.dma_semaphore, #tpu.memory_space<semaphore_mem>>, %arg17: memref<!tpu.dma_semaphore, #tpu.memory_space<semaphore_mem>>) attributes {dimension_semantics = [#tpu.dimension_semantics<core_parallel>, #tpu.dimension_semantics<subcore_parallel>], iteration_bounds = array<i64: 2, 16>, scalar_prefetch = 0 : i64, scratch_operands = 10 : i64, tpu.core_type = #tpu.core_type<sc_vector_subcore>, window_params = [{transform_indices = #map}, {transform_indices = #map}, {transform_indices = #map}, {transform_indices = #map1}, {transform_indices = #map}, {transform_indices = #map}]} {
    %mul3A = arith.constant 16 : i32
    %mul3A_0 = arith.muli %arg0, %mul3A : i32
    %add3A = arith.addi %mul3A_0, %arg1 : i32
    %iota3A = tpu.iota {dimensions = array<i32: 0>} : vector<16xi32>
    %broadcast_in_dim3A = arith.constant 0.000000e+00 : f32
    %broadcast_in_dim3A_1 = vector.broadcast %broadcast_in_dim3A : f32 to vector<16xf32>
    %mul3A_2 = arith.constant 78 : i32
    %mul3A_3 = arith.muli %add3A, %mul3A_2 : i32
    %dma_start3A = arith.constant 0 : i32
    %dma_start3A_4 = arith.constant 0 : i32
    %dma_start3A_5 = arith.constant 0 : i32
    %dma_start3A_6 = tpu.memref_slice %arg8[%dma_start3A, %dma_start3A_4, %dma_start3A_5] : memref<79x2x128xi32, #tpu.memory_space<vmem>> -> memref<78x2x128xi32, #tpu.memory_space<vmem>>
    %dma_start3A_7 = arith.constant 0 : i32
    %dma_start3A_8 = arith.constant 0 : i32
    %dma_start3A_9 = tpu.memref_slice %arg5[%mul3A_3, %dma_start3A_7, %dma_start3A_8] : memref<2500x2x128xi32, #tpu.memory_space<hbm>> -> memref<78x2x128xi32, #tpu.memory_space<hbm>>
    %dma_start3A_10 = arith.constant 0 : i32
    %dma_start3A_11 = arith.constant 0 : i32
    %dma_start3A_12 = arith.constant 0 : i32
    %dma_start3A_13 = tpu.memref_slice %arg8[%dma_start3A_10, %dma_start3A_11, %dma_start3A_12] : memref<79x2x128xi32, #tpu.memory_space<vmem>> -> memref<78x2x128xi32, #tpu.memory_space<vmem>>
    %dma_start3A_14 = arith.constant 0 : i32
    %dma_start3A_15 = arith.constant 0 : i32
    %dma_start3A_16 = tpu.memref_slice %arg5[%mul3A_3, %dma_start3A_14, %dma_start3A_15] : memref<2500x2x128xi32, #tpu.memory_space<hbm>> -> memref<78x2x128xi32, #tpu.memory_space<hbm>>
    tpu.enqueue_dma source(%dma_start3A_16 : memref<78x2x128xi32, #tpu.memory_space<hbm>>) target(%dma_start3A_13 : memref<78x2x128xi32, #tpu.memory_space<vmem>>) target_semaphore(%arg17 : memref<!tpu.dma_semaphore, #tpu.memory_space<semaphore_mem>>)
    %scan3A = arith.constant 0 : i32
    %scan3A_17 = arith.constant 128 : i32
    %scan3A_18 = arith.addi %scan3A, %scan3A_17 : i32
    %scan3A_19 = arith.constant 1 : i32
    scf.for %scan3A_170 = %scan3A to %scan3A_18 step %scan3A_19  : i32 {
      %mul3A_171 = arith.constant 1 : i32
      %mul3A_172 = arith.muli %scan3A_170, %mul3A_171 : i32
      %add3A_173 = arith.constant 0 : i32
      %add3A_174 = arith.addi %add3A_173, %mul3A_172 : i32
      %swap3A = arith.constant 0 : i32
      %swap3A_175 = arith.index_cast %swap3A : i32 to index
      %swap3A_176 = arith.index_cast %add3A_174 : i32 to index
      %swap3A_177 = arith.constant 0 : index
      %swap3A_178 = tpu.vector_load %arg12[%swap3A_175, %swap3A_176, %swap3A_177] {strides = array<i32>} : memref<2x128x80xf32, #tpu.memory_space<vmem>>, vector<16xf32>,
      tpu.vector_store %arg12[%swap3A_175, %swap3A_176, %swap3A_177], %broadcast_in_dim3A_1 {strides = array<i32>} : memref<2x128x80xf32, #tpu.memory_space<vmem>>, vector<16xf32>,
      %swap3A_179 = arith.constant 0 : i32
      %swap3A_180 = arith.index_cast %swap3A_179 : i32 to index
      %swap3A_181 = arith.index_cast %add3A_174 : i32 to index
      %swap3A_182 = arith.constant 16 : index
      %swap3A_183 = tpu.vector_load %arg12[%swap3A_180, %swap3A_181, %swap3A_182] {strides = array<i32>} : memref<2x128x80xf32, #tpu.memory_space<vmem>>, vector<16xf32>,
      tpu.vector_store %arg12[%swap3A_180, %swap3A_181, %swap3A_182], %broadcast_in_dim3A_1 {strides = array<i32>} : memref<2x128x80xf32, #tpu.memory_space<vmem>>, vector<16xf32>,
      %swap3A_184 = arith.constant 0 : i32
      %swap3A_185 = arith.index_cast %swap3A_184 : i32 to index
      %swap3A_186 = arith.index_cast %add3A_174 : i32 to index
      %swap3A_187 = arith.constant 32 : index
      %swap3A_188 = tpu.vector_load %arg12[%swap3A_185, %swap3A_186, %swap3A_187] {strides = array<i32>} : memref<2x128x80xf32, #tpu.memory_space<vmem>>, vector<16xf32>,
      tpu.vector_store %arg12[%swap3A_185, %swap3A_186, %swap3A_187], %broadcast_in_dim3A_1 {strides = array<i32>} : memref<2x128x80xf32, #tpu.memory_space<vmem>>, vector<16xf32>,
      %swap3A_189 = arith.constant 0 : i32
      %swap3A_190 = arith.index_cast %swap3A_189 : i32 to index
      %swap3A_191 = arith.index_cast %add3A_174 : i32 to index
      %swap3A_192 = arith.constant 48 : index
      %swap3A_193 = tpu.vector_load %arg12[%swap3A_190, %swap3A_191, %swap3A_192] {strides = array<i32>} : memref<2x128x80xf32, #tpu.memory_space<vmem>>, vector<16xf32>,
      tpu.vector_store %arg12[%swap3A_190, %swap3A_191, %swap3A_192], %broadcast_in_dim3A_1 {strides = array<i32>} : memref<2x128x80xf32, #tpu.memory_space<vmem>>, vector<16xf32>,
      %swap3A_194 = arith.constant 0 : i32
      %swap3A_195 = arith.index_cast %swap3A_194 : i32 to index
      %swap3A_196 = arith.index_cast %add3A_174 : i32 to index
      %swap3A_197 = arith.constant 64 : index
      %swap3A_198 = tpu.vector_load %arg12[%swap3A_195, %swap3A_196, %swap3A_197] {strides = array<i32>} : memref<2x128x80xf32, #tpu.memory_space<vmem>>, vector<16xf32>,
      tpu.vector_store %arg12[%swap3A_195, %swap3A_196, %swap3A_197], %broadcast_in_dim3A_1 {strides = array<i32>} : memref<2x128x80xf32, #tpu.memory_space<vmem>>, vector<16xf32>,
    }
    %scan3A_20 = arith.constant 128 : i32
    %scan3A_21 = arith.constant 0 : i32
    %scan3A_22 = arith.constant 128 : i32
    %scan3A_23 = arith.addi %scan3A_21, %scan3A_22 : i32
    %scan3A_24 = arith.constant 1 : i32
    scf.for %scan3A_170 = %scan3A_21 to %scan3A_23 step %scan3A_24  : i32 {
      %mul3A_171 = arith.constant 1 : i32
      %mul3A_172 = arith.muli %scan3A_170, %mul3A_171 : i32
      %add3A_173 = arith.constant 0 : i32
      %add3A_174 = arith.addi %add3A_173, %mul3A_172 : i32
      %swap3A = arith.constant 1 : i32
      %swap3A_175 = arith.index_cast %swap3A : i32 to index
      %swap3A_176 = arith.index_cast %add3A_174 : i32 to index
      %swap3A_177 = arith.constant 0 : index
      %swap3A_178 = tpu.vector_load %arg12[%swap3A_175, %swap3A_176, %swap3A_177] {strides = array<i32>} : memref<2x128x80xf32, #tpu.memory_space<vmem>>, vector<16xf32>,
      tpu.vector_store %arg12[%swap3A_175, %swap3A_176, %swap3A_177], %broadcast_in_dim3A_1 {strides = array<i32>} : memref<2x128x80xf32, #tpu.memory_space<vmem>>, vector<16xf32>,
      %swap3A_179 = arith.constant 1 : i32
      %swap3A_180 = arith.index_cast %swap3A_179 : i32 to index
      %swap3A_181 = arith.index_cast %add3A_174 : i32 to index
      %swap3A_182 = arith.constant 16 : index
      %swap3A_183 = tpu.vector_load %arg12[%swap3A_180, %swap3A_181, %swap3A_182] {strides = array<i32>} : memref<2x128x80xf32, #tpu.memory_space<vmem>>, vector<16xf32>,
      tpu.vector_store %arg12[%swap3A_180, %swap3A_181, %swap3A_182], %broadcast_in_dim3A_1 {strides = array<i32>} : memref<2x128x80xf32, #tpu.memory_space<vmem>>, vector<16xf32>,
      %swap3A_184 = arith.constant 1 : i32
      %swap3A_185 = arith.index_cast %swap3A_184 : i32 to index
      %swap3A_186 = arith.index_cast %add3A_174 : i32 to index
      %swap3A_187 = arith.constant 32 : index
      %swap3A_188 = tpu.vector_load %arg12[%swap3A_185, %swap3A_186, %swap3A_187] {strides = array<i32>} : memref<2x128x80xf32, #tpu.memory_space<vmem>>, vector<16xf32>,
      tpu.vector_store %arg12[%swap3A_185, %swap3A_186, %swap3A_187], %broadcast_in_dim3A_1 {strides = array<i32>} : memref<2x128x80xf32, #tpu.memory_space<vmem>>, vector<16xf32>,
      %swap3A_189 = arith.constant 1 : i32
      %swap3A_190 = arith.index_cast %swap3A_189 : i32 to index
      %swap3A_191 = arith.index_cast %add3A_174 : i32 to index
      %swap3A_192 = arith.constant 48 : index
      %swap3A_193 = tpu.vector_load %arg12[%swap3A_190, %swap3A_191, %swap3A_192] {strides = array<i32>} : memref<2x128x80xf32, #tpu.memory_space<vmem>>, vector<16xf32>,
      tpu.vector_store %arg12[%swap3A_190, %swap3A_191, %swap3A_192], %broadcast_in_dim3A_1 {strides = array<i32>} : memref<2x128x80xf32, #tpu.memory_space<vmem>>, vector<16xf32>,
      %swap3A_194 = arith.constant 1 : i32
      %swap3A_195 = arith.index_cast %swap3A_194 : i32 to index
      %swap3A_196 = arith.index_cast %add3A_174 : i32 to index
      %swap3A_197 = arith.constant 64 : index
      %swap3A_198 = tpu.vector_load %arg12[%swap3A_195, %swap3A_196, %swap3A_197] {strides = array<i32>} : memref<2x128x80xf32, #tpu.memory_space<vmem>>, vector<16xf32>,
      tpu.vector_store %arg12[%swap3A_195, %swap3A_196, %swap3A_197], %broadcast_in_dim3A_1 {strides = array<i32>} : memref<2x128x80xf32, #tpu.memory_space<vmem>>, vector<16xf32>,
    }
    %scan3A_25 = arith.constant 128 : i32
    %scan3A_26 = arith.constant 0 : i32
    %scan3A_27 = arith.constant 8 : i32
    %scan3A_28 = arith.addi %scan3A_26, %scan3A_27 : i32
    %scan3A_29 = arith.constant 1 : i32
    scf.for %scan3A_170 = %scan3A_26 to %scan3A_28 step %scan3A_29  : i32 {
      %mul3A_171 = arith.constant 1 : i32
      %mul3A_172 = arith.muli %scan3A_170, %mul3A_171 : i32
      %add3A_173 = arith.constant 0 : i32
      %add3A_174 = arith.addi %add3A_173, %mul3A_172 : i32
      %mul3A_175 = arith.constant 0 : i32
      %mul3A_176 = vector.broadcast %mul3A_175 : i32 to vector<16xi32>
      %mul3A_177 = arith.muli %iota3A, %mul3A_176 : vector<16xi32>
      %add3A_178 = arith.constant 10000 : i32
      %add3A_179 = vector.broadcast %add3A_178 : i32 to vector<16xi32>
      %add3A_180 = arith.addi %mul3A_177, %add3A_179 : vector<16xi32>
      %mul3A_181 = arith.constant 16 : i32
      %mul3A_182 = arith.muli %add3A_174, %mul3A_181 : i32
      %swap3A = arith.index_cast %mul3A_182 : i32 to index
      %swap3A_183 = tpu.vector_load %arg13[%swap3A] {strides = array<i32>} : memref<128xi32, #tpu.memory_space<vmem>>, vector<16xi32>,
      tpu.vector_store %arg13[%swap3A], %add3A_180 {strides = array<i32>} : memref<128xi32, #tpu.memory_space<vmem>>, vector<16xi32>,
    }
    %scan3A_30 = arith.constant 8 : i32
    %mul3A_31 = arith.constant 632 : i32
    %mul3A_32 = arith.muli %arg1, %mul3A_31 : i32
    %add3A_33 = arith.constant 0 : i32
    %add3A_34 = arith.addi %mul3A_32, %add3A_33 : i32
    %run_scoped3A = arith.constant 0 : i32
    "tpu.region"() ({
      %run_scoped3A_170 = tpu.sem_alloc : memref<!tpu.dma_semaphore, #tpu.memory_space<semaphore_mem>>
      %dma_start3A_171 = arith.constant 0 : i32
      %dma_start3A_172 = arith.constant 0 : i32
      %dma_start3A_173 = tpu.memref_slice %arg12[%run_scoped3A, %dma_start3A_171, %dma_start3A_172] : memref<2x128x80xf32, #tpu.memory_space<vmem>> -> memref<1x128x80xf32, #tpu.memory_space<vmem>>
      %dma_start3A_174 = tpu.memref_squeeze %dma_start3A_173 : memref<1x128x80xf32, #tpu.memory_space<vmem>> -> memref<128x80xf32, #tpu.memory_space<vmem>>
      %dma_start3A_175 = arith.constant 0 : i32
      %dma_start3A_176 = tpu.memref_slice %arg14[%add3A_34, %dma_start3A_175] : memref<10112x80xf32, #tpu.memory_space<vmem_shared>> -> memref<128x80xf32, #tpu.memory_space<vmem_shared>>
      %dma_start3A_177 = arith.constant 0 : i32
      %dma_start3A_178 = tpu.memref_slice %arg14[%add3A_34, %dma_start3A_177] : memref<10112x80xf32, #tpu.memory_space<vmem_shared>> -> memref<128x80xf32, #tpu.memory_space<vmem_shared>>
      %dma_start3A_179 = arith.constant 0 : i32
      %dma_start3A_180 = arith.constant 0 : i32
      %dma_start3A_181 = tpu.memref_slice %arg12[%run_scoped3A, %dma_start3A_179, %dma_start3A_180] : memref<2x128x80xf32, #tpu.memory_space<vmem>> -> memref<1x128x80xf32, #tpu.memory_space<vmem>>
      %dma_start3A_182 = tpu.memref_squeeze %dma_start3A_181 : memref<1x128x80xf32, #tpu.memory_space<vmem>> -> memref<128x80xf32, #tpu.memory_space<vmem>>
      tpu.enqueue_dma source(%dma_start3A_182 : memref<128x80xf32, #tpu.memory_space<vmem>>) target(%dma_start3A_178 : memref<128x80xf32, #tpu.memory_space<vmem_shared>>) target_semaphore(%run_scoped3A_170 : memref<!tpu.dma_semaphore, #tpu.memory_space<semaphore_mem>>)
      %dma_wait3A_183 = arith.constant 0 : i32
      %dma_wait3A_184 = arith.constant 0 : i32
      %dma_wait3A_185 = tpu.memref_slice %arg12[%run_scoped3A, %dma_wait3A_183, %dma_wait3A_184] : memref<2x128x80xf32, #tpu.memory_space<vmem>> -> memref<1x128x80xf32, #tpu.memory_space<vmem>>
      %dma_wait3A_186 = tpu.memref_squeeze %dma_wait3A_185 : memref<1x128x80xf32, #tpu.memory_space<vmem>> -> memref<128x80xf32, #tpu.memory_space<vmem>>
      %dma_wait3A_187 = arith.constant 0 : i32
      %dma_wait3A_188 = tpu.memref_slice %arg14[%add3A_34, %dma_wait3A_187] : memref<10112x80xf32, #tpu.memory_space<vmem_shared>> -> memref<128x80xf32, #tpu.memory_space<vmem_shared>>
      %dma_wait3A_189 = arith.constant 0 : i32
      %dma_wait3A_190 = tpu.memref_slice %arg14[%add3A_34, %dma_wait3A_189] : memref<10112x80xf32, #tpu.memory_space<vmem_shared>> -> memref<128x80xf32, #tpu.memory_space<vmem_shared>>
      %dma_wait3A_191 = arith.constant 0 : i32
      %dma_wait3A_192 = arith.constant 0 : i32
      %dma_wait3A_193 = tpu.memref_slice %arg12[%run_scoped3A, %dma_wait3A_191, %dma_wait3A_192] : memref<2x128x80xf32, #tpu.memory_space<vmem>> -> memref<1x128x80xf32, #tpu.memory_space<vmem>>
      %dma_wait3A_194 = tpu.memref_squeeze %dma_wait3A_193 : memref<1x128x80xf32, #tpu.memory_space<vmem>> -> memref<128x80xf32, #tpu.memory_space<vmem>>
      tpu.wait_dma2 semaphore(%run_scoped3A_170 : memref<!tpu.dma_semaphore, #tpu.memory_space<semaphore_mem>>) src(%dma_wait3A_194 : memref<128x80xf32, #tpu.memory_space<vmem>>) dst(%dma_wait3A_190 : memref<128x80xf32, #tpu.memory_space<vmem_shared>>)
      tpu.yield
    }) : () -> ()
    %add3A_35 = arith.constant 128 : i32
    %add3A_36 = arith.addi %mul3A_32, %add3A_35 : i32
    %run_scoped3A_37 = arith.constant 0 : i32
    "tpu.region"() ({
      %run_scoped3A_170 = tpu.sem_alloc : memref<!tpu.dma_semaphore, #tpu.memory_space<semaphore_mem>>
      %dma_start3A_171 = arith.constant 0 : i32
      %dma_start3A_172 = arith.constant 0 : i32
      %dma_start3A_173 = tpu.memref_slice %arg12[%run_scoped3A_37, %dma_start3A_171, %dma_start3A_172] : memref<2x128x80xf32, #tpu.memory_space<vmem>> -> memref<1x128x80xf32, #tpu.memory_space<vmem>>
      %dma_start3A_174 = tpu.memref_squeeze %dma_start3A_173 : memref<1x128x80xf32, #tpu.memory_space<vmem>> -> memref<128x80xf32, #tpu.memory_space<vmem>>
      %dma_start3A_175 = arith.constant 0 : i32
      %dma_start3A_176 = tpu.memref_slice %arg14[%add3A_36, %dma_start3A_175] : memref<10112x80xf32, #tpu.memory_space<vmem_shared>> -> memref<128x80xf32, #tpu.memory_space<vmem_shared>>
      %dma_start3A_177 = arith.constant 0 : i32
      %dma_start3A_178 = tpu.memref_slice %arg14[%add3A_36, %dma_start3A_177] : memref<10112x80xf32, #tpu.memory_space<vmem_shared>> -> memref<128x80xf32, #tpu.memory_space<vmem_shared>>
      %dma_start3A_179 = arith.constant 0 : i32
      %dma_start3A_180 = arith.constant 0 : i32
      %dma_start3A_181 = tpu.memref_slice %arg12[%run_scoped3A_37, %dma_start3A_179, %dma_start3A_180] : memref<2x128x80xf32, #tpu.memory_space<vmem>> -> memref<1x128x80xf32, #tpu.memory_space<vmem>>
      %dma_start3A_182 = tpu.memref_squeeze %dma_start3A_181 : memref<1x128x80xf32, #tpu.memory_space<vmem>> -> memref<128x80xf32, #tpu.memory_space<vmem>>
      tpu.enqueue_dma source(%dma_start3A_182 : memref<128x80xf32, #tpu.memory_space<vmem>>) target(%dma_start3A_178 : memref<128x80xf32, #tpu.memory_space<vmem_shared>>) target_semaphore(%run_scoped3A_170 : memref<!tpu.dma_semaphore, #tpu.memory_space<semaphore_mem>>)
      %dma_wait3A_183 = arith.constant 0 : i32
      %dma_wait3A_184 = arith.constant 0 : i32
      %dma_wait3A_185 = tpu.memref_slice %arg12[%run_scoped3A_37, %dma_wait3A_183, %dma_wait3A_184] : memref<2x128x80xf32, #tpu.memory_space<vmem>> -> memref<1x128x80xf32, #tpu.memory_space<vmem>>
      %dma_wait3A_186 = tpu.memref_squeeze %dma_wait3A_185 : memref<1x128x80xf32, #tpu.memory_space<vmem>> -> memref<128x80xf32, #tpu.memory_space<vmem>>
      %dma_wait3A_187 = arith.constant 0 : i32
      %dma_wait3A_188 = tpu.memref_slice %arg14[%add3A_36, %dma_wait3A_187] : memref<10112x80xf32, #tpu.memory_space<vmem_shared>> -> memref<128x80xf32, #tpu.memory_space<vmem_shared>>
      %dma_wait3A_189 = arith.constant 0 : i32
      %dma_wait3A_190 = tpu.memref_slice %arg14[%add3A_36, %dma_wait3A_189] : memref<10112x80xf32, #tpu.memory_space<vmem_shared>> -> memref<128x80xf32, #tpu.memory_space<vmem_shared>>
      %dma_wait3A_191 = arith.constant 0 : i32
      %dma_wait3A_192 = arith.constant 0 : i32
      %dma_wait3A_193 = tpu.memref_slice %arg12[%run_scoped3A_37, %dma_wait3A_191, %dma_wait3A_192] : memref<2x128x80xf32, #tpu.memory_space<vmem>> -> memref<1x128x80xf32, #tpu.memory_space<vmem>>
      %dma_wait3A_194 = tpu.memref_squeeze %dma_wait3A_193 : memref<1x128x80xf32, #tpu.memory_space<vmem>> -> memref<128x80xf32, #tpu.memory_space<vmem>>
      tpu.wait_dma2 semaphore(%run_scoped3A_170 : memref<!tpu.dma_semaphore, #tpu.memory_space<semaphore_mem>>) src(%dma_wait3A_194 : memref<128x80xf32, #tpu.memory_space<vmem>>) dst(%dma_wait3A_190 : memref<128x80xf32, #tpu.memory_space<vmem_shared>>)
      tpu.yield
    }) : () -> ()
    %add3A_38 = arith.constant 256 : i32
    %add3A_39 = arith.addi %mul3A_32, %add3A_38 : i32
    %run_scoped3A_40 = arith.constant 0 : i32
    "tpu.region"() ({
      %run_scoped3A_170 = tpu.sem_alloc : memref<!tpu.dma_semaphore, #tpu.memory_space<semaphore_mem>>
      %dma_start3A_171 = arith.constant 0 : i32
      %dma_start3A_172 = arith.constant 0 : i32
      %dma_start3A_173 = tpu.memref_slice %arg12[%run_scoped3A_40, %dma_start3A_171, %dma_start3A_172] : memref<2x128x80xf32, #tpu.memory_space<vmem>> -> memref<1x128x80xf32, #tpu.memory_space<vmem>>
      %dma_start3A_174 = tpu.memref_squeeze %dma_start3A_173 : memref<1x128x80xf32, #tpu.memory_space<vmem>> -> memref<128x80xf32, #tpu.memory_space<vmem>>
      %dma_start3A_175 = arith.constant 0 : i32
      %dma_start3A_176 = tpu.memref_slice %arg14[%add3A_39, %dma_start3A_175] : memref<10112x80xf32, #tpu.memory_space<vmem_shared>> -> memref<128x80xf32, #tpu.memory_space<vmem_shared>>
      %dma_start3A_177 = arith.constant 0 : i32
      %dma_start3A_178 = tpu.memref_slice %arg14[%add3A_39, %dma_start3A_177] : memref<10112x80xf32, #tpu.memory_space<vmem_shared>> -> memref<128x80xf32, #tpu.memory_space<vmem_shared>>
      %dma_start3A_179 = arith.constant 0 : i32
      %dma_start3A_180 = arith.constant 0 : i32
      %dma_start3A_181 = tpu.memref_slice %arg12[%run_scoped3A_40, %dma_start3A_179, %dma_start3A_180] : memref<2x128x80xf32, #tpu.memory_space<vmem>> -> memref<1x128x80xf32, #tpu.memory_space<vmem>>
      %dma_start3A_182 = tpu.memref_squeeze %dma_start3A_181 : memref<1x128x80xf32, #tpu.memory_space<vmem>> -> memref<128x80xf32, #tpu.memory_space<vmem>>
      tpu.enqueue_dma source(%dma_start3A_182 : memref<128x80xf32, #tpu.memory_space<vmem>>) target(%dma_start3A_178 : memref<128x80xf32, #tpu.memory_space<vmem_shared>>) target_semaphore(%run_scoped3A_170 : memref<!tpu.dma_semaphore, #tpu.memory_space<semaphore_mem>>)
      %dma_wait3A_183 = arith.constant 0 : i32
      %dma_wait3A_184 = arith.constant 0 : i32
      %dma_wait3A_185 = tpu.memref_slice %arg12[%run_scoped3A_40, %dma_wait3A_183, %dma_wait3A_184] : memref<2x128x80xf32, #tpu.memory_space<vmem>> -> memref<1x128x80xf32, #tpu.memory_space<vmem>>
      %dma_wait3A_186 = tpu.memref_squeeze %dma_wait3A_185 : memref<1x128x80xf32, #tpu.memory_space<vmem>> -> memref<128x80xf32, #tpu.memory_space<vmem>>
      %dma_wait3A_187 = arith.constant 0 : i32
      %dma_wait3A_188 = tpu.memref_slice %arg14[%add3A_39, %dma_wait3A_187] : memref<10112x80xf32, #tpu.memory_space<vmem_shared>> -> memref<128x80xf32, #tpu.memory_space<vmem_shared>>
      %dma_wait3A_189 = arith.constant 0 : i32
      %dma_wait3A_190 = tpu.memref_slice %arg14[%add3A_39, %dma_wait3A_189] : memref<10112x80xf32, #tpu.memory_space<vmem_shared>> -> memref<128x80xf32, #tpu.memory_space<vmem_shared>>
      %dma_wait3A_191 = arith.constant 0 : i32
      %dma_wait3A_192 = arith.constant 0 : i32
      %dma_wait3A_193 = tpu.memref_slice %arg12[%run_scoped3A_40, %dma_wait3A_191, %dma_wait3A_192] : memref<2x128x80xf32, #tpu.memory_space<vmem>> -> memref<1x128x80xf32, #tpu.memory_space<vmem>>
      %dma_wait3A_194 = tpu.memref_squeeze %dma_wait3A_193 : memref<1x128x80xf32, #tpu.memory_space<vmem>> -> memref<128x80xf32, #tpu.memory_space<vmem>>
      tpu.wait_dma2 semaphore(%run_scoped3A_170 : memref<!tpu.dma_semaphore, #tpu.memory_space<semaphore_mem>>) src(%dma_wait3A_194 : memref<128x80xf32, #tpu.memory_space<vmem>>) dst(%dma_wait3A_190 : memref<128x80xf32, #tpu.memory_space<vmem_shared>>)
      tpu.yield
    }) : () -> ()
    %add3A_41 = arith.constant 384 : i32
    %add3A_42 = arith.addi %mul3A_32, %add3A_41 : i32
    %run_scoped3A_43 = arith.constant 0 : i32
    "tpu.region"() ({
      %run_scoped3A_170 = tpu.sem_alloc : memref<!tpu.dma_semaphore, #tpu.memory_space<semaphore_mem>>
      %dma_start3A_171 = arith.constant 0 : i32
      %dma_start3A_172 = arith.constant 0 : i32
      %dma_start3A_173 = tpu.memref_slice %arg12[%run_scoped3A_43, %dma_start3A_171, %dma_start3A_172] : memref<2x128x80xf32, #tpu.memory_space<vmem>> -> memref<1x128x80xf32, #tpu.memory_space<vmem>>
      %dma_start3A_174 = tpu.memref_squeeze %dma_start3A_173 : memref<1x128x80xf32, #tpu.memory_space<vmem>> -> memref<128x80xf32, #tpu.memory_space<vmem>>
      %dma_start3A_175 = arith.constant 0 : i32
      %dma_start3A_176 = tpu.memref_slice %arg14[%add3A_42, %dma_start3A_175] : memref<10112x80xf32, #tpu.memory_space<vmem_shared>> -> memref<128x80xf32, #tpu.memory_space<vmem_shared>>
      %dma_start3A_177 = arith.constant 0 : i32
      %dma_start3A_178 = tpu.memref_slice %arg14[%add3A_42, %dma_start3A_177] : memref<10112x80xf32, #tpu.memory_space<vmem_shared>> -> memref<128x80xf32, #tpu.memory_space<vmem_shared>>
      %dma_start3A_179 = arith.constant 0 : i32
      %dma_start3A_180 = arith.constant 0 : i32
      %dma_start3A_181 = tpu.memref_slice %arg12[%run_scoped3A_43, %dma_start3A_179, %dma_start3A_180] : memref<2x128x80xf32, #tpu.memory_space<vmem>> -> memref<1x128x80xf32, #tpu.memory_space<vmem>>
      %dma_start3A_182 = tpu.memref_squeeze %dma_start3A_181 : memref<1x128x80xf32, #tpu.memory_space<vmem>> -> memref<128x80xf32, #tpu.memory_space<vmem>>
      tpu.enqueue_dma source(%dma_start3A_182 : memref<128x80xf32, #tpu.memory_space<vmem>>) target(%dma_start3A_178 : memref<128x80xf32, #tpu.memory_space<vmem_shared>>) target_semaphore(%run_scoped3A_170 : memref<!tpu.dma_semaphore, #tpu.memory_space<semaphore_mem>>)
      %dma_wait3A_183 = arith.constant 0 : i32
      %dma_wait3A_184 = arith.constant 0 : i32
      %dma_wait3A_185 = tpu.memref_slice %arg12[%run_scoped3A_43, %dma_wait3A_183, %dma_wait3A_184] : memref<2x128x80xf32, #tpu.memory_space<vmem>> -> memref<1x128x80xf32, #tpu.memory_space<vmem>>
      %dma_wait3A_186 = tpu.memref_squeeze %dma_wait3A_185 : memref<1x128x80xf32, #tpu.memory_space<vmem>> -> memref<128x80xf32, #tpu.memory_space<vmem>>
      %dma_wait3A_187 = arith.constant 0 : i32
      %dma_wait3A_188 = tpu.memref_slice %arg14[%add3A_42, %dma_wait3A_187] : memref<10112x80xf32, #tpu.memory_space<vmem_shared>> -> memref<128x80xf32, #tpu.memory_space<vmem_shared>>
      %dma_wait3A_189 = arith.constant 0 : i32
      %dma_wait3A_190 = tpu.memref_slice %arg14[%add3A_42, %dma_wait3A_189] : memref<10112x80xf32, #tpu.memory_space<vmem_shared>> -> memref<128x80xf32, #tpu.memory_space<vmem_shared>>
      %dma_wait3A_191 = arith.constant 0 : i32
      %dma_wait3A_192 = arith.constant 0 : i32
      %dma_wait3A_193 = tpu.memref_slice %arg12[%run_scoped3A_43, %dma_wait3A_191, %dma_wait3A_192] : memref<2x128x80xf32, #tpu.memory_space<vmem>> -> memref<1x128x80xf32, #tpu.memory_space<vmem>>
      %dma_wait3A_194 = tpu.memref_squeeze %dma_wait3A_193 : memref<1x128x80xf32, #tpu.memory_space<vmem>> -> memref<128x80xf32, #tpu.memory_space<vmem>>
      tpu.wait_dma2 semaphore(%run_scoped3A_170 : memref<!tpu.dma_semaphore, #tpu.memory_space<semaphore_mem>>) src(%dma_wait3A_194 : memref<128x80xf32, #tpu.memory_space<vmem>>) dst(%dma_wait3A_190 : memref<128x80xf32, #tpu.memory_space<vmem_shared>>)
      tpu.yield
    }) : () -> ()
    %add3A_44 = arith.constant 512 : i32
    %add3A_45 = arith.addi %mul3A_32, %add3A_44 : i32
    %run_scoped3A_46 = arith.constant 0 : i32
    "tpu.region"() ({
      %run_scoped3A_170 = tpu.sem_alloc : memref<!tpu.dma_semaphore, #tpu.memory_space<semaphore_mem>>
      %dma_start3A_171 = arith.constant 0 : i32
      %dma_start3A_172 = arith.constant 0 : i32
      %dma_start3A_173 = tpu.memref_slice %arg12[%run_scoped3A_46, %dma_start3A_171, %dma_start3A_172] : memref<2x128x80xf32, #tpu.memory_space<vmem>> -> memref<1x128x80xf32, #tpu.memory_space<vmem>>
      %dma_start3A_174 = tpu.memref_squeeze %dma_start3A_173 : memref<1x128x80xf32, #tpu.memory_space<vmem>> -> memref<128x80xf32, #tpu.memory_space<vmem>>
      %dma_start3A_175 = arith.constant 0 : i32
      %dma_start3A_176 = arith.constant 0 : i32
      %dma_start3A_177 = tpu.memref_slice %dma_start3A_174[%dma_start3A_175, %dma_start3A_176] : memref<128x80xf32, #tpu.memory_space<vmem>> -> memref<120x80xf32, #tpu.memory_space<vmem>>
      %dma_start3A_178 = arith.constant 0 : i32
      %dma_start3A_179 = tpu.memref_slice %arg14[%add3A_45, %dma_start3A_178] : memref<10112x80xf32, #tpu.memory_space<vmem_shared>> -> memref<120x80xf32, #tpu.memory_space<vmem_shared>>
      %dma_start3A_180 = arith.constant 0 : i32
      %dma_start3A_181 = tpu.memref_slice %arg14[%add3A_45, %dma_start3A_180] : memref<10112x80xf32, #tpu.memory_space<vmem_shared>> -> memref<120x80xf32, #tpu.memory_space<vmem_shared>>
      %dma_start3A_182 = arith.constant 0 : i32
      %dma_start3A_183 = arith.constant 0 : i32
      %dma_start3A_184 = tpu.memref_slice %arg12[%run_scoped3A_46, %dma_start3A_182, %dma_start3A_183] : memref<2x128x80xf32, #tpu.memory_space<vmem>> -> memref<1x128x80xf32, #tpu.memory_space<vmem>>
      %dma_start3A_185 = tpu.memref_squeeze %dma_start3A_184 : memref<1x128x80xf32, #tpu.memory_space<vmem>> -> memref<128x80xf32, #tpu.memory_space<vmem>>
      %dma_start3A_186 = arith.constant 0 : i32
      %dma_start3A_187 = arith.constant 0 : i32
      %dma_start3A_188 = tpu.memref_slice %dma_start3A_185[%dma_start3A_186, %dma_start3A_187] : memref<128x80xf32, #tpu.memory_space<vmem>> -> memref<120x80xf32, #tpu.memory_space<vmem>>
      tpu.enqueue_dma source(%dma_start3A_188 : memref<120x80xf32, #tpu.memory_space<vmem>>) target(%dma_start3A_181 : memref<120x80xf32, #tpu.memory_space<vmem_shared>>) target_semaphore(%run_scoped3A_170 : memref<!tpu.dma_semaphore, #tpu.memory_space<semaphore_mem>>)
      %dma_wait3A_189 = arith.constant 0 : i32
      %dma_wait3A_190 = arith.constant 0 : i32
      %dma_wait3A_191 = tpu.memref_slice %arg12[%run_scoped3A_46, %dma_wait3A_189, %dma_wait3A_190] : memref<2x128x80xf32, #tpu.memory_space<vmem>> -> memref<1x128x80xf32, #tpu.memory_space<vmem>>
      %dma_wait3A_192 = tpu.memref_squeeze %dma_wait3A_191 : memref<1x128x80xf32, #tpu.memory_space<vmem>> -> memref<128x80xf32, #tpu.memory_space<vmem>>
      %dma_wait3A_193 = arith.constant 0 : i32
      %dma_wait3A_194 = arith.constant 0 : i32
      %dma_wait3A_195 = tpu.memref_slice %dma_wait3A_192[%dma_wait3A_193, %dma_wait3A_194] : memref<128x80xf32, #tpu.memory_space<vmem>> -> memref<120x80xf32, #tpu.memory_space<vmem>>
      %dma_wait3A_196 = arith.constant 0 : i32
      %dma_wait3A_197 = tpu.memref_slice %arg14[%add3A_45, %dma_wait3A_196] : memref<10112x80xf32, #tpu.memory_space<vmem_shared>> -> memref<120x80xf32, #tpu.memory_space<vmem_shared>>
      %dma_wait3A_198 = arith.constant 0 : i32
      %dma_wait3A_199 = tpu.memref_slice %arg14[%add3A_45, %dma_wait3A_198] : memref<10112x80xf32, #tpu.memory_space<vmem_shared>> -> memref<120x80xf32, #tpu.memory_space<vmem_shared>>
      %dma_wait3A_200 = arith.constant 0 : i32
      %dma_wait3A_201 = arith.constant 0 : i32
      %dma_wait3A_202 = tpu.memref_slice %arg12[%run_scoped3A_46, %dma_wait3A_200, %dma_wait3A_201] : memref<2x128x80xf32, #tpu.memory_space<vmem>> -> memref<1x128x80xf32, #tpu.memory_space<vmem>>
      %dma_wait3A_203 = tpu.memref_squeeze %dma_wait3A_202 : memref<1x128x80xf32, #tpu.memory_space<vmem>> -> memref<128x80xf32, #tpu.memory_space<vmem>>
      %dma_wait3A_204 = arith.constant 0 : i32
      %dma_wait3A_205 = arith.constant 0 : i32
      %dma_wait3A_206 = tpu.memref_slice %dma_wait3A_203[%dma_wait3A_204, %dma_wait3A_205] : memref<128x80xf32, #tpu.memory_space<vmem>> -> memref<120x80xf32, #tpu.memory_space<vmem>>
      tpu.wait_dma2 semaphore(%run_scoped3A_170 : memref<!tpu.dma_semaphore, #tpu.memory_space<semaphore_mem>>) src(%dma_wait3A_206 : memref<120x80xf32, #tpu.memory_space<vmem>>) dst(%dma_wait3A_199 : memref<120x80xf32, #tpu.memory_space<vmem_shared>>)
      tpu.yield
    }) : () -> ()
    %dma_wait3A = arith.constant 0 : i32
    %dma_wait3A_47 = arith.constant 0 : i32
    %dma_wait3A_48 = arith.constant 0 : i32
    %dma_wait3A_49 = tpu.memref_slice %arg8[%dma_wait3A, %dma_wait3A_47, %dma_wait3A_48] : memref<79x2x128xi32, #tpu.memory_space<vmem>> -> memref<78x2x128xi32, #tpu.memory_space<vmem>>
    %dma_wait3A_50 = arith.constant 0 : i32
    %dma_wait3A_51 = arith.constant 0 : i32
    %dma_wait3A_52 = tpu.memref_slice %arg5[%mul3A_3, %dma_wait3A_50, %dma_wait3A_51] : memref<2500x2x128xi32, #tpu.memory_space<hbm>> -> memref<78x2x128xi32, #tpu.memory_space<hbm>>
    %dma_wait3A_53 = arith.constant 0 : i32
    %dma_wait3A_54 = arith.constant 0 : i32
    %dma_wait3A_55 = arith.constant 0 : i32
    %dma_wait3A_56 = tpu.memref_slice %arg8[%dma_wait3A_53, %dma_wait3A_54, %dma_wait3A_55] : memref<79x2x128xi32, #tpu.memory_space<vmem>> -> memref<78x2x128xi32, #tpu.memory_space<vmem>>
    %dma_wait3A_57 = arith.constant 0 : i32
    %dma_wait3A_58 = arith.constant 0 : i32
    %dma_wait3A_59 = tpu.memref_slice %arg5[%mul3A_3, %dma_wait3A_57, %dma_wait3A_58] : memref<2500x2x128xi32, #tpu.memory_space<hbm>> -> memref<78x2x128xi32, #tpu.memory_space<hbm>>
    tpu.wait_dma2 semaphore(%arg17 : memref<!tpu.dma_semaphore, #tpu.memory_space<semaphore_mem>>) src(%dma_wait3A_59 : memref<78x2x128xi32, #tpu.memory_space<hbm>>) dst(%dma_wait3A_56 : memref<78x2x128xi32, #tpu.memory_space<vmem>>)
    %lt3A = arith.constant 4 : i32
    %lt3A_60 = arith.cmpi slt, %add3A, %lt3A : i32
    %convert_element_type3A = arith.extui %lt3A_60 : i1 to i32
    %cond3A = arith.constant 0 : i32
    %cond3A_61 = arith.cmpi ne, %convert_element_type3A, %cond3A : i32
    scf.if %cond3A_61 {
      %add3A_170 = arith.constant 2496 : i32
      %add3A_171 = arith.addi %add3A_170, %add3A : i32
      "tpu.region"() ({
        %run_scoped3A_172 = tpu.sem_alloc : memref<!tpu.dma_semaphore, #tpu.memory_space<semaphore_mem>>
        %dma_start3A_173 = arith.constant 78 : i32
        %dma_start3A_174 = arith.constant 0 : i32
        %dma_start3A_175 = arith.constant 0 : i32
        %dma_start3A_176 = tpu.memref_slice %arg8[%dma_start3A_173, %dma_start3A_174, %dma_start3A_175] : memref<79x2x128xi32, #tpu.memory_space<vmem>> -> memref<1x2x128xi32, #tpu.memory_space<vmem>>
        %dma_start3A_177 = arith.constant 0 : i32
        %dma_start3A_178 = arith.constant 0 : i32
        %dma_start3A_179 = tpu.memref_slice %arg5[%add3A_171, %dma_start3A_177, %dma_start3A_178] : memref<2500x2x128xi32, #tpu.memory_space<hbm>> -> memref<1x2x128xi32, #tpu.memory_space<hbm>>
        %dma_start3A_180 = arith.constant 78 : i32
        %dma_start3A_181 = arith.constant 0 : i32
        %dma_start3A_182 = arith.constant 0 : i32
        %dma_start3A_183 = tpu.memref_slice %arg8[%dma_start3A_180, %dma_start3A_181, %dma_start3A_182] : memref<79x2x128xi32, #tpu.memory_space<vmem>> -> memref<1x2x128xi32, #tpu.memory_space<vmem>>
        %dma_start3A_184 = arith.constant 0 : i32
        %dma_start3A_185 = arith.constant 0 : i32
        %dma_start3A_186 = tpu.memref_slice %arg5[%add3A_171, %dma_start3A_184, %dma_start3A_185] : memref<2500x2x128xi32, #tpu.memory_space<hbm>> -> memref<1x2x128xi32, #tpu.memory_space<hbm>>
        tpu.enqueue_dma source(%dma_start3A_186 : memref<1x2x128xi32, #tpu.memory_space<hbm>>) target(%dma_start3A_183 : memref<1x2x128xi32, #tpu.memory_space<vmem>>) target_semaphore(%run_scoped3A_172 : memref<!tpu.dma_semaphore, #tpu.memory_space<semaphore_mem>>)
        %dma_wait3A_187 = arith.constant 78 : i32
        %dma_wait3A_188 = arith.constant 0 : i32
        %dma_wait3A_189 = arith.constant 0 : i32
        %dma_wait3A_190 = tpu.memref_slice %arg8[%dma_wait3A_187, %dma_wait3A_188, %dma_wait3A_189] : memref<79x2x128xi32, #tpu.memory_space<vmem>> -> memref<1x2x128xi32, #tpu.memory_space<vmem>>
        %dma_wait3A_191 = arith.constant 0 : i32
        %dma_wait3A_192 = arith.constant 0 : i32
        %dma_wait3A_193 = tpu.memref_slice %arg5[%add3A_171, %dma_wait3A_191, %dma_wait3A_192] : memref<2500x2x128xi32, #tpu.memory_space<hbm>> -> memref<1x2x128xi32, #tpu.memory_space<hbm>>
        %dma_wait3A_194 = arith.constant 78 : i32
        %dma_wait3A_195 = arith.constant 0 : i32
        %dma_wait3A_196 = arith.constant 0 : i32
        %dma_wait3A_197 = tpu.memref_slice %arg8[%dma_wait3A_194, %dma_wait3A_195, %dma_wait3A_196] : memref<79x2x128xi32, #tpu.memory_space<vmem>> -> memref<1x2x128xi32, #tpu.memory_space<vmem>>
        %dma_wait3A_198 = arith.constant 0 : i32
        %dma_wait3A_199 = arith.constant 0 : i32
        %dma_wait3A_200 = tpu.memref_slice %arg5[%add3A_171, %dma_wait3A_198, %dma_wait3A_199] : memref<2500x2x128xi32, #tpu.memory_space<hbm>> -> memref<1x2x128xi32, #tpu.memory_space<hbm>>
        tpu.wait_dma2 semaphore(%run_scoped3A_172 : memref<!tpu.dma_semaphore, #tpu.memory_space<semaphore_mem>>) src(%dma_wait3A_200 : memref<1x2x128xi32, #tpu.memory_space<hbm>>) dst(%dma_wait3A_197 : memref<1x2x128xi32, #tpu.memory_space<vmem>>)
        tpu.yield
      }) : () -> ()
    } else {
    }
    %barrier3A = arith.constant 0 : index
    tpu.barrier barrier_id(%barrier3A)
    %dma_start3A_62 = arith.constant 0 : i32
    %dma_start3A_63 = arith.constant 0 : i32
    %dma_start3A_64 = arith.constant 0 : i32
    %dma_start3A_65 = arith.constant 0 : i32
    %dma_start3A_66 = tpu.memref_slice %arg12[%dma_start3A_62, %dma_start3A_64, %dma_start3A_65] : memref<2x128x80xf32, #tpu.memory_space<vmem>> -> memref<1x128x80xf32, #tpu.memory_space<vmem>>
    %dma_start3A_67 = tpu.memref_squeeze %dma_start3A_66 : memref<1x128x80xf32, #tpu.memory_space<vmem>> -> memref<128x80xf32, #tpu.memory_space<vmem>>
    %dma_start3A_68 = arith.constant 0 : i32
    %dma_start3A_69 = arith.constant 0 : i32
    %dma_start3A_70 = tpu.memref_slice %dma_start3A_67[%dma_start3A_68, %dma_start3A_69] : memref<128x80xf32, #tpu.memory_space<vmem>> -> memref<8x80xf32, #tpu.memory_space<vmem>>
    %dma_start3A_71 = arith.constant 0 : i32
    %dma_start3A_72 = tpu.memref_slice %arg14[%mul3A_32, %dma_start3A_71] : memref<10112x80xf32, #tpu.memory_space<vmem_shared>> -> memref<8x80xf32, #tpu.memory_space<vmem_shared>>
    %dma_start3A_73 = tpu.memref_slice %arg16[%dma_start3A_63] : memref<2x!tpu.dma_semaphore, #tpu.memory_space<semaphore_mem>> -> memref<1x!tpu.dma_semaphore, #tpu.memory_space<semaphore_mem>>
    %dma_start3A_74 = tpu.memref_squeeze %dma_start3A_73 : memref<1x!tpu.dma_semaphore, #tpu.memory_space<semaphore_mem>> -> memref<!tpu.dma_semaphore, #tpu.memory_space<semaphore_mem>>
    %dma_start3A_75 = arith.constant 0 : i32
    %dma_start3A_76 = tpu.memref_slice %arg14[%mul3A_32, %dma_start3A_75] : memref<10112x80xf32, #tpu.memory_space<vmem_shared>> -> memref<8x80xf32, #tpu.memory_space<vmem_shared>>
    %dma_start3A_77 = arith.constant 0 : i32
    %dma_start3A_78 = arith.constant 0 : i32
    %dma_start3A_79 = tpu.memref_slice %arg12[%dma_start3A_62, %dma_start3A_77, %dma_start3A_78] : memref<2x128x80xf32, #tpu.memory_space<vmem>> -> memref<1x128x80xf32, #tpu.memory_space<vmem>>
    %dma_start3A_80 = tpu.memref_squeeze %dma_start3A_79 : memref<1x128x80xf32, #tpu.memory_space<vmem>> -> memref<128x80xf32, #tpu.memory_space<vmem>>
    %dma_start3A_81 = arith.constant 0 : i32
    %dma_start3A_82 = arith.constant 0 : i32
    %dma_start3A_83 = tpu.memref_slice %dma_start3A_80[%dma_start3A_81, %dma_start3A_82] : memref<128x80xf32, #tpu.memory_space<vmem>> -> memref<8x80xf32, #tpu.memory_space<vmem>>
    tpu.enqueue_dma source(%dma_start3A_83 : memref<8x80xf32, #tpu.memory_space<vmem>>) target(%dma_start3A_76 : memref<8x80xf32, #tpu.memory_space<vmem_shared>>) target_semaphore(%dma_start3A_74 : memref<!tpu.dma_semaphore, #tpu.memory_space<semaphore_mem>>)
    %dma_start3A_84 = arith.constant 1 : i32
    %dma_start3A_85 = arith.constant 1 : i32
    %dma_start3A_86 = arith.constant 0 : i32
    %dma_start3A_87 = arith.constant 0 : i32
    %dma_start3A_88 = tpu.memref_slice %arg12[%dma_start3A_84, %dma_start3A_86, %dma_start3A_87] : memref<2x128x80xf32, #tpu.memory_space<vmem>> -> memref<1x128x80xf32, #tpu.memory_space<vmem>>
    %dma_start3A_89 = tpu.memref_squeeze %dma_start3A_88 : memref<1x128x80xf32, #tpu.memory_space<vmem>> -> memref<128x80xf32, #tpu.memory_space<vmem>>
    %dma_start3A_90 = arith.constant 0 : i32
    %dma_start3A_91 = arith.constant 0 : i32
    %dma_start3A_92 = tpu.memref_slice %dma_start3A_89[%dma_start3A_90, %dma_start3A_91] : memref<128x80xf32, #tpu.memory_space<vmem>> -> memref<8x80xf32, #tpu.memory_space<vmem>>
    %dma_start3A_93 = arith.constant 0 : i32
    %dma_start3A_94 = tpu.memref_slice %arg14[%mul3A_32, %dma_start3A_93] : memref<10112x80xf32, #tpu.memory_space<vmem_shared>> -> memref<8x80xf32, #tpu.memory_space<vmem_shared>>
    %dma_start3A_95 = tpu.memref_slice %arg16[%dma_start3A_85] : memref<2x!tpu.dma_semaphore, #tpu.memory_space<semaphore_mem>> -> memref<1x!tpu.dma_semaphore, #tpu.memory_space<semaphore_mem>>
    %dma_start3A_96 = tpu.memref_squeeze %dma_start3A_95 : memref<1x!tpu.dma_semaphore, #tpu.memory_space<semaphore_mem>> -> memref<!tpu.dma_semaphore, #tpu.memory_space<semaphore_mem>>
    %dma_start3A_97 = arith.constant 0 : i32
    %dma_start3A_98 = tpu.memref_slice %arg14[%mul3A_32, %dma_start3A_97] : memref<10112x80xf32, #tpu.memory_space<vmem_shared>> -> memref<8x80xf32, #tpu.memory_space<vmem_shared>>
    %dma_start3A_99 = arith.constant 0 : i32
    %dma_start3A_100 = arith.constant 0 : i32
    %dma_start3A_101 = tpu.memref_slice %arg12[%dma_start3A_84, %dma_start3A_99, %dma_start3A_100] : memref<2x128x80xf32, #tpu.memory_space<vmem>> -> memref<1x128x80xf32, #tpu.memory_space<vmem>>
    %dma_start3A_102 = tpu.memref_squeeze %dma_start3A_101 : memref<1x128x80xf32, #tpu.memory_space<vmem>> -> memref<128x80xf32, #tpu.memory_space<vmem>>
    %dma_start3A_103 = arith.constant 0 : i32
    %dma_start3A_104 = arith.constant 0 : i32
    %dma_start3A_105 = tpu.memref_slice %dma_start3A_102[%dma_start3A_103, %dma_start3A_104] : memref<128x80xf32, #tpu.memory_space<vmem>> -> memref<8x80xf32, #tpu.memory_space<vmem>>
    tpu.enqueue_dma source(%dma_start3A_105 : memref<8x80xf32, #tpu.memory_space<vmem>>) target(%dma_start3A_98 : memref<8x80xf32, #tpu.memory_space<vmem_shared>>) target_semaphore(%dma_start3A_96 : memref<!tpu.dma_semaphore, #tpu.memory_space<semaphore_mem>>)
    %scan3A_106 = arith.constant 0 : i32
    %scan3A_107 = arith.constant 39 : i32
    %scan3A_108 = arith.addi %scan3A_106, %scan3A_107 : i32
    %scan3A_109 = arith.constant 1 : i32
    scf.for %scan3A_170 = %scan3A_106 to %scan3A_108 step %scan3A_109  : i32 {
      %mul3A_171 = arith.constant 1 : i32
      %mul3A_172 = arith.muli %scan3A_170, %mul3A_171 : i32
      %add3A_173 = arith.constant 0 : i32
      %add3A_174 = arith.addi %add3A_173, %mul3A_172 : i32
      %mul3A_175 = arith.constant 2 : i32
      %mul3A_176 = arith.muli %add3A_174, %mul3A_175 : i32
      %add3A_177 = arith.constant 1 : i32
      %add3A_178 = arith.addi %mul3A_176, %add3A_177 : i32
      %dma_wait3A_179 = arith.constant 0 : i32
      %dma_wait3A_180 = arith.constant 0 : i32
      %dma_wait3A_181 = arith.constant 0 : i32
      %dma_wait3A_182 = arith.constant 0 : i32
      %dma_wait3A_183 = tpu.memref_slice %arg12[%dma_wait3A_179, %dma_wait3A_181, %dma_wait3A_182] : memref<2x128x80xf32, #tpu.memory_space<vmem>> -> memref<1x128x80xf32, #tpu.memory_space<vmem>>
      %dma_wait3A_184 = tpu.memref_squeeze %dma_wait3A_183 : memref<1x128x80xf32, #tpu.memory_space<vmem>> -> memref<128x80xf32, #tpu.memory_space<vmem>>
      %dma_wait3A_185 = arith.constant 0 : i32
      %dma_wait3A_186 = arith.constant 0 : i32
      %dma_wait3A_187 = tpu.memref_slice %dma_wait3A_184[%dma_wait3A_185, %dma_wait3A_186] : memref<128x80xf32, #tpu.memory_space<vmem>> -> memref<8x80xf32, #tpu.memory_space<vmem>>
      %dma_wait3A_188 = arith.constant 0 : i32
      %dma_wait3A_189 = tpu.memref_slice %arg14[%mul3A_32, %dma_wait3A_188] : memref<10112x80xf32, #tpu.memory_space<vmem_shared>> -> memref<8x80xf32, #tpu.memory_space<vmem_shared>>
      %dma_wait3A_190 = tpu.memref_slice %arg16[%dma_wait3A_180] : memref<2x!tpu.dma_semaphore, #tpu.memory_space<semaphore_mem>> -> memref<1x!tpu.dma_semaphore, #tpu.memory_space<semaphore_mem>>
      %dma_wait3A_191 = tpu.memref_squeeze %dma_wait3A_190 : memref<1x!tpu.dma_semaphore, #tpu.memory_space<semaphore_mem>> -> memref<!tpu.dma_semaphore, #tpu.memory_space<semaphore_mem>>
      %dma_wait3A_192 = arith.constant 0 : i32
      %dma_wait3A_193 = tpu.memref_slice %arg14[%mul3A_32, %dma_wait3A_192] : memref<10112x80xf32, #tpu.memory_space<vmem_shared>> -> memref<8x80xf32, #tpu.memory_space<vmem_shared>>
      %dma_wait3A_194 = arith.constant 0 : i32
      %dma_wait3A_195 = arith.constant 0 : i32
      %dma_wait3A_196 = tpu.memref_slice %arg12[%dma_wait3A_179, %dma_wait3A_194, %dma_wait3A_195] : memref<2x128x80xf32, #tpu.memory_space<vmem>> -> memref<1x128x80xf32, #tpu.memory_space<vmem>>
      %dma_wait3A_197 = tpu.memref_squeeze %dma_wait3A_196 : memref<1x128x80xf32, #tpu.memory_space<vmem>> -> memref<128x80xf32, #tpu.memory_space<vmem>>
      %dma_wait3A_198 = arith.constant 0 : i32
      %dma_wait3A_199 = arith.constant 0 : i32
      %dma_wait3A_200 = tpu.memref_slice %dma_wait3A_197[%dma_wait3A_198, %dma_wait3A_199] : memref<128x80xf32, #tpu.memory_space<vmem>> -> memref<8x80xf32, #tpu.memory_space<vmem>>
      tpu.wait_dma2 semaphore(%dma_wait3A_191 : memref<!tpu.dma_semaphore, #tpu.memory_space<semaphore_mem>>) src(%dma_wait3A_200 : memref<8x80xf32, #tpu.memory_space<vmem>>) dst(%dma_wait3A_193 : memref<8x80xf32, #tpu.memory_space<vmem_shared>>)
      %dma_start3A_201 = arith.constant 0 : i32
      %dma_start3A_202 = arith.constant 0 : i32
      %dma_start3A_203 = arith.constant 0 : i32
      %dma_start3A_204 = arith.constant 0 : i32
      %dma_start3A_205 = tpu.memref_slice %arg12[%dma_start3A_201, %dma_start3A_203, %dma_start3A_204] : memref<2x128x80xf32, #tpu.memory_space<vmem>> -> memref<1x128x80xf32, #tpu.memory_space<vmem>>
      %dma_start3A_206 = tpu.memref_squeeze %dma_start3A_205 : memref<1x128x80xf32, #tpu.memory_space<vmem>> -> memref<128x80xf32, #tpu.memory_space<vmem>>
      %dma_start3A_207 = arith.constant 0 : i32
      %dma_start3A_208 = arith.constant 0 : i32
      %dma_start3A_209 = tpu.memref_slice %dma_start3A_206[%dma_start3A_207, %dma_start3A_208] : memref<128x80xf32, #tpu.memory_space<vmem>> -> memref<8x80xf32, #tpu.memory_space<vmem>>
      %dma_start3A_210 = arith.constant 0 : i32
      %dma_start3A_211 = tpu.memref_slice %arg14[%mul3A_32, %dma_start3A_210] : memref<10112x80xf32, #tpu.memory_space<vmem_shared>> -> memref<8x80xf32, #tpu.memory_space<vmem_shared>>
      %dma_start3A_212 = tpu.memref_slice %arg16[%dma_start3A_202] : memref<2x!tpu.dma_semaphore, #tpu.memory_space<semaphore_mem>> -> memref<1x!tpu.dma_semaphore, #tpu.memory_space<semaphore_mem>>
      %dma_start3A_213 = tpu.memref_squeeze %dma_start3A_212 : memref<1x!tpu.dma_semaphore, #tpu.memory_space<semaphore_mem>> -> memref<!tpu.dma_semaphore, #tpu.memory_space<semaphore_mem>>
      %dma_start3A_214 = arith.constant 0 : i32
      %dma_start3A_215 = tpu.memref_slice %arg14[%mul3A_32, %dma_start3A_214] : memref<10112x80xf32, #tpu.memory_space<vmem_shared>> -> memref<8x80xf32, #tpu.memory_space<vmem_shared>>
      %dma_start3A_216 = arith.constant 0 : i32
      %dma_start3A_217 = arith.constant 0 : i32
      %dma_start3A_218 = tpu.memref_slice %arg12[%dma_start3A_201, %dma_start3A_216, %dma_start3A_217] : memref<2x128x80xf32, #tpu.memory_space<vmem>> -> memref<1x128x80xf32, #tpu.memory_space<vmem>>
      %dma_start3A_219 = tpu.memref_squeeze %dma_start3A_218 : memref<1x128x80xf32, #tpu.memory_space<vmem>> -> memref<128x80xf32, #tpu.memory_space<vmem>>
      %dma_start3A_220 = arith.constant 0 : i32
      %dma_start3A_221 = arith.constant 0 : i32
      %dma_start3A_222 = tpu.memref_slice %dma_start3A_219[%dma_start3A_220, %dma_start3A_221] : memref<128x80xf32, #tpu.memory_space<vmem>> -> memref<8x80xf32, #tpu.memory_space<vmem>>
      tpu.enqueue_dma source(%dma_start3A_222 : memref<8x80xf32, #tpu.memory_space<vmem>>) target(%dma_start3A_215 : memref<8x80xf32, #tpu.memory_space<vmem_shared>>) target_semaphore(%dma_start3A_213 : memref<!tpu.dma_semaphore, #tpu.memory_space<semaphore_mem>>)
      %add3A_223 = arith.constant 1 : i32
      %add3A_224 = arith.addi %mul3A_176, %add3A_223 : i32
      %lt3A_225 = arith.constant 38 : i32
      %lt3A_226 = arith.cmpi slt, %add3A_174, %lt3A_225 : i32
      %convert_element_type3A_227 = arith.extui %lt3A_226 : i1 to i32
      %cond3A_228 = arith.constant 0 : i32
      %cond3A_229 = arith.cmpi ne, %convert_element_type3A_227, %cond3A_228 : i32
      scf.if %cond3A_229 {
        %add3A_278 = arith.constant 2 : i32
        %add3A_279 = arith.addi %mul3A_176, %add3A_278 : i32
      } else {
      }
      %dma_wait3A_230 = arith.constant 1 : i32
      %dma_wait3A_231 = arith.constant 1 : i32
      %dma_wait3A_232 = arith.constant 0 : i32
      %dma_wait3A_233 = arith.constant 0 : i32
      %dma_wait3A_234 = tpu.memref_slice %arg12[%dma_wait3A_230, %dma_wait3A_232, %dma_wait3A_233] : memref<2x128x80xf32, #tpu.memory_space<vmem>> -> memref<1x128x80xf32, #tpu.memory_space<vmem>>
      %dma_wait3A_235 = tpu.memref_squeeze %dma_wait3A_234 : memref<1x128x80xf32, #tpu.memory_space<vmem>> -> memref<128x80xf32, #tpu.memory_space<vmem>>
      %dma_wait3A_236 = arith.constant 0 : i32
      %dma_wait3A_237 = arith.constant 0 : i32
      %dma_wait3A_238 = tpu.memref_slice %dma_wait3A_235[%dma_wait3A_236, %dma_wait3A_237] : memref<128x80xf32, #tpu.memory_space<vmem>> -> memref<8x80xf32, #tpu.memory_space<vmem>>
      %dma_wait3A_239 = arith.constant 0 : i32
      %dma_wait3A_240 = tpu.memref_slice %arg14[%mul3A_32, %dma_wait3A_239] : memref<10112x80xf32, #tpu.memory_space<vmem_shared>> -> memref<8x80xf32, #tpu.memory_space<vmem_shared>>
      %dma_wait3A_241 = tpu.memref_slice %arg16[%dma_wait3A_231] : memref<2x!tpu.dma_semaphore, #tpu.memory_space<semaphore_mem>> -> memref<1x!tpu.dma_semaphore, #tpu.memory_space<semaphore_mem>>
      %dma_wait3A_242 = tpu.memref_squeeze %dma_wait3A_241 : memref<1x!tpu.dma_semaphore, #tpu.memory_space<semaphore_mem>> -> memref<!tpu.dma_semaphore, #tpu.memory_space<semaphore_mem>>
      %dma_wait3A_243 = arith.constant 0 : i32
      %dma_wait3A_244 = tpu.memref_slice %arg14[%mul3A_32, %dma_wait3A_243] : memref<10112x80xf32, #tpu.memory_space<vmem_shared>> -> memref<8x80xf32, #tpu.memory_space<vmem_shared>>
      %dma_wait3A_245 = arith.constant 0 : i32
      %dma_wait3A_246 = arith.constant 0 : i32
      %dma_wait3A_247 = tpu.memref_slice %arg12[%dma_wait3A_230, %dma_wait3A_245, %dma_wait3A_246] : memref<2x128x80xf32, #tpu.memory_space<vmem>> -> memref<1x128x80xf32, #tpu.memory_space<vmem>>
      %dma_wait3A_248 = tpu.memref_squeeze %dma_wait3A_247 : memref<1x128x80xf32, #tpu.memory_space<vmem>> -> memref<128x80xf32, #tpu.memory_space<vmem>>
      %dma_wait3A_249 = arith.constant 0 : i32
      %dma_wait3A_250 = arith.constant 0 : i32
      %dma_wait3A_251 = tpu.memref_slice %dma_wait3A_248[%dma_wait3A_249, %dma_wait3A_250] : memref<128x80xf32, #tpu.memory_space<vmem>> -> memref<8x80xf32, #tpu.memory_space<vmem>>
      tpu.wait_dma2 semaphore(%dma_wait3A_242 : memref<!tpu.dma_semaphore, #tpu.memory_space<semaphore_mem>>) src(%dma_wait3A_251 : memref<8x80xf32, #tpu.memory_space<vmem>>) dst(%dma_wait3A_244 : memref<8x80xf32, #tpu.memory_space<vmem_shared>>)
      %add3A_252 = arith.constant 1 : i32
      %add3A_253 = arith.addi %mul3A_176, %add3A_252 : i32
      %add3A_254 = arith.constant 1 : i32
      %add3A_255 = arith.addi %mul3A_176, %add3A_254 : i32
      %dma_start3A_256 = arith.constant 1 : i32
      %dma_start3A_257 = arith.constant 1 : i32
      %dma_start3A_258 = arith.constant 0 : i32
      %dma_start3A_259 = arith.constant 0 : i32
      %dma_start3A_260 = tpu.memref_slice %arg12[%dma_start3A_256, %dma_start3A_258, %dma_start3A_259] : memref<2x128x80xf32, #tpu.memory_space<vmem>> -> memref<1x128x80xf32, #tpu.memory_space<vmem>>
      %dma_start3A_261 = tpu.memref_squeeze %dma_start3A_260 : memref<1x128x80xf32, #tpu.memory_space<vmem>> -> memref<128x80xf32, #tpu.memory_space<vmem>>
      %dma_start3A_262 = arith.constant 0 : i32
      %dma_start3A_263 = arith.constant 0 : i32
      %dma_start3A_264 = tpu.memref_slice %dma_start3A_261[%dma_start3A_262, %dma_start3A_263] : memref<128x80xf32, #tpu.memory_space<vmem>> -> memref<8x80xf32, #tpu.memory_space<vmem>>
      %dma_start3A_265 = arith.constant 0 : i32
      %dma_start3A_266 = tpu.memref_slice %arg14[%mul3A_32, %dma_start3A_265] : memref<10112x80xf32, #tpu.memory_space<vmem_shared>> -> memref<8x80xf32, #tpu.memory_space<vmem_shared>>
      %dma_start3A_267 = tpu.memref_slice %arg16[%dma_start3A_257] : memref<2x!tpu.dma_semaphore, #tpu.memory_space<semaphore_mem>> -> memref<1x!tpu.dma_semaphore, #tpu.memory_space<semaphore_mem>>
      %dma_start3A_268 = tpu.memref_squeeze %dma_start3A_267 : memref<1x!tpu.dma_semaphore, #tpu.memory_space<semaphore_mem>> -> memref<!tpu.dma_semaphore, #tpu.memory_space<semaphore_mem>>
      %dma_start3A_269 = arith.constant 0 : i32
      %dma_start3A_270 = tpu.memref_slice %arg14[%mul3A_32, %dma_start3A_269] : memref<10112x80xf32, #tpu.memory_space<vmem_shared>> -> memref<8x80xf32, #tpu.memory_space<vmem_shared>>
      %dma_start3A_271 = arith.constant 0 : i32
      %dma_start3A_272 = arith.constant 0 : i32
      %dma_start3A_273 = tpu.memref_slice %arg12[%dma_start3A_256, %dma_start3A_271, %dma_start3A_272] : memref<2x128x80xf32, #tpu.memory_space<vmem>> -> memref<1x128x80xf32, #tpu.memory_space<vmem>>
      %dma_start3A_274 = tpu.memref_squeeze %dma_start3A_273 : memref<1x128x80xf32, #tpu.memory_space<vmem>> -> memref<128x80xf32, #tpu.memory_space<vmem>>
      %dma_start3A_275 = arith.constant 0 : i32
      %dma_start3A_276 = arith.constant 0 : i32
      %dma_start3A_277 = tpu.memref_slice %dma_start3A_274[%dma_start3A_275, %dma_start3A_276] : memref<128x80xf32, #tpu.memory_space<vmem>> -> memref<8x80xf32, #tpu.memory_space<vmem>>
      tpu.enqueue_dma source(%dma_start3A_277 : memref<8x80xf32, #tpu.memory_space<vmem>>) target(%dma_start3A_270 : memref<8x80xf32, #tpu.memory_space<vmem_shared>>) target_semaphore(%dma_start3A_268 : memref<!tpu.dma_semaphore, #tpu.memory_space<semaphore_mem>>)
    }
    %scan3A_110 = arith.constant 39 : i32
    %dma_wait3A_111 = arith.constant 0 : i32
    %dma_wait3A_112 = arith.constant 0 : i32
    %dma_wait3A_113 = arith.constant 0 : i32
    %dma_wait3A_114 = arith.constant 0 : i32
    %dma_wait3A_115 = tpu.memref_slice %arg12[%dma_wait3A_111, %dma_wait3A_113, %dma_wait3A_114] : memref<2x128x80xf32, #tpu.memory_space<vmem>> -> memref<1x128x80xf32, #tpu.memory_space<vmem>>
    %dma_wait3A_116 = tpu.memref_squeeze %dma_wait3A_115 : memref<1x128x80xf32, #tpu.memory_space<vmem>> -> memref<128x80xf32, #tpu.memory_space<vmem>>
    %dma_wait3A_117 = arith.constant 0 : i32
    %dma_wait3A_118 = arith.constant 0 : i32
    %dma_wait3A_119 = tpu.memref_slice %dma_wait3A_116[%dma_wait3A_117, %dma_wait3A_118] : memref<128x80xf32, #tpu.memory_space<vmem>> -> memref<8x80xf32, #tpu.memory_space<vmem>>
    %dma_wait3A_120 = arith.constant 0 : i32
    %dma_wait3A_121 = tpu.memref_slice %arg14[%mul3A_32, %dma_wait3A_120] : memref<10112x80xf32, #tpu.memory_space<vmem_shared>> -> memref<8x80xf32, #tpu.memory_space<vmem_shared>>
    %dma_wait3A_122 = tpu.memref_slice %arg16[%dma_wait3A_112] : memref<2x!tpu.dma_semaphore, #tpu.memory_space<semaphore_mem>> -> memref<1x!tpu.dma_semaphore, #tpu.memory_space<semaphore_mem>>
    %dma_wait3A_123 = tpu.memref_squeeze %dma_wait3A_122 : memref<1x!tpu.dma_semaphore, #tpu.memory_space<semaphore_mem>> -> memref<!tpu.dma_semaphore, #tpu.memory_space<semaphore_mem>>
    %dma_wait3A_124 = arith.constant 0 : i32
    %dma_wait3A_125 = tpu.memref_slice %arg14[%mul3A_32, %dma_wait3A_124] : memref<10112x80xf32, #tpu.memory_space<vmem_shared>> -> memref<8x80xf32, #tpu.memory_space<vmem_shared>>
    %dma_wait3A_126 = arith.constant 0 : i32
    %dma_wait3A_127 = arith.constant 0 : i32
    %dma_wait3A_128 = tpu.memref_slice %arg12[%dma_wait3A_111, %dma_wait3A_126, %dma_wait3A_127] : memref<2x128x80xf32, #tpu.memory_space<vmem>> -> memref<1x128x80xf32, #tpu.memory_space<vmem>>
    %dma_wait3A_129 = tpu.memref_squeeze %dma_wait3A_128 : memref<1x128x80xf32, #tpu.memory_space<vmem>> -> memref<128x80xf32, #tpu.memory_space<vmem>>
    %dma_wait3A_130 = arith.constant 0 : i32
    %dma_wait3A_131 = arith.constant 0 : i32
    %dma_wait3A_132 = tpu.memref_slice %dma_wait3A_129[%dma_wait3A_130, %dma_wait3A_131] : memref<128x80xf32, #tpu.memory_space<vmem>> -> memref<8x80xf32, #tpu.memory_space<vmem>>
    tpu.wait_dma2 semaphore(%dma_wait3A_123 : memref<!tpu.dma_semaphore, #tpu.memory_space<semaphore_mem>>) src(%dma_wait3A_132 : memref<8x80xf32, #tpu.memory_space<vmem>>) dst(%dma_wait3A_125 : memref<8x80xf32, #tpu.memory_space<vmem_shared>>)
    %dma_wait3A_133 = arith.constant 1 : i32
    %dma_wait3A_134 = arith.constant 1 : i32
    %dma_wait3A_135 = arith.constant 0 : i32
    %dma_wait3A_136 = arith.constant 0 : i32
    %dma_wait3A_137 = tpu.memref_slice %arg12[%dma_wait3A_133, %dma_wait3A_135, %dma_wait3A_136] : memref<2x128x80xf32, #tpu.memory_space<vmem>> -> memref<1x128x80xf32, #tpu.memory_space<vmem>>
    %dma_wait3A_138 = tpu.memref_squeeze %dma_wait3A_137 : memref<1x128x80xf32, #tpu.memory_space<vmem>> -> memref<128x80xf32, #tpu.memory_space<vmem>>
    %dma_wait3A_139 = arith.constant 0 : i32
    %dma_wait3A_140 = arith.constant 0 : i32
    %dma_wait3A_141 = tpu.memref_slice %dma_wait3A_138[%dma_wait3A_139, %dma_wait3A_140] : memref<128x80xf32, #tpu.memory_space<vmem>> -> memref<8x80xf32, #tpu.memory_space<vmem>>
    %dma_wait3A_142 = arith.constant 0 : i32
    %dma_wait3A_143 = tpu.memref_slice %arg14[%mul3A_32, %dma_wait3A_142] : memref<10112x80xf32, #tpu.memory_space<vmem_shared>> -> memref<8x80xf32, #tpu.memory_space<vmem_shared>>
    %dma_wait3A_144 = tpu.memref_slice %arg16[%dma_wait3A_134] : memref<2x!tpu.dma_semaphore, #tpu.memory_space<semaphore_mem>> -> memref<1x!tpu.dma_semaphore, #tpu.memory_space<semaphore_mem>>
    %dma_wait3A_145 = tpu.memref_squeeze %dma_wait3A_144 : memref<1x!tpu.dma_semaphore, #tpu.memory_space<semaphore_mem>> -> memref<!tpu.dma_semaphore, #tpu.memory_space<semaphore_mem>>
    %dma_wait3A_146 = arith.constant 0 : i32
    %dma_wait3A_147 = tpu.memref_slice %arg14[%mul3A_32, %dma_wait3A_146] : memref<10112x80xf32, #tpu.memory_space<vmem_shared>> -> memref<8x80xf32, #tpu.memory_space<vmem_shared>>
    %dma_wait3A_148 = arith.constant 0 : i32
    %dma_wait3A_149 = arith.constant 0 : i32
    %dma_wait3A_150 = tpu.memref_slice %arg12[%dma_wait3A_133, %dma_wait3A_148, %dma_wait3A_149] : memref<2x128x80xf32, #tpu.memory_space<vmem>> -> memref<1x128x80xf32, #tpu.memory_space<vmem>>
    %dma_wait3A_151 = tpu.memref_squeeze %dma_wait3A_150 : memref<1x128x80xf32, #tpu.memory_space<vmem>> -> memref<128x80xf32, #tpu.memory_space<vmem>>
    %dma_wait3A_152 = arith.constant 0 : i32
    %dma_wait3A_153 = arith.constant 0 : i32
    %dma_wait3A_154 = tpu.memref_slice %dma_wait3A_151[%dma_wait3A_152, %dma_wait3A_153] : memref<128x80xf32, #tpu.memory_space<vmem>> -> memref<8x80xf32, #tpu.memory_space<vmem>>
    tpu.wait_dma2 semaphore(%dma_wait3A_145 : memref<!tpu.dma_semaphore, #tpu.memory_space<semaphore_mem>>) src(%dma_wait3A_154 : memref<8x80xf32, #tpu.memory_space<vmem>>) dst(%dma_wait3A_147 : memref<8x80xf32, #tpu.memory_space<vmem_shared>>)
    %lt3A_155 = arith.constant 4 : i32
    %lt3A_156 = arith.cmpi slt, %add3A, %lt3A_155 : i32
    %convert_element_type3A_157 = arith.extui %lt3A_156 : i1 to i32
    %cond3A_158 = arith.constant 0 : i32
    %cond3A_159 = arith.cmpi ne, %convert_element_type3A_157, %cond3A_158 : i32
    scf.if %cond3A_159 {
      %run_scoped3A_170 = arith.constant 0 : i32
      %run_scoped3A_171 = arith.constant 78 : i32
      %run_scoped3A_172 = arith.constant 1 : i32
      "tpu.region"() ({
        %run_scoped3A_173 = tpu.sem_alloc : memref<!tpu.dma_semaphore, #tpu.memory_space<semaphore_mem>>
        %dma_start3A_174 = arith.constant 0 : i32
        %dma_start3A_175 = arith.constant 0 : i32
        %dma_start3A_176 = tpu.memref_slice %arg12[%run_scoped3A_170, %dma_start3A_174, %dma_start3A_175] : memref<2x128x80xf32, #tpu.memory_space<vmem>> -> memref<1x128x80xf32, #tpu.memory_space<vmem>>
        %dma_start3A_177 = tpu.memref_squeeze %dma_start3A_176 : memref<1x128x80xf32, #tpu.memory_space<vmem>> -> memref<128x80xf32, #tpu.memory_space<vmem>>
        %dma_start3A_178 = arith.constant 0 : i32
        %dma_start3A_179 = tpu.memref_slice %arg8[%run_scoped3A_171, %run_scoped3A_172, %dma_start3A_178] : memref<79x2x128xi32, #tpu.memory_space<vmem>> -> memref<1x1x128xi32, #tpu.memory_space<vmem>>
        %dma_start3A_180 = tpu.memref_squeeze %dma_start3A_179 : memref<1x1x128xi32, #tpu.memory_space<vmem>> -> memref<128xi32, #tpu.memory_space<vmem>>
        %dma_start3A_181 = arith.constant 0 : i32
        %dma_start3A_182 = arith.constant 0 : i32
        %dma_start3A_183 = tpu.memref_slice %arg14[%dma_start3A_181, %dma_start3A_182] : memref<10112x80xf32, #tpu.memory_space<vmem_shared>> -> memref<10112x80xf32, #tpu.memory_space<vmem_shared>>
        tpu.enqueue_indirect_dma source(%dma_start3A_177 : memref<128x80xf32, #tpu.memory_space<vmem>>) target(%dma_start3A_183 : memref<10112x80xf32, #tpu.memory_space<vmem_shared>>) offsets(%dma_start3A_180 : memref<128xi32, #tpu.memory_space<vmem>>) semaphore(%run_scoped3A_173 : memref<!tpu.dma_semaphore, #tpu.memory_space<semaphore_mem>>) {add = true}
        %dma_wait3A_184 = arith.constant 0 : i32
        %dma_wait3A_185 = arith.constant 0 : i32
        %dma_wait3A_186 = tpu.memref_slice %arg12[%run_scoped3A_170, %dma_wait3A_184, %dma_wait3A_185] : memref<2x128x80xf32, #tpu.memory_space<vmem>> -> memref<1x128x80xf32, #tpu.memory_space<vmem>>
        %dma_wait3A_187 = tpu.memref_squeeze %dma_wait3A_186 : memref<1x128x80xf32, #tpu.memory_space<vmem>> -> memref<128x80xf32, #tpu.memory_space<vmem>>
        %dma_wait3A_188 = arith.constant 0 : i32
        %dma_wait3A_189 = tpu.memref_slice %arg8[%run_scoped3A_171, %run_scoped3A_172, %dma_wait3A_188] : memref<79x2x128xi32, #tpu.memory_space<vmem>> -> memref<1x1x128xi32, #tpu.memory_space<vmem>>
        %dma_wait3A_190 = tpu.memref_squeeze %dma_wait3A_189 : memref<1x1x128xi32, #tpu.memory_space<vmem>> -> memref<128xi32, #tpu.memory_space<vmem>>
        %dma_wait3A_191 = arith.constant 0 : i32
        %dma_wait3A_192 = arith.constant 0 : i32
        %dma_wait3A_193 = tpu.memref_slice %arg14[%dma_wait3A_191, %dma_wait3A_192] : memref<10112x80xf32, #tpu.memory_space<vmem_shared>> -> memref<10112x80xf32, #tpu.memory_space<vmem_shared>>
        tpu.wait_indirect_dma semaphore(%run_scoped3A_173 : memref<!tpu.dma_semaphore, #tpu.memory_space<semaphore_mem>>) src(%dma_wait3A_187 : memref<128x80xf32, #tpu.memory_space<vmem>>) dst(%dma_wait3A_193 : memref<10112x80xf32, #tpu.memory_space<vmem_shared>>)
        tpu.yield
      }) : () -> ()
    } else {
    }
    %barrier3A_160 = arith.constant 0 : index
    tpu.barrier barrier_id(%barrier3A_160)
    %eq3A = arith.constant 0 : i32
    %eq3A_161 = arith.cmpi eq, %arg0, %eq3A : i32
    %convert_element_type3A_162 = arith.extui %eq3A_161 : i1 to i32
    %cond3A_163 = arith.constant 0 : i32
    %cond3A_164 = arith.cmpi ne, %convert_element_type3A_162, %cond3A_163 : i32
    scf.if %cond3A_164 {
      "tpu.region"() ({
        %run_scoped3A_170 = tpu.sem_alloc : memref<!tpu.dma_semaphore, #tpu.memory_space<semaphore_mem>>
        %dma_start3A_171 = arith.constant 0 : i32
        %dma_start3A_172 = tpu.memref_slice %arg6[%mul3A_32, %dma_start3A_171] : memref<10112x128xf32, #tpu.memory_space<hbm>> -> memref<632x80xf32, #tpu.memory_space<hbm>>
        %dma_start3A_173 = arith.constant 0 : i32
        %dma_start3A_174 = tpu.memref_slice %arg14[%mul3A_32, %dma_start3A_173] : memref<10112x80xf32, #tpu.memory_space<vmem_shared>> -> memref<632x80xf32, #tpu.memory_space<vmem_shared>>
        tpu.enqueue_dma source(%dma_start3A_174 : memref<632x80xf32, #tpu.memory_space<vmem_shared>>) target(%dma_start3A_172 : memref<632x80xf32, #tpu.memory_space<hbm>>) target_semaphore(%run_scoped3A_170 : memref<!tpu.dma_semaphore, #tpu.memory_space<semaphore_mem>>)
        %dma_wait3A_175 = arith.constant 0 : i32
        %dma_wait3A_176 = tpu.memref_slice %arg6[%mul3A_32, %dma_wait3A_175] : memref<10112x128xf32, #tpu.memory_space<hbm>> -> memref<632x80xf32, #tpu.memory_space<hbm>>
        %dma_wait3A_177 = arith.constant 0 : i32
        %dma_wait3A_178 = tpu.memref_slice %arg14[%mul3A_32, %dma_wait3A_177] : memref<10112x80xf32, #tpu.memory_space<vmem_shared>> -> memref<632x80xf32, #tpu.memory_space<vmem_shared>>
        tpu.wait_dma2 semaphore(%run_scoped3A_170 : memref<!tpu.dma_semaphore, #tpu.memory_space<semaphore_mem>>) src(%dma_wait3A_178 : memref<632x80xf32, #tpu.memory_space<vmem_shared>>) dst(%dma_wait3A_176 : memref<632x80xf32, #tpu.memory_space<hbm>>)
        tpu.yield
      }) : () -> ()
    } else {
    }
    %eq3A_165 = arith.constant 1 : i32
    %eq3A_166 = arith.cmpi eq, %arg0, %eq3A_165 : i32
    %convert_element_type3A_167 = arith.extui %eq3A_166 : i1 to i32
    %cond3A_168 = arith.constant 0 : i32
    %cond3A_169 = arith.cmpi ne, %convert_element_type3A_167, %cond3A_168 : i32
    scf.if %cond3A_169 {
      "tpu.region"() ({
        %run_scoped3A_170 = tpu.sem_alloc : memref<!tpu.dma_semaphore, #tpu.memory_space<semaphore_mem>>
        %dma_start3A_171 = arith.constant 0 : i32
        %dma_start3A_172 = tpu.memref_slice %arg7[%mul3A_32, %dma_start3A_171] : memref<10112x128xf32, #tpu.memory_space<hbm>> -> memref<632x80xf32, #tpu.memory_space<hbm>>
        %dma_start3A_173 = arith.constant 0 : i32
        %dma_start3A_174 = tpu.memref_slice %arg14[%mul3A_32, %dma_start3A_173] : memref<10112x80xf32, #tpu.memory_space<vmem_shared>> -> memref<632x80xf32, #tpu.memory_space<vmem_shared>>
        tpu.enqueue_dma source(%dma_start3A_174 : memref<632x80xf32, #tpu.memory_space<vmem_shared>>) target(%dma_start3A_172 : memref<632x80xf32, #tpu.memory_space<hbm>>) target_semaphore(%run_scoped3A_170 : memref<!tpu.dma_semaphore, #tpu.memory_space<semaphore_mem>>)
        %dma_wait3A_175 = arith.constant 0 : i32
        %dma_wait3A_176 = tpu.memref_slice %arg7[%mul3A_32, %dma_wait3A_175] : memref<10112x128xf32, #tpu.memory_space<hbm>> -> memref<632x80xf32, #tpu.memory_space<hbm>>
        %dma_wait3A_177 = arith.constant 0 : i32
        %dma_wait3A_178 = tpu.memref_slice %arg14[%mul3A_32, %dma_wait3A_177] : memref<10112x80xf32, #tpu.memory_space<vmem_shared>> -> memref<632x80xf32, #tpu.memory_space<vmem_shared>>
        tpu.wait_dma2 semaphore(%run_scoped3A_170 : memref<!tpu.dma_semaphore, #tpu.memory_space<semaphore_mem>>) src(%dma_wait3A_178 : memref<632x80xf32, #tpu.memory_space<vmem_shared>>) dst(%dma_wait3A_176 : memref<632x80xf32, #tpu.memory_space<hbm>>)
        tpu.yield
      }) : () -> ()
    } else {
    }
    return
  }
}

#map = affine_map<(d0, d1) -> (0, 0)>
#map1 = affine_map<(d0, d1) -> (0, 0, 0)>
module attributes {stable_mosaic.version = 14 : i64} {
  func.func @_sc2_body(%arg0: i32, %arg1: i32, %arg2: memref<10000x16xf32, #tpu.memory_space<hbm>>, %arg3: memref<2500x2x128xi32, #tpu.memory_space<hbm>>, %arg4: memref<10112x128xf32, #tpu.memory_space<hbm>>, %arg5: memref<10112x128xf32, #tpu.memory_space<hbm>>, %arg6: memref<79x2x128xi32, #tpu.memory_space<vmem>>, %arg7: memref<2x128x16xf32, #tpu.memory_space<vmem>>, %arg8: memref<2x128x16xf32, #tpu.memory_space<vmem>>, %arg9: memref<128xf32, #tpu.memory_space<vmem>>, %arg10: memref<2x128x16xf32, #tpu.memory_space<vmem>>, %arg11: memref<128xi32, #tpu.memory_space<vmem>>, %arg12: memref<10112x16xf32, #tpu.memory_space<vmem_shared>>, %arg13: memref<2x!tpu.dma_semaphore, #tpu.memory_space<semaphore_mem>>, %arg14: memref<2x!tpu.dma_semaphore, #tpu.memory_space<semaphore_mem>>, %arg15: memref<!tpu.dma_semaphore, #tpu.memory_space<semaphore_mem>>) attributes {dimension_semantics = [#tpu.dimension_semantics<core_parallel>, #tpu.dimension_semantics<subcore_parallel>], iteration_bounds = array<i64: 2, 16>, scalar_prefetch = 0 : i64, scratch_operands = 10 : i64, tpu.core_type = #tpu.core_type<sc_vector_subcore>, window_params = [{transform_indices = #map}, {transform_indices = #map1}, {transform_indices = #map}, {transform_indices = #map}]} {
    %mul3A = arith.constant 16 : i32
    %mul3A_0 = arith.muli %arg0, %mul3A : i32
    %add3A = arith.addi %mul3A_0, %arg1 : i32
    %iota3A = tpu.iota {dimensions = array<i32: 0>} : vector<16xi32>
    %broadcast_in_dim3A = arith.constant 0.000000e+00 : f32
    %broadcast_in_dim3A_1 = vector.broadcast %broadcast_in_dim3A : f32 to vector<16xf32>
    %broadcast_in_dim3A_2 = arith.constant 10 : i32
    %broadcast_in_dim3A_3 = vector.broadcast %broadcast_in_dim3A_2 : i32 to vector<16xi32>
    %broadcast_in_dim3A_4 = arith.constant 11 : i32
    %broadcast_in_dim3A_5 = vector.broadcast %broadcast_in_dim3A_4 : i32 to vector<16xi32>
    %mul3A_6 = arith.constant 78 : i32
    %mul3A_7 = arith.muli %add3A, %mul3A_6 : i32
    %dma_start3A = arith.constant 0 : i32
    %dma_start3A_8 = arith.constant 0 : i32
    %dma_start3A_9 = arith.constant 0 : i32
    %dma_start3A_10 = tpu.memref_slice %arg6[%dma_start3A, %dma_start3A_8, %dma_start3A_9] : memref<79x2x128xi32, #tpu.memory_space<vmem>> -> memref<78x2x128xi32, #tpu.memory_space<vmem>>
    %dma_start3A_11 = arith.constant 0 : i32
    %dma_start3A_12 = arith.constant 0 : i32
    %dma_start3A_13 = tpu.memref_slice %arg3[%mul3A_7, %dma_start3A_11, %dma_start3A_12] : memref<2500x2x128xi32, #tpu.memory_space<hbm>> -> memref<78x2x128xi32, #tpu.memory_space<hbm>>
    %dma_start3A_14 = arith.constant 0 : i32
    %dma_start3A_15 = arith.constant 0 : i32
    %dma_start3A_16 = arith.constant 0 : i32
    %dma_start3A_17 = tpu.memref_slice %arg6[%dma_start3A_14, %dma_start3A_15, %dma_start3A_16] : memref<79x2x128xi32, #tpu.memory_space<vmem>> -> memref<78x2x128xi32, #tpu.memory_space<vmem>>
    %dma_start3A_18 = arith.constant 0 : i32
    %dma_start3A_19 = arith.constant 0 : i32
    %dma_start3A_20 = tpu.memref_slice %arg3[%mul3A_7, %dma_start3A_18, %dma_start3A_19] : memref<2500x2x128xi32, #tpu.memory_space<hbm>> -> memref<78x2x128xi32, #tpu.memory_space<hbm>>
    tpu.enqueue_dma source(%dma_start3A_20 : memref<78x2x128xi32, #tpu.memory_space<hbm>>) target(%dma_start3A_17 : memref<78x2x128xi32, #tpu.memory_space<vmem>>) target_semaphore(%arg15 : memref<!tpu.dma_semaphore, #tpu.memory_space<semaphore_mem>>)
    %scan3A = arith.constant 0 : i32
    %scan3A_21 = arith.constant 128 : i32
    %scan3A_22 = arith.addi %scan3A, %scan3A_21 : i32
    %scan3A_23 = arith.constant 1 : i32
    scf.for %scan3A_162 = %scan3A to %scan3A_22 step %scan3A_23  : i32 {
      %mul3A_163 = arith.constant 1 : i32
      %mul3A_164 = arith.muli %scan3A_162, %mul3A_163 : i32
      %add3A_165 = arith.constant 0 : i32
      %add3A_166 = arith.addi %add3A_165, %mul3A_164 : i32
      %swap3A = arith.constant 0 : i32
      %swap3A_167 = arith.index_cast %swap3A : i32 to index
      %swap3A_168 = arith.index_cast %add3A_166 : i32 to index
      %swap3A_169 = arith.constant 0 : index
      %swap3A_170 = tpu.vector_load %arg10[%swap3A_167, %swap3A_168, %swap3A_169] {strides = array<i32>} : memref<2x128x16xf32, #tpu.memory_space<vmem>>, vector<16xf32>,
      tpu.vector_store %arg10[%swap3A_167, %swap3A_168, %swap3A_169], %broadcast_in_dim3A_1 {strides = array<i32>} : memref<2x128x16xf32, #tpu.memory_space<vmem>>, vector<16xf32>,
    }
    %scan3A_24 = arith.constant 128 : i32
    %scan3A_25 = arith.constant 0 : i32
    %scan3A_26 = arith.constant 128 : i32
    %scan3A_27 = arith.addi %scan3A_25, %scan3A_26 : i32
    %scan3A_28 = arith.constant 1 : i32
    scf.for %scan3A_162 = %scan3A_25 to %scan3A_27 step %scan3A_28  : i32 {
      %mul3A_163 = arith.constant 1 : i32
      %mul3A_164 = arith.muli %scan3A_162, %mul3A_163 : i32
      %add3A_165 = arith.constant 0 : i32
      %add3A_166 = arith.addi %add3A_165, %mul3A_164 : i32
      %swap3A = arith.constant 1 : i32
      %swap3A_167 = arith.index_cast %swap3A : i32 to index
      %swap3A_168 = arith.index_cast %add3A_166 : i32 to index
      %swap3A_169 = arith.constant 0 : index
      %swap3A_170 = tpu.vector_load %arg10[%swap3A_167, %swap3A_168, %swap3A_169] {strides = array<i32>} : memref<2x128x16xf32, #tpu.memory_space<vmem>>, vector<16xf32>,
      tpu.vector_store %arg10[%swap3A_167, %swap3A_168, %swap3A_169], %broadcast_in_dim3A_1 {strides = array<i32>} : memref<2x128x16xf32, #tpu.memory_space<vmem>>, vector<16xf32>,
    }
    %scan3A_29 = arith.constant 128 : i32
    %scan3A_30 = arith.constant 0 : i32
    %scan3A_31 = arith.constant 8 : i32
    %scan3A_32 = arith.addi %scan3A_30, %scan3A_31 : i32
    %scan3A_33 = arith.constant 1 : i32
    scf.for %scan3A_162 = %scan3A_30 to %scan3A_32 step %scan3A_33  : i32 {
      %mul3A_163 = arith.constant 1 : i32
      %mul3A_164 = arith.muli %scan3A_162, %mul3A_163 : i32
      %add3A_165 = arith.constant 0 : i32
      %add3A_166 = arith.addi %add3A_165, %mul3A_164 : i32
      %mul3A_167 = arith.constant 0 : i32
      %mul3A_168 = vector.broadcast %mul3A_167 : i32 to vector<16xi32>
      %mul3A_169 = arith.muli %iota3A, %mul3A_168 : vector<16xi32>
      %add3A_170 = arith.constant 10000 : i32
      %add3A_171 = vector.broadcast %add3A_170 : i32 to vector<16xi32>
      %add3A_172 = arith.addi %mul3A_169, %add3A_171 : vector<16xi32>
      %mul3A_173 = arith.constant 16 : i32
      %mul3A_174 = arith.muli %add3A_166, %mul3A_173 : i32
      %swap3A = arith.index_cast %mul3A_174 : i32 to index
      %swap3A_175 = tpu.vector_load %arg11[%swap3A] {strides = array<i32>} : memref<128xi32, #tpu.memory_space<vmem>>, vector<16xi32>,
      tpu.vector_store %arg11[%swap3A], %add3A_172 {strides = array<i32>} : memref<128xi32, #tpu.memory_space<vmem>>, vector<16xi32>,
    }
    %scan3A_34 = arith.constant 8 : i32
    %mul3A_35 = arith.constant 632 : i32
    %mul3A_36 = arith.muli %arg1, %mul3A_35 : i32
    %add3A_37 = arith.constant 0 : i32
    %add3A_38 = arith.addi %mul3A_36, %add3A_37 : i32
    %run_scoped3A = arith.constant 0 : i32
    "tpu.region"() ({
      %run_scoped3A_162 = tpu.sem_alloc : memref<!tpu.dma_semaphore, #tpu.memory_space<semaphore_mem>>
      %dma_start3A_163 = arith.constant 0 : i32
      %dma_start3A_164 = arith.constant 0 : i32
      %dma_start3A_165 = tpu.memref_slice %arg10[%run_scoped3A, %dma_start3A_163, %dma_start3A_164] : memref<2x128x16xf32, #tpu.memory_space<vmem>> -> memref<1x128x16xf32, #tpu.memory_space<vmem>>
      %dma_start3A_166 = tpu.memref_squeeze %dma_start3A_165 : memref<1x128x16xf32, #tpu.memory_space<vmem>> -> memref<128x16xf32, #tpu.memory_space<vmem>>
      %dma_start3A_167 = arith.constant 0 : i32
      %dma_start3A_168 = tpu.memref_slice %arg12[%add3A_38, %dma_start3A_167] : memref<10112x16xf32, #tpu.memory_space<vmem_shared>> -> memref<128x16xf32, #tpu.memory_space<vmem_shared>>
      %dma_start3A_169 = arith.constant 0 : i32
      %dma_start3A_170 = tpu.memref_slice %arg12[%add3A_38, %dma_start3A_169] : memref<10112x16xf32, #tpu.memory_space<vmem_shared>> -> memref<128x16xf32, #tpu.memory_space<vmem_shared>>
      %dma_start3A_171 = arith.constant 0 : i32
      %dma_start3A_172 = arith.constant 0 : i32
      %dma_start3A_173 = tpu.memref_slice %arg10[%run_scoped3A, %dma_start3A_171, %dma_start3A_172] : memref<2x128x16xf32, #tpu.memory_space<vmem>> -> memref<1x128x16xf32, #tpu.memory_space<vmem>>
      %dma_start3A_174 = tpu.memref_squeeze %dma_start3A_173 : memref<1x128x16xf32, #tpu.memory_space<vmem>> -> memref<128x16xf32, #tpu.memory_space<vmem>>
      tpu.enqueue_dma source(%dma_start3A_174 : memref<128x16xf32, #tpu.memory_space<vmem>>) target(%dma_start3A_170 : memref<128x16xf32, #tpu.memory_space<vmem_shared>>) target_semaphore(%run_scoped3A_162 : memref<!tpu.dma_semaphore, #tpu.memory_space<semaphore_mem>>)
      %dma_wait3A_175 = arith.constant 0 : i32
      %dma_wait3A_176 = arith.constant 0 : i32
      %dma_wait3A_177 = tpu.memref_slice %arg10[%run_scoped3A, %dma_wait3A_175, %dma_wait3A_176] : memref<2x128x16xf32, #tpu.memory_space<vmem>> -> memref<1x128x16xf32, #tpu.memory_space<vmem>>
      %dma_wait3A_178 = tpu.memref_squeeze %dma_wait3A_177 : memref<1x128x16xf32, #tpu.memory_space<vmem>> -> memref<128x16xf32, #tpu.memory_space<vmem>>
      %dma_wait3A_179 = arith.constant 0 : i32
      %dma_wait3A_180 = tpu.memref_slice %arg12[%add3A_38, %dma_wait3A_179] : memref<10112x16xf32, #tpu.memory_space<vmem_shared>> -> memref<128x16xf32, #tpu.memory_space<vmem_shared>>
      %dma_wait3A_181 = arith.constant 0 : i32
      %dma_wait3A_182 = tpu.memref_slice %arg12[%add3A_38, %dma_wait3A_181] : memref<10112x16xf32, #tpu.memory_space<vmem_shared>> -> memref<128x16xf32, #tpu.memory_space<vmem_shared>>
      %dma_wait3A_183 = arith.constant 0 : i32
      %dma_wait3A_184 = arith.constant 0 : i32
      %dma_wait3A_185 = tpu.memref_slice %arg10[%run_scoped3A, %dma_wait3A_183, %dma_wait3A_184] : memref<2x128x16xf32, #tpu.memory_space<vmem>> -> memref<1x128x16xf32, #tpu.memory_space<vmem>>
      %dma_wait3A_186 = tpu.memref_squeeze %dma_wait3A_185 : memref<1x128x16xf32, #tpu.memory_space<vmem>> -> memref<128x16xf32, #tpu.memory_space<vmem>>
      tpu.wait_dma2 semaphore(%run_scoped3A_162 : memref<!tpu.dma_semaphore, #tpu.memory_space<semaphore_mem>>) src(%dma_wait3A_186 : memref<128x16xf32, #tpu.memory_space<vmem>>) dst(%dma_wait3A_182 : memref<128x16xf32, #tpu.memory_space<vmem_shared>>)
      tpu.yield
    }) : () -> ()
    %add3A_39 = arith.constant 128 : i32
    %add3A_40 = arith.addi %mul3A_36, %add3A_39 : i32
    %run_scoped3A_41 = arith.constant 0 : i32
    "tpu.region"() ({
      %run_scoped3A_162 = tpu.sem_alloc : memref<!tpu.dma_semaphore, #tpu.memory_space<semaphore_mem>>
      %dma_start3A_163 = arith.constant 0 : i32
      %dma_start3A_164 = arith.constant 0 : i32
      %dma_start3A_165 = tpu.memref_slice %arg10[%run_scoped3A_41, %dma_start3A_163, %dma_start3A_164] : memref<2x128x16xf32, #tpu.memory_space<vmem>> -> memref<1x128x16xf32, #tpu.memory_space<vmem>>
      %dma_start3A_166 = tpu.memref_squeeze %dma_start3A_165 : memref<1x128x16xf32, #tpu.memory_space<vmem>> -> memref<128x16xf32, #tpu.memory_space<vmem>>
      %dma_start3A_167 = arith.constant 0 : i32
      %dma_start3A_168 = tpu.memref_slice %arg12[%add3A_40, %dma_start3A_167] : memref<10112x16xf32, #tpu.memory_space<vmem_shared>> -> memref<128x16xf32, #tpu.memory_space<vmem_shared>>
      %dma_start3A_169 = arith.constant 0 : i32
      %dma_start3A_170 = tpu.memref_slice %arg12[%add3A_40, %dma_start3A_169] : memref<10112x16xf32, #tpu.memory_space<vmem_shared>> -> memref<128x16xf32, #tpu.memory_space<vmem_shared>>
      %dma_start3A_171 = arith.constant 0 : i32
      %dma_start3A_172 = arith.constant 0 : i32
      %dma_start3A_173 = tpu.memref_slice %arg10[%run_scoped3A_41, %dma_start3A_171, %dma_start3A_172] : memref<2x128x16xf32, #tpu.memory_space<vmem>> -> memref<1x128x16xf32, #tpu.memory_space<vmem>>
      %dma_start3A_174 = tpu.memref_squeeze %dma_start3A_173 : memref<1x128x16xf32, #tpu.memory_space<vmem>> -> memref<128x16xf32, #tpu.memory_space<vmem>>
      tpu.enqueue_dma source(%dma_start3A_174 : memref<128x16xf32, #tpu.memory_space<vmem>>) target(%dma_start3A_170 : memref<128x16xf32, #tpu.memory_space<vmem_shared>>) target_semaphore(%run_scoped3A_162 : memref<!tpu.dma_semaphore, #tpu.memory_space<semaphore_mem>>)
      %dma_wait3A_175 = arith.constant 0 : i32
      %dma_wait3A_176 = arith.constant 0 : i32
      %dma_wait3A_177 = tpu.memref_slice %arg10[%run_scoped3A_41, %dma_wait3A_175, %dma_wait3A_176] : memref<2x128x16xf32, #tpu.memory_space<vmem>> -> memref<1x128x16xf32, #tpu.memory_space<vmem>>
      %dma_wait3A_178 = tpu.memref_squeeze %dma_wait3A_177 : memref<1x128x16xf32, #tpu.memory_space<vmem>> -> memref<128x16xf32, #tpu.memory_space<vmem>>
      %dma_wait3A_179 = arith.constant 0 : i32
      %dma_wait3A_180 = tpu.memref_slice %arg12[%add3A_40, %dma_wait3A_179] : memref<10112x16xf32, #tpu.memory_space<vmem_shared>> -> memref<128x16xf32, #tpu.memory_space<vmem_shared>>
      %dma_wait3A_181 = arith.constant 0 : i32
      %dma_wait3A_182 = tpu.memref_slice %arg12[%add3A_40, %dma_wait3A_181] : memref<10112x16xf32, #tpu.memory_space<vmem_shared>> -> memref<128x16xf32, #tpu.memory_space<vmem_shared>>
      %dma_wait3A_183 = arith.constant 0 : i32
      %dma_wait3A_184 = arith.constant 0 : i32
      %dma_wait3A_185 = tpu.memref_slice %arg10[%run_scoped3A_41, %dma_wait3A_183, %dma_wait3A_184] : memref<2x128x16xf32, #tpu.memory_space<vmem>> -> memref<1x128x16xf32, #tpu.memory_space<vmem>>
      %dma_wait3A_186 = tpu.memref_squeeze %dma_wait3A_185 : memref<1x128x16xf32, #tpu.memory_space<vmem>> -> memref<128x16xf32, #tpu.memory_space<vmem>>
      tpu.wait_dma2 semaphore(%run_scoped3A_162 : memref<!tpu.dma_semaphore, #tpu.memory_space<semaphore_mem>>) src(%dma_wait3A_186 : memref<128x16xf32, #tpu.memory_space<vmem>>) dst(%dma_wait3A_182 : memref<128x16xf32, #tpu.memory_space<vmem_shared>>)
      tpu.yield
    }) : () -> ()
    %add3A_42 = arith.constant 256 : i32
    %add3A_43 = arith.addi %mul3A_36, %add3A_42 : i32
    %run_scoped3A_44 = arith.constant 0 : i32
    "tpu.region"() ({
      %run_scoped3A_162 = tpu.sem_alloc : memref<!tpu.dma_semaphore, #tpu.memory_space<semaphore_mem>>
      %dma_start3A_163 = arith.constant 0 : i32
      %dma_start3A_164 = arith.constant 0 : i32
      %dma_start3A_165 = tpu.memref_slice %arg10[%run_scoped3A_44, %dma_start3A_163, %dma_start3A_164] : memref<2x128x16xf32, #tpu.memory_space<vmem>> -> memref<1x128x16xf32, #tpu.memory_space<vmem>>
      %dma_start3A_166 = tpu.memref_squeeze %dma_start3A_165 : memref<1x128x16xf32, #tpu.memory_space<vmem>> -> memref<128x16xf32, #tpu.memory_space<vmem>>
      %dma_start3A_167 = arith.constant 0 : i32
      %dma_start3A_168 = tpu.memref_slice %arg12[%add3A_43, %dma_start3A_167] : memref<10112x16xf32, #tpu.memory_space<vmem_shared>> -> memref<128x16xf32, #tpu.memory_space<vmem_shared>>
      %dma_start3A_169 = arith.constant 0 : i32
      %dma_start3A_170 = tpu.memref_slice %arg12[%add3A_43, %dma_start3A_169] : memref<10112x16xf32, #tpu.memory_space<vmem_shared>> -> memref<128x16xf32, #tpu.memory_space<vmem_shared>>
      %dma_start3A_171 = arith.constant 0 : i32
      %dma_start3A_172 = arith.constant 0 : i32
      %dma_start3A_173 = tpu.memref_slice %arg10[%run_scoped3A_44, %dma_start3A_171, %dma_start3A_172] : memref<2x128x16xf32, #tpu.memory_space<vmem>> -> memref<1x128x16xf32, #tpu.memory_space<vmem>>
      %dma_start3A_174 = tpu.memref_squeeze %dma_start3A_173 : memref<1x128x16xf32, #tpu.memory_space<vmem>> -> memref<128x16xf32, #tpu.memory_space<vmem>>
      tpu.enqueue_dma source(%dma_start3A_174 : memref<128x16xf32, #tpu.memory_space<vmem>>) target(%dma_start3A_170 : memref<128x16xf32, #tpu.memory_space<vmem_shared>>) target_semaphore(%run_scoped3A_162 : memref<!tpu.dma_semaphore, #tpu.memory_space<semaphore_mem>>)
      %dma_wait3A_175 = arith.constant 0 : i32
      %dma_wait3A_176 = arith.constant 0 : i32
      %dma_wait3A_177 = tpu.memref_slice %arg10[%run_scoped3A_44, %dma_wait3A_175, %dma_wait3A_176] : memref<2x128x16xf32, #tpu.memory_space<vmem>> -> memref<1x128x16xf32, #tpu.memory_space<vmem>>
      %dma_wait3A_178 = tpu.memref_squeeze %dma_wait3A_177 : memref<1x128x16xf32, #tpu.memory_space<vmem>> -> memref<128x16xf32, #tpu.memory_space<vmem>>
      %dma_wait3A_179 = arith.constant 0 : i32
      %dma_wait3A_180 = tpu.memref_slice %arg12[%add3A_43, %dma_wait3A_179] : memref<10112x16xf32, #tpu.memory_space<vmem_shared>> -> memref<128x16xf32, #tpu.memory_space<vmem_shared>>
      %dma_wait3A_181 = arith.constant 0 : i32
      %dma_wait3A_182 = tpu.memref_slice %arg12[%add3A_43, %dma_wait3A_181] : memref<10112x16xf32, #tpu.memory_space<vmem_shared>> -> memref<128x16xf32, #tpu.memory_space<vmem_shared>>
      %dma_wait3A_183 = arith.constant 0 : i32
      %dma_wait3A_184 = arith.constant 0 : i32
      %dma_wait3A_185 = tpu.memref_slice %arg10[%run_scoped3A_44, %dma_wait3A_183, %dma_wait3A_184] : memref<2x128x16xf32, #tpu.memory_space<vmem>> -> memref<1x128x16xf32, #tpu.memory_space<vmem>>
      %dma_wait3A_186 = tpu.memref_squeeze %dma_wait3A_185 : memref<1x128x16xf32, #tpu.memory_space<vmem>> -> memref<128x16xf32, #tpu.memory_space<vmem>>
      tpu.wait_dma2 semaphore(%run_scoped3A_162 : memref<!tpu.dma_semaphore, #tpu.memory_space<semaphore_mem>>) src(%dma_wait3A_186 : memref<128x16xf32, #tpu.memory_space<vmem>>) dst(%dma_wait3A_182 : memref<128x16xf32, #tpu.memory_space<vmem_shared>>)
      tpu.yield
    }) : () -> ()
    %add3A_45 = arith.constant 384 : i32
    %add3A_46 = arith.addi %mul3A_36, %add3A_45 : i32
    %run_scoped3A_47 = arith.constant 0 : i32
    "tpu.region"() ({
      %run_scoped3A_162 = tpu.sem_alloc : memref<!tpu.dma_semaphore, #tpu.memory_space<semaphore_mem>>
      %dma_start3A_163 = arith.constant 0 : i32
      %dma_start3A_164 = arith.constant 0 : i32
      %dma_start3A_165 = tpu.memref_slice %arg10[%run_scoped3A_47, %dma_start3A_163, %dma_start3A_164] : memref<2x128x16xf32, #tpu.memory_space<vmem>> -> memref<1x128x16xf32, #tpu.memory_space<vmem>>
      %dma_start3A_166 = tpu.memref_squeeze %dma_start3A_165 : memref<1x128x16xf32, #tpu.memory_space<vmem>> -> memref<128x16xf32, #tpu.memory_space<vmem>>
      %dma_start3A_167 = arith.constant 0 : i32
      %dma_start3A_168 = tpu.memref_slice %arg12[%add3A_46, %dma_start3A_167] : memref<10112x16xf32, #tpu.memory_space<vmem_shared>> -> memref<128x16xf32, #tpu.memory_space<vmem_shared>>
      %dma_start3A_169 = arith.constant 0 : i32
      %dma_start3A_170 = tpu.memref_slice %arg12[%add3A_46, %dma_start3A_169] : memref<10112x16xf32, #tpu.memory_space<vmem_shared>> -> memref<128x16xf32, #tpu.memory_space<vmem_shared>>
      %dma_start3A_171 = arith.constant 0 : i32
      %dma_start3A_172 = arith.constant 0 : i32
      %dma_start3A_173 = tpu.memref_slice %arg10[%run_scoped3A_47, %dma_start3A_171, %dma_start3A_172] : memref<2x128x16xf32, #tpu.memory_space<vmem>> -> memref<1x128x16xf32, #tpu.memory_space<vmem>>
      %dma_start3A_174 = tpu.memref_squeeze %dma_start3A_173 : memref<1x128x16xf32, #tpu.memory_space<vmem>> -> memref<128x16xf32, #tpu.memory_space<vmem>>
      tpu.enqueue_dma source(%dma_start3A_174 : memref<128x16xf32, #tpu.memory_space<vmem>>) target(%dma_start3A_170 : memref<128x16xf32, #tpu.memory_space<vmem_shared>>) target_semaphore(%run_scoped3A_162 : memref<!tpu.dma_semaphore, #tpu.memory_space<semaphore_mem>>)
      %dma_wait3A_175 = arith.constant 0 : i32
      %dma_wait3A_176 = arith.constant 0 : i32
      %dma_wait3A_177 = tpu.memref_slice %arg10[%run_scoped3A_47, %dma_wait3A_175, %dma_wait3A_176] : memref<2x128x16xf32, #tpu.memory_space<vmem>> -> memref<1x128x16xf32, #tpu.memory_space<vmem>>
      %dma_wait3A_178 = tpu.memref_squeeze %dma_wait3A_177 : memref<1x128x16xf32, #tpu.memory_space<vmem>> -> memref<128x16xf32, #tpu.memory_space<vmem>>
      %dma_wait3A_179 = arith.constant 0 : i32
      %dma_wait3A_180 = tpu.memref_slice %arg12[%add3A_46, %dma_wait3A_179] : memref<10112x16xf32, #tpu.memory_space<vmem_shared>> -> memref<128x16xf32, #tpu.memory_space<vmem_shared>>
      %dma_wait3A_181 = arith.constant 0 : i32
      %dma_wait3A_182 = tpu.memref_slice %arg12[%add3A_46, %dma_wait3A_181] : memref<10112x16xf32, #tpu.memory_space<vmem_shared>> -> memref<128x16xf32, #tpu.memory_space<vmem_shared>>
      %dma_wait3A_183 = arith.constant 0 : i32
      %dma_wait3A_184 = arith.constant 0 : i32
      %dma_wait3A_185 = tpu.memref_slice %arg10[%run_scoped3A_47, %dma_wait3A_183, %dma_wait3A_184] : memref<2x128x16xf32, #tpu.memory_space<vmem>> -> memref<1x128x16xf32, #tpu.memory_space<vmem>>
      %dma_wait3A_186 = tpu.memref_squeeze %dma_wait3A_185 : memref<1x128x16xf32, #tpu.memory_space<vmem>> -> memref<128x16xf32, #tpu.memory_space<vmem>>
      tpu.wait_dma2 semaphore(%run_scoped3A_162 : memref<!tpu.dma_semaphore, #tpu.memory_space<semaphore_mem>>) src(%dma_wait3A_186 : memref<128x16xf32, #tpu.memory_space<vmem>>) dst(%dma_wait3A_182 : memref<128x16xf32, #tpu.memory_space<vmem_shared>>)
      tpu.yield
    }) : () -> ()
    %add3A_48 = arith.constant 512 : i32
    %add3A_49 = arith.addi %mul3A_36, %add3A_48 : i32
    %run_scoped3A_50 = arith.constant 0 : i32
    "tpu.region"() ({
      %run_scoped3A_162 = tpu.sem_alloc : memref<!tpu.dma_semaphore, #tpu.memory_space<semaphore_mem>>
      %dma_start3A_163 = arith.constant 0 : i32
      %dma_start3A_164 = arith.constant 0 : i32
      %dma_start3A_165 = tpu.memref_slice %arg10[%run_scoped3A_50, %dma_start3A_163, %dma_start3A_164] : memref<2x128x16xf32, #tpu.memory_space<vmem>> -> memref<1x128x16xf32, #tpu.memory_space<vmem>>
      %dma_start3A_166 = tpu.memref_squeeze %dma_start3A_165 : memref<1x128x16xf32, #tpu.memory_space<vmem>> -> memref<128x16xf32, #tpu.memory_space<vmem>>
      %dma_start3A_167 = arith.constant 0 : i32
      %dma_start3A_168 = arith.constant 0 : i32
      %dma_start3A_169 = tpu.memref_slice %dma_start3A_166[%dma_start3A_167, %dma_start3A_168] : memref<128x16xf32, #tpu.memory_space<vmem>> -> memref<120x16xf32, #tpu.memory_space<vmem>>
      %dma_start3A_170 = arith.constant 0 : i32
      %dma_start3A_171 = tpu.memref_slice %arg12[%add3A_49, %dma_start3A_170] : memref<10112x16xf32, #tpu.memory_space<vmem_shared>> -> memref<120x16xf32, #tpu.memory_space<vmem_shared>>
      %dma_start3A_172 = arith.constant 0 : i32
      %dma_start3A_173 = tpu.memref_slice %arg12[%add3A_49, %dma_start3A_172] : memref<10112x16xf32, #tpu.memory_space<vmem_shared>> -> memref<120x16xf32, #tpu.memory_space<vmem_shared>>
      %dma_start3A_174 = arith.constant 0 : i32
      %dma_start3A_175 = arith.constant 0 : i32
      %dma_start3A_176 = tpu.memref_slice %arg10[%run_scoped3A_50, %dma_start3A_174, %dma_start3A_175] : memref<2x128x16xf32, #tpu.memory_space<vmem>> -> memref<1x128x16xf32, #tpu.memory_space<vmem>>
      %dma_start3A_177 = tpu.memref_squeeze %dma_start3A_176 : memref<1x128x16xf32, #tpu.memory_space<vmem>> -> memref<128x16xf32, #tpu.memory_space<vmem>>
      %dma_start3A_178 = arith.constant 0 : i32
      %dma_start3A_179 = arith.constant 0 : i32
      %dma_start3A_180 = tpu.memref_slice %dma_start3A_177[%dma_start3A_178, %dma_start3A_179] : memref<128x16xf32, #tpu.memory_space<vmem>> -> memref<120x16xf32, #tpu.memory_space<vmem>>
      tpu.enqueue_dma source(%dma_start3A_180 : memref<120x16xf32, #tpu.memory_space<vmem>>) target(%dma_start3A_173 : memref<120x16xf32, #tpu.memory_space<vmem_shared>>) target_semaphore(%run_scoped3A_162 : memref<!tpu.dma_semaphore, #tpu.memory_space<semaphore_mem>>)
      %dma_wait3A_181 = arith.constant 0 : i32
      %dma_wait3A_182 = arith.constant 0 : i32
      %dma_wait3A_183 = tpu.memref_slice %arg10[%run_scoped3A_50, %dma_wait3A_181, %dma_wait3A_182] : memref<2x128x16xf32, #tpu.memory_space<vmem>> -> memref<1x128x16xf32, #tpu.memory_space<vmem>>
      %dma_wait3A_184 = tpu.memref_squeeze %dma_wait3A_183 : memref<1x128x16xf32, #tpu.memory_space<vmem>> -> memref<128x16xf32, #tpu.memory_space<vmem>>
      %dma_wait3A_185 = arith.constant 0 : i32
      %dma_wait3A_186 = arith.constant 0 : i32
      %dma_wait3A_187 = tpu.memref_slice %dma_wait3A_184[%dma_wait3A_185, %dma_wait3A_186] : memref<128x16xf32, #tpu.memory_space<vmem>> -> memref<120x16xf32, #tpu.memory_space<vmem>>
      %dma_wait3A_188 = arith.constant 0 : i32
      %dma_wait3A_189 = tpu.memref_slice %arg12[%add3A_49, %dma_wait3A_188] : memref<10112x16xf32, #tpu.memory_space<vmem_shared>> -> memref<120x16xf32, #tpu.memory_space<vmem_shared>>
      %dma_wait3A_190 = arith.constant 0 : i32
      %dma_wait3A_191 = tpu.memref_slice %arg12[%add3A_49, %dma_wait3A_190] : memref<10112x16xf32, #tpu.memory_space<vmem_shared>> -> memref<120x16xf32, #tpu.memory_space<vmem_shared>>
      %dma_wait3A_192 = arith.constant 0 : i32
      %dma_wait3A_193 = arith.constant 0 : i32
      %dma_wait3A_194 = tpu.memref_slice %arg10[%run_scoped3A_50, %dma_wait3A_192, %dma_wait3A_193] : memref<2x128x16xf32, #tpu.memory_space<vmem>> -> memref<1x128x16xf32, #tpu.memory_space<vmem>>
      %dma_wait3A_195 = tpu.memref_squeeze %dma_wait3A_194 : memref<1x128x16xf32, #tpu.memory_space<vmem>> -> memref<128x16xf32, #tpu.memory_space<vmem>>
      %dma_wait3A_196 = arith.constant 0 : i32
      %dma_wait3A_197 = arith.constant 0 : i32
      %dma_wait3A_198 = tpu.memref_slice %dma_wait3A_195[%dma_wait3A_196, %dma_wait3A_197] : memref<128x16xf32, #tpu.memory_space<vmem>> -> memref<120x16xf32, #tpu.memory_space<vmem>>
      tpu.wait_dma2 semaphore(%run_scoped3A_162 : memref<!tpu.dma_semaphore, #tpu.memory_space<semaphore_mem>>) src(%dma_wait3A_198 : memref<120x16xf32, #tpu.memory_space<vmem>>) dst(%dma_wait3A_191 : memref<120x16xf32, #tpu.memory_space<vmem_shared>>)
      tpu.yield
    }) : () -> ()
    %dma_wait3A = arith.constant 0 : i32
    %dma_wait3A_51 = arith.constant 0 : i32
    %dma_wait3A_52 = arith.constant 0 : i32
    %dma_wait3A_53 = tpu.memref_slice %arg6[%dma_wait3A, %dma_wait3A_51, %dma_wait3A_52] : memref<79x2x128xi32, #tpu.memory_space<vmem>> -> memref<78x2x128xi32, #tpu.memory_space<vmem>>
    %dma_wait3A_54 = arith.constant 0 : i32
    %dma_wait3A_55 = arith.constant 0 : i32
    %dma_wait3A_56 = tpu.memref_slice %arg3[%mul3A_7, %dma_wait3A_54, %dma_wait3A_55] : memref<2500x2x128xi32, #tpu.memory_space<hbm>> -> memref<78x2x128xi32, #tpu.memory_space<hbm>>
    %dma_wait3A_57 = arith.constant 0 : i32
    %dma_wait3A_58 = arith.constant 0 : i32
    %dma_wait3A_59 = arith.constant 0 : i32
    %dma_wait3A_60 = tpu.memref_slice %arg6[%dma_wait3A_57, %dma_wait3A_58, %dma_wait3A_59] : memref<79x2x128xi32, #tpu.memory_space<vmem>> -> memref<78x2x128xi32, #tpu.memory_space<vmem>>
    %dma_wait3A_61 = arith.constant 0 : i32
    %dma_wait3A_62 = arith.constant 0 : i32
    %dma_wait3A_63 = tpu.memref_slice %arg3[%mul3A_7, %dma_wait3A_61, %dma_wait3A_62] : memref<2500x2x128xi32, #tpu.memory_space<hbm>> -> memref<78x2x128xi32, #tpu.memory_space<hbm>>
    tpu.wait_dma2 semaphore(%arg15 : memref<!tpu.dma_semaphore, #tpu.memory_space<semaphore_mem>>) src(%dma_wait3A_63 : memref<78x2x128xi32, #tpu.memory_space<hbm>>) dst(%dma_wait3A_60 : memref<78x2x128xi32, #tpu.memory_space<vmem>>)
    %lt3A = arith.constant 4 : i32
    %lt3A_64 = arith.cmpi slt, %add3A, %lt3A : i32
    %convert_element_type3A = arith.extui %lt3A_64 : i1 to i32
    %cond3A = arith.constant 0 : i32
    %cond3A_65 = arith.cmpi ne, %convert_element_type3A, %cond3A : i32
    scf.if %cond3A_65 {
      %add3A_162 = arith.constant 2496 : i32
      %add3A_163 = arith.addi %add3A_162, %add3A : i32
      "tpu.region"() ({
        %run_scoped3A_164 = tpu.sem_alloc : memref<!tpu.dma_semaphore, #tpu.memory_space<semaphore_mem>>
        %dma_start3A_165 = arith.constant 78 : i32
        %dma_start3A_166 = arith.constant 0 : i32
        %dma_start3A_167 = arith.constant 0 : i32
        %dma_start3A_168 = tpu.memref_slice %arg6[%dma_start3A_165, %dma_start3A_166, %dma_start3A_167] : memref<79x2x128xi32, #tpu.memory_space<vmem>> -> memref<1x2x128xi32, #tpu.memory_space<vmem>>
        %dma_start3A_169 = arith.constant 0 : i32
        %dma_start3A_170 = arith.constant 0 : i32
        %dma_start3A_171 = tpu.memref_slice %arg3[%add3A_163, %dma_start3A_169, %dma_start3A_170] : memref<2500x2x128xi32, #tpu.memory_space<hbm>> -> memref<1x2x128xi32, #tpu.memory_space<hbm>>
        %dma_start3A_172 = arith.constant 78 : i32
        %dma_start3A_173 = arith.constant 0 : i32
        %dma_start3A_174 = arith.constant 0 : i32
        %dma_start3A_175 = tpu.memref_slice %arg6[%dma_start3A_172, %dma_start3A_173, %dma_start3A_174] : memref<79x2x128xi32, #tpu.memory_space<vmem>> -> memref<1x2x128xi32, #tpu.memory_space<vmem>>
        %dma_start3A_176 = arith.constant 0 : i32
        %dma_start3A_177 = arith.constant 0 : i32
        %dma_start3A_178 = tpu.memref_slice %arg3[%add3A_163, %dma_start3A_176, %dma_start3A_177] : memref<2500x2x128xi32, #tpu.memory_space<hbm>> -> memref<1x2x128xi32, #tpu.memory_space<hbm>>
        tpu.enqueue_dma source(%dma_start3A_178 : memref<1x2x128xi32, #tpu.memory_space<hbm>>) target(%dma_start3A_175 : memref<1x2x128xi32, #tpu.memory_space<vmem>>) target_semaphore(%run_scoped3A_164 : memref<!tpu.dma_semaphore, #tpu.memory_space<semaphore_mem>>)
        %dma_wait3A_179 = arith.constant 78 : i32
        %dma_wait3A_180 = arith.constant 0 : i32
        %dma_wait3A_181 = arith.constant 0 : i32
        %dma_wait3A_182 = tpu.memref_slice %arg6[%dma_wait3A_179, %dma_wait3A_180, %dma_wait3A_181] : memref<79x2x128xi32, #tpu.memory_space<vmem>> -> memref<1x2x128xi32, #tpu.memory_space<vmem>>
        %dma_wait3A_183 = arith.constant 0 : i32
        %dma_wait3A_184 = arith.constant 0 : i32
        %dma_wait3A_185 = tpu.memref_slice %arg3[%add3A_163, %dma_wait3A_183, %dma_wait3A_184] : memref<2500x2x128xi32, #tpu.memory_space<hbm>> -> memref<1x2x128xi32, #tpu.memory_space<hbm>>
        %dma_wait3A_186 = arith.constant 78 : i32
        %dma_wait3A_187 = arith.constant 0 : i32
        %dma_wait3A_188 = arith.constant 0 : i32
        %dma_wait3A_189 = tpu.memref_slice %arg6[%dma_wait3A_186, %dma_wait3A_187, %dma_wait3A_188] : memref<79x2x128xi32, #tpu.memory_space<vmem>> -> memref<1x2x128xi32, #tpu.memory_space<vmem>>
        %dma_wait3A_190 = arith.constant 0 : i32
        %dma_wait3A_191 = arith.constant 0 : i32
        %dma_wait3A_192 = tpu.memref_slice %arg3[%add3A_163, %dma_wait3A_190, %dma_wait3A_191] : memref<2500x2x128xi32, #tpu.memory_space<hbm>> -> memref<1x2x128xi32, #tpu.memory_space<hbm>>
        tpu.wait_dma2 semaphore(%run_scoped3A_164 : memref<!tpu.dma_semaphore, #tpu.memory_space<semaphore_mem>>) src(%dma_wait3A_192 : memref<1x2x128xi32, #tpu.memory_space<hbm>>) dst(%dma_wait3A_189 : memref<1x2x128xi32, #tpu.memory_space<vmem>>)
        tpu.yield
      }) : () -> ()
    } else {
    }
    %barrier3A = arith.constant 0 : index
    tpu.barrier barrier_id(%barrier3A)
    %dma_start3A_66 = arith.constant 0 : i32
    %dma_start3A_67 = arith.constant 0 : i32
    %dma_start3A_68 = arith.constant 0 : i32
    %dma_start3A_69 = arith.constant 0 : i32
    %dma_start3A_70 = tpu.memref_slice %arg10[%dma_start3A_66, %dma_start3A_68, %dma_start3A_69] : memref<2x128x16xf32, #tpu.memory_space<vmem>> -> memref<1x128x16xf32, #tpu.memory_space<vmem>>
    %dma_start3A_71 = tpu.memref_squeeze %dma_start3A_70 : memref<1x128x16xf32, #tpu.memory_space<vmem>> -> memref<128x16xf32, #tpu.memory_space<vmem>>
    %dma_start3A_72 = arith.constant 0 : i32
    %dma_start3A_73 = arith.constant 0 : i32
    %dma_start3A_74 = tpu.memref_slice %arg12[%dma_start3A_72, %dma_start3A_73] : memref<10112x16xf32, #tpu.memory_space<vmem_shared>> -> memref<10112x16xf32, #tpu.memory_space<vmem_shared>>
    %dma_start3A_75 = tpu.memref_slice %arg14[%dma_start3A_67] : memref<2x!tpu.dma_semaphore, #tpu.memory_space<semaphore_mem>> -> memref<1x!tpu.dma_semaphore, #tpu.memory_space<semaphore_mem>>
    %dma_start3A_76 = tpu.memref_squeeze %dma_start3A_75 : memref<1x!tpu.dma_semaphore, #tpu.memory_space<semaphore_mem>> -> memref<!tpu.dma_semaphore, #tpu.memory_space<semaphore_mem>>
    tpu.enqueue_indirect_dma source(%dma_start3A_71 : memref<128x16xf32, #tpu.memory_space<vmem>>) target(%dma_start3A_74 : memref<10112x16xf32, #tpu.memory_space<vmem_shared>>) offsets(%arg11 : memref<128xi32, #tpu.memory_space<vmem>>) semaphore(%dma_start3A_76 : memref<!tpu.dma_semaphore, #tpu.memory_space<semaphore_mem>>) {add = true}
    %dma_start3A_77 = arith.constant 1 : i32
    %dma_start3A_78 = arith.constant 1 : i32
    %dma_start3A_79 = arith.constant 0 : i32
    %dma_start3A_80 = arith.constant 0 : i32
    %dma_start3A_81 = tpu.memref_slice %arg10[%dma_start3A_77, %dma_start3A_79, %dma_start3A_80] : memref<2x128x16xf32, #tpu.memory_space<vmem>> -> memref<1x128x16xf32, #tpu.memory_space<vmem>>
    %dma_start3A_82 = tpu.memref_squeeze %dma_start3A_81 : memref<1x128x16xf32, #tpu.memory_space<vmem>> -> memref<128x16xf32, #tpu.memory_space<vmem>>
    %dma_start3A_83 = arith.constant 0 : i32
    %dma_start3A_84 = arith.constant 0 : i32
    %dma_start3A_85 = tpu.memref_slice %arg12[%dma_start3A_83, %dma_start3A_84] : memref<10112x16xf32, #tpu.memory_space<vmem_shared>> -> memref<10112x16xf32, #tpu.memory_space<vmem_shared>>
    %dma_start3A_86 = tpu.memref_slice %arg14[%dma_start3A_78] : memref<2x!tpu.dma_semaphore, #tpu.memory_space<semaphore_mem>> -> memref<1x!tpu.dma_semaphore, #tpu.memory_space<semaphore_mem>>
    %dma_start3A_87 = tpu.memref_squeeze %dma_start3A_86 : memref<1x!tpu.dma_semaphore, #tpu.memory_space<semaphore_mem>> -> memref<!tpu.dma_semaphore, #tpu.memory_space<semaphore_mem>>
    tpu.enqueue_indirect_dma source(%dma_start3A_82 : memref<128x16xf32, #tpu.memory_space<vmem>>) target(%dma_start3A_85 : memref<10112x16xf32, #tpu.memory_space<vmem_shared>>) offsets(%arg11 : memref<128xi32, #tpu.memory_space<vmem>>) semaphore(%dma_start3A_87 : memref<!tpu.dma_semaphore, #tpu.memory_space<semaphore_mem>>) {add = true}
    %dma_start3A_88 = arith.constant 0 : i32
    %dma_start3A_89 = arith.constant 0 : i32
    %dma_start3A_90 = arith.constant 0 : i32
    %dma_start3A_91 = arith.constant 0 : i32
    %dma_start3A_92 = arith.constant 0 : i32
    %dma_start3A_93 = arith.constant 0 : i32
    %dma_start3A_94 = tpu.memref_slice %arg7[%dma_start3A_90, %dma_start3A_92, %dma_start3A_93] : memref<2x128x16xf32, #tpu.memory_space<vmem>> -> memref<1x128x16xf32, #tpu.memory_space<vmem>>
    %dma_start3A_95 = tpu.memref_squeeze %dma_start3A_94 : memref<1x128x16xf32, #tpu.memory_space<vmem>> -> memref<128x16xf32, #tpu.memory_space<vmem>>
    %dma_start3A_96 = arith.constant 0 : i32
    %dma_start3A_97 = tpu.memref_slice %arg6[%dma_start3A_88, %dma_start3A_89, %dma_start3A_96] : memref<79x2x128xi32, #tpu.memory_space<vmem>> -> memref<1x1x128xi32, #tpu.memory_space<vmem>>
    %dma_start3A_98 = tpu.memref_squeeze %dma_start3A_97 : memref<1x1x128xi32, #tpu.memory_space<vmem>> -> memref<128xi32, #tpu.memory_space<vmem>>
    %dma_start3A_99 = arith.constant 0 : i32
    %dma_start3A_100 = arith.constant 0 : i32
    %dma_start3A_101 = tpu.memref_slice %arg2[%dma_start3A_99, %dma_start3A_100] : memref<10000x16xf32, #tpu.memory_space<hbm>> -> memref<10000x16xf32, #tpu.memory_space<hbm>>
    %dma_start3A_102 = tpu.memref_slice %arg13[%dma_start3A_91] : memref<2x!tpu.dma_semaphore, #tpu.memory_space<semaphore_mem>> -> memref<1x!tpu.dma_semaphore, #tpu.memory_space<semaphore_mem>>
    %dma_start3A_103 = tpu.memref_squeeze %dma_start3A_102 : memref<1x!tpu.dma_semaphore, #tpu.memory_space<semaphore_mem>> -> memref<!tpu.dma_semaphore, #tpu.memory_space<semaphore_mem>>
    tpu.enqueue_indirect_dma source(%dma_start3A_101 : memref<10000x16xf32, #tpu.memory_space<hbm>>) target(%dma_start3A_95 : memref<128x16xf32, #tpu.memory_space<vmem>>) offsets(%dma_start3A_98 : memref<128xi32, #tpu.memory_space<vmem>>) semaphore(%dma_start3A_103 : memref<!tpu.dma_semaphore, #tpu.memory_space<semaphore_mem>>)
    %dma_start3A_104 = arith.constant 0 : i32
    %dma_start3A_105 = arith.constant 1 : i32
    %dma_start3A_106 = arith.constant 0 : i32
    %dma_start3A_107 = arith.constant 0 : i32
    %dma_start3A_108 = arith.constant 0 : i32
    %dma_start3A_109 = arith.constant 0 : i32
    %dma_start3A_110 = tpu.memref_slice %arg8[%dma_start3A_106, %dma_start3A_108, %dma_start3A_109] : memref<2x128x16xf32, #tpu.memory_space<vmem>> -> memref<1x128x16xf32, #tpu.memory_space<vmem>>
    %dma_start3A_111 = tpu.memref_squeeze %dma_start3A_110 : memref<1x128x16xf32, #tpu.memory_space<vmem>> -> memref<128x16xf32, #tpu.memory_space<vmem>>
    %dma_start3A_112 = arith.constant 0 : i32
    %dma_start3A_113 = tpu.memref_slice %arg6[%dma_start3A_104, %dma_start3A_105, %dma_start3A_112] : memref<79x2x128xi32, #tpu.memory_space<vmem>> -> memref<1x1x128xi32, #tpu.memory_space<vmem>>
    %dma_start3A_114 = tpu.memref_squeeze %dma_start3A_113 : memref<1x1x128xi32, #tpu.memory_space<vmem>> -> memref<128xi32, #tpu.memory_space<vmem>>
    %dma_start3A_115 = arith.constant 0 : i32
    %dma_start3A_116 = arith.constant 0 : i32
    %dma_start3A_117 = tpu.memref_slice %arg2[%dma_start3A_115, %dma_start3A_116] : memref<10000x16xf32, #tpu.memory_space<hbm>> -> memref<10000x16xf32, #tpu.memory_space<hbm>>
    %dma_start3A_118 = tpu.memref_slice %arg13[%dma_start3A_107] : memref<2x!tpu.dma_semaphore, #tpu.memory_space<semaphore_mem>> -> memref<1x!tpu.dma_semaphore, #tpu.memory_space<semaphore_mem>>
    %dma_start3A_119 = tpu.memref_squeeze %dma_start3A_118 : memref<1x!tpu.dma_semaphore, #tpu.memory_space<semaphore_mem>> -> memref<!tpu.dma_semaphore, #tpu.memory_space<semaphore_mem>>
    tpu.enqueue_indirect_dma source(%dma_start3A_117 : memref<10000x16xf32, #tpu.memory_space<hbm>>) target(%dma_start3A_111 : memref<128x16xf32, #tpu.memory_space<vmem>>) offsets(%dma_start3A_114 : memref<128xi32, #tpu.memory_space<vmem>>) semaphore(%dma_start3A_119 : memref<!tpu.dma_semaphore, #tpu.memory_space<semaphore_mem>>)
    %scan3A_120 = arith.constant 0 : i32
    %scan3A_121 = arith.constant 39 : i32
    %scan3A_122 = arith.addi %scan3A_120, %scan3A_121 : i32
    %scan3A_123 = arith.constant 1 : i32
    scf.for %scan3A_162 = %scan3A_120 to %scan3A_122 step %scan3A_123  : i32 {
      %mul3A_163 = arith.constant 1 : i32
      %mul3A_164 = arith.muli %scan3A_162, %mul3A_163 : i32
      %add3A_165 = arith.constant 0 : i32
      %add3A_166 = arith.addi %add3A_165, %mul3A_164 : i32
      %mul3A_167 = arith.constant 2 : i32
      %mul3A_168 = arith.muli %add3A_166, %mul3A_167 : i32
      %dma_wait3A_169 = arith.constant 0 : i32
      %dma_wait3A_170 = arith.constant 0 : i32
      %dma_wait3A_171 = arith.constant 0 : i32
      %dma_wait3A_172 = arith.constant 0 : i32
      %dma_wait3A_173 = arith.constant 0 : i32
      %dma_wait3A_174 = tpu.memref_slice %arg7[%dma_wait3A_170, %dma_wait3A_172, %dma_wait3A_173] : memref<2x128x16xf32, #tpu.memory_space<vmem>> -> memref<1x128x16xf32, #tpu.memory_space<vmem>>
      %dma_wait3A_175 = tpu.memref_squeeze %dma_wait3A_174 : memref<1x128x16xf32, #tpu.memory_space<vmem>> -> memref<128x16xf32, #tpu.memory_space<vmem>>
      %dma_wait3A_176 = arith.constant 0 : i32
      %dma_wait3A_177 = tpu.memref_slice %arg6[%mul3A_168, %dma_wait3A_169, %dma_wait3A_176] : memref<79x2x128xi32, #tpu.memory_space<vmem>> -> memref<1x1x128xi32, #tpu.memory_space<vmem>>
      %dma_wait3A_178 = tpu.memref_squeeze %dma_wait3A_177 : memref<1x1x128xi32, #tpu.memory_space<vmem>> -> memref<128xi32, #tpu.memory_space<vmem>>
      %dma_wait3A_179 = arith.constant 0 : i32
      %dma_wait3A_180 = arith.constant 0 : i32
      %dma_wait3A_181 = tpu.memref_slice %arg2[%dma_wait3A_179, %dma_wait3A_180] : memref<10000x16xf32, #tpu.memory_space<hbm>> -> memref<10000x16xf32, #tpu.memory_space<hbm>>
      %dma_wait3A_182 = tpu.memref_slice %arg13[%dma_wait3A_171] : memref<2x!tpu.dma_semaphore, #tpu.memory_space<semaphore_mem>> -> memref<1x!tpu.dma_semaphore, #tpu.memory_space<semaphore_mem>>
      %dma_wait3A_183 = tpu.memref_squeeze %dma_wait3A_182 : memref<1x!tpu.dma_semaphore, #tpu.memory_space<semaphore_mem>> -> memref<!tpu.dma_semaphore, #tpu.memory_space<semaphore_mem>>
      tpu.wait_indirect_dma semaphore(%dma_wait3A_183 : memref<!tpu.dma_semaphore, #tpu.memory_space<semaphore_mem>>) src(%dma_wait3A_181 : memref<10000x16xf32, #tpu.memory_space<hbm>>) dst(%dma_wait3A_175 : memref<128x16xf32, #tpu.memory_space<vmem>>)
      %dma_wait3A_184 = arith.constant 1 : i32
      %dma_wait3A_185 = arith.constant 0 : i32
      %dma_wait3A_186 = arith.constant 0 : i32
      %dma_wait3A_187 = arith.constant 0 : i32
      %dma_wait3A_188 = arith.constant 0 : i32
      %dma_wait3A_189 = tpu.memref_slice %arg8[%dma_wait3A_185, %dma_wait3A_187, %dma_wait3A_188] : memref<2x128x16xf32, #tpu.memory_space<vmem>> -> memref<1x128x16xf32, #tpu.memory_space<vmem>>
      %dma_wait3A_190 = tpu.memref_squeeze %dma_wait3A_189 : memref<1x128x16xf32, #tpu.memory_space<vmem>> -> memref<128x16xf32, #tpu.memory_space<vmem>>
      %dma_wait3A_191 = arith.constant 0 : i32
      %dma_wait3A_192 = tpu.memref_slice %arg6[%mul3A_168, %dma_wait3A_184, %dma_wait3A_191] : memref<79x2x128xi32, #tpu.memory_space<vmem>> -> memref<1x1x128xi32, #tpu.memory_space<vmem>>
      %dma_wait3A_193 = tpu.memref_squeeze %dma_wait3A_192 : memref<1x1x128xi32, #tpu.memory_space<vmem>> -> memref<128xi32, #tpu.memory_space<vmem>>
      %dma_wait3A_194 = arith.constant 0 : i32
      %dma_wait3A_195 = arith.constant 0 : i32
      %dma_wait3A_196 = tpu.memref_slice %arg2[%dma_wait3A_194, %dma_wait3A_195] : memref<10000x16xf32, #tpu.memory_space<hbm>> -> memref<10000x16xf32, #tpu.memory_space<hbm>>
      %dma_wait3A_197 = tpu.memref_slice %arg13[%dma_wait3A_186] : memref<2x!tpu.dma_semaphore, #tpu.memory_space<semaphore_mem>> -> memref<1x!tpu.dma_semaphore, #tpu.memory_space<semaphore_mem>>
      %dma_wait3A_198 = tpu.memref_squeeze %dma_wait3A_197 : memref<1x!tpu.dma_semaphore, #tpu.memory_space<semaphore_mem>> -> memref<!tpu.dma_semaphore, #tpu.memory_space<semaphore_mem>>
      tpu.wait_indirect_dma semaphore(%dma_wait3A_198 : memref<!tpu.dma_semaphore, #tpu.memory_space<semaphore_mem>>) src(%dma_wait3A_196 : memref<10000x16xf32, #tpu.memory_space<hbm>>) dst(%dma_wait3A_190 : memref<128x16xf32, #tpu.memory_space<vmem>>)
      %add3A_199 = arith.constant 1 : i32
      %add3A_200 = arith.addi %mul3A_168, %add3A_199 : i32
      %dma_start3A_201 = arith.constant 0 : i32
      %dma_start3A_202 = arith.constant 1 : i32
      %dma_start3A_203 = arith.constant 1 : i32
      %dma_start3A_204 = arith.constant 0 : i32
      %dma_start3A_205 = arith.constant 0 : i32
      %dma_start3A_206 = tpu.memref_slice %arg7[%dma_start3A_202, %dma_start3A_204, %dma_start3A_205] : memref<2x128x16xf32, #tpu.memory_space<vmem>> -> memref<1x128x16xf32, #tpu.memory_space<vmem>>
      %dma_start3A_207 = tpu.memref_squeeze %dma_start3A_206 : memref<1x128x16xf32, #tpu.memory_space<vmem>> -> memref<128x16xf32, #tpu.memory_space<vmem>>
      %dma_start3A_208 = arith.constant 0 : i32
      %dma_start3A_209 = tpu.memref_slice %arg6[%add3A_200, %dma_start3A_201, %dma_start3A_208] : memref<79x2x128xi32, #tpu.memory_space<vmem>> -> memref<1x1x128xi32, #tpu.memory_space<vmem>>
      %dma_start3A_210 = tpu.memref_squeeze %dma_start3A_209 : memref<1x1x128xi32, #tpu.memory_space<vmem>> -> memref<128xi32, #tpu.memory_space<vmem>>
      %dma_start3A_211 = arith.constant 0 : i32
      %dma_start3A_212 = arith.constant 0 : i32
      %dma_start3A_213 = tpu.memref_slice %arg2[%dma_start3A_211, %dma_start3A_212] : memref<10000x16xf32, #tpu.memory_space<hbm>> -> memref<10000x16xf32, #tpu.memory_space<hbm>>
      %dma_start3A_214 = tpu.memref_slice %arg13[%dma_start3A_203] : memref<2x!tpu.dma_semaphore, #tpu.memory_space<semaphore_mem>> -> memref<1x!tpu.dma_semaphore, #tpu.memory_space<semaphore_mem>>
      %dma_start3A_215 = tpu.memref_squeeze %dma_start3A_214 : memref<1x!tpu.dma_semaphore, #tpu.memory_space<semaphore_mem>> -> memref<!tpu.dma_semaphore, #tpu.memory_space<semaphore_mem>>
      tpu.enqueue_indirect_dma source(%dma_start3A_213 : memref<10000x16xf32, #tpu.memory_space<hbm>>) target(%dma_start3A_207 : memref<128x16xf32, #tpu.memory_space<vmem>>) offsets(%dma_start3A_210 : memref<128xi32, #tpu.memory_space<vmem>>) semaphore(%dma_start3A_215 : memref<!tpu.dma_semaphore, #tpu.memory_space<semaphore_mem>>)
      %dma_start3A_216 = arith.constant 1 : i32
      %dma_start3A_217 = arith.constant 1 : i32
      %dma_start3A_218 = arith.constant 1 : i32
      %dma_start3A_219 = arith.constant 0 : i32
      %dma_start3A_220 = arith.constant 0 : i32
      %dma_start3A_221 = tpu.memref_slice %arg8[%dma_start3A_217, %dma_start3A_219, %dma_start3A_220] : memref<2x128x16xf32, #tpu.memory_space<vmem>> -> memref<1x128x16xf32, #tpu.memory_space<vmem>>
      %dma_start3A_222 = tpu.memref_squeeze %dma_start3A_221 : memref<1x128x16xf32, #tpu.memory_space<vmem>> -> memref<128x16xf32, #tpu.memory_space<vmem>>
      %dma_start3A_223 = arith.constant 0 : i32
      %dma_start3A_224 = tpu.memref_slice %arg6[%add3A_200, %dma_start3A_216, %dma_start3A_223] : memref<79x2x128xi32, #tpu.memory_space<vmem>> -> memref<1x1x128xi32, #tpu.memory_space<vmem>>
      %dma_start3A_225 = tpu.memref_squeeze %dma_start3A_224 : memref<1x1x128xi32, #tpu.memory_space<vmem>> -> memref<128xi32, #tpu.memory_space<vmem>>
      %dma_start3A_226 = arith.constant 0 : i32
      %dma_start3A_227 = arith.constant 0 : i32
      %dma_start3A_228 = tpu.memref_slice %arg2[%dma_start3A_226, %dma_start3A_227] : memref<10000x16xf32, #tpu.memory_space<hbm>> -> memref<10000x16xf32, #tpu.memory_space<hbm>>
      %dma_start3A_229 = tpu.memref_slice %arg13[%dma_start3A_218] : memref<2x!tpu.dma_semaphore, #tpu.memory_space<semaphore_mem>> -> memref<1x!tpu.dma_semaphore, #tpu.memory_space<semaphore_mem>>
      %dma_start3A_230 = tpu.memref_squeeze %dma_start3A_229 : memref<1x!tpu.dma_semaphore, #tpu.memory_space<semaphore_mem>> -> memref<!tpu.dma_semaphore, #tpu.memory_space<semaphore_mem>>
      tpu.enqueue_indirect_dma source(%dma_start3A_228 : memref<10000x16xf32, #tpu.memory_space<hbm>>) target(%dma_start3A_222 : memref<128x16xf32, #tpu.memory_space<vmem>>) offsets(%dma_start3A_225 : memref<128xi32, #tpu.memory_space<vmem>>) semaphore(%dma_start3A_230 : memref<!tpu.dma_semaphore, #tpu.memory_space<semaphore_mem>>)
      %dma_wait3A_231 = arith.constant 0 : i32
      %dma_wait3A_232 = arith.constant 0 : i32
      %dma_wait3A_233 = arith.constant 0 : i32
      %dma_wait3A_234 = arith.constant 0 : i32
      %dma_wait3A_235 = tpu.memref_slice %arg10[%dma_wait3A_231, %dma_wait3A_233, %dma_wait3A_234] : memref<2x128x16xf32, #tpu.memory_space<vmem>> -> memref<1x128x16xf32, #tpu.memory_space<vmem>>
      %dma_wait3A_236 = tpu.memref_squeeze %dma_wait3A_235 : memref<1x128x16xf32, #tpu.memory_space<vmem>> -> memref<128x16xf32, #tpu.memory_space<vmem>>
      %dma_wait3A_237 = arith.constant 0 : i32
      %dma_wait3A_238 = arith.constant 0 : i32
      %dma_wait3A_239 = tpu.memref_slice %arg12[%dma_wait3A_237, %dma_wait3A_238] : memref<10112x16xf32, #tpu.memory_space<vmem_shared>> -> memref<10112x16xf32, #tpu.memory_space<vmem_shared>>
      %dma_wait3A_240 = tpu.memref_slice %arg14[%dma_wait3A_232] : memref<2x!tpu.dma_semaphore, #tpu.memory_space<semaphore_mem>> -> memref<1x!tpu.dma_semaphore, #tpu.memory_space<semaphore_mem>>
      %dma_wait3A_241 = tpu.memref_squeeze %dma_wait3A_240 : memref<1x!tpu.dma_semaphore, #tpu.memory_space<semaphore_mem>> -> memref<!tpu.dma_semaphore, #tpu.memory_space<semaphore_mem>>
      tpu.wait_indirect_dma semaphore(%dma_wait3A_241 : memref<!tpu.dma_semaphore, #tpu.memory_space<semaphore_mem>>) src(%dma_wait3A_236 : memref<128x16xf32, #tpu.memory_space<vmem>>) dst(%dma_wait3A_239 : memref<10112x16xf32, #tpu.memory_space<vmem_shared>>)
      %parallel_loop3A = arith.constant 0 : i32
      %parallel_loop3A_242 = arith.constant 8 : i32
      %parallel_loop3A_243 = arith.constant 1 : i32
      scf.for %parallel_loop3A_335 = %parallel_loop3A to %parallel_loop3A_242 step %parallel_loop3A_243  : i32 {
        %parallel_loop3A_336 = arith.constant 16 : i32
        %parallel_loop3A_337 = arith.muli %parallel_loop3A_335, %parallel_loop3A_336 : i32
        %parallel_loop3A_338 = vector.broadcast %parallel_loop3A_337 : i32 to vector<16xi32>
        %parallel_loop3A_339 = arith.addi %iota3A, %parallel_loop3A_338 : vector<16xi32>
        %parallel_loop3A_340 = arith.constant 0 : i32
        %parallel_loop3A_341 = arith.constant 0 : i32
        %parallel_loop3A_342 = arith.constant 0 : i32
        %parallel_loop3A_343 = tpu.memref_slice %arg7[%parallel_loop3A_340, %parallel_loop3A_341, %parallel_loop3A_342] : memref<2x128x16xf32, #tpu.memory_space<vmem>> -> memref<1x128x16xf32, #tpu.memory_space<vmem>>
        %parallel_loop3A_344 = tpu.memref_squeeze %parallel_loop3A_343 : memref<1x128x16xf32, #tpu.memory_space<vmem>> -> memref<128x16xf32, #tpu.memory_space<vmem>>
        %parallel_loop3A_345 = tpu.vector_load_idx %parallel_loop3A_344[%parallel_loop3A_339, %broadcast_in_dim3A_3] : memref<128x16xf32, #tpu.memory_space<vmem>>[vector<16xi32>, vector<16xi32>], vector<16xf32>,
        %parallel_loop3A_346 = arith.constant 0 : i32
        %parallel_loop3A_347 = arith.constant 0 : i32
        %parallel_loop3A_348 = arith.constant 0 : i32
        %parallel_loop3A_349 = tpu.memref_slice %arg8[%parallel_loop3A_346, %parallel_loop3A_347, %parallel_loop3A_348] : memref<2x128x16xf32, #tpu.memory_space<vmem>> -> memref<1x128x16xf32, #tpu.memory_space<vmem>>
        %parallel_loop3A_350 = tpu.memref_squeeze %parallel_loop3A_349 : memref<1x128x16xf32, #tpu.memory_space<vmem>> -> memref<128x16xf32, #tpu.memory_space<vmem>>
        %parallel_loop3A_351 = tpu.vector_load_idx %parallel_loop3A_350[%parallel_loop3A_339, %broadcast_in_dim3A_5] : memref<128x16xf32, #tpu.memory_space<vmem>>[vector<16xi32>, vector<16xi32>], vector<16xf32>,
        %parallel_loop3A_352 = arith.addf %parallel_loop3A_345, %parallel_loop3A_351 : vector<16xf32>
        %parallel_loop3A_353 = arith.constant 0.000000e+00 : f32
        %parallel_loop3A_354 = vector.broadcast %parallel_loop3A_353 : f32 to vector<16xf32>
        %parallel_loop3A_355 = arith.cmpf ogt, %parallel_loop3A_352, %parallel_loop3A_354 : vector<16xf32>
        %parallel_loop3A_356 = arith.constant 2.000000e-01 : f32
        %parallel_loop3A_357 = vector.broadcast %parallel_loop3A_356 : f32 to vector<16xf32>
        %parallel_loop3A_358 = arith.mulf %parallel_loop3A_357, %parallel_loop3A_352 : vector<16xf32>
        %parallel_loop3A_359 = arith.select %parallel_loop3A_355, %parallel_loop3A_352, %parallel_loop3A_358 : vector<16xi1>, vector<16xf32>
        %parallel_loop3A_360 = math.exp %parallel_loop3A_359 : vector<16xf32>
        %parallel_loop3A_361 = arith.constant 16 : i32
        %parallel_loop3A_362 = arith.muli %parallel_loop3A_335, %parallel_loop3A_361 : i32
        %parallel_loop3A_363 = arith.index_cast %parallel_loop3A_362 : i32 to index
        %parallel_loop3A_364 = tpu.vector_load %arg9[%parallel_loop3A_363] {strides = array<i32>} : memref<128xf32, #tpu.memory_space<vmem>>, vector<16xf32>,
        tpu.vector_store %arg9[%parallel_loop3A_363], %parallel_loop3A_360 {strides = array<i32>} : memref<128xf32, #tpu.memory_space<vmem>>, vector<16xf32>,
      } {sc.loop_unroll_factor = 2 : i64, sc.parallel_access}
      %parallel_loop3A_244 = arith.constant 0 : i32
      %parallel_loop3A_245 = arith.constant 128 : i32
      %parallel_loop3A_246 = arith.constant 1 : i32
      scf.for %parallel_loop3A_335 = %parallel_loop3A_244 to %parallel_loop3A_245 step %parallel_loop3A_246  : i32 {
        %parallel_loop3A_336 = arith.constant 0 : i32
        %parallel_loop3A_337 = vector.broadcast %parallel_loop3A_336 : i32 to vector<16xi32>
        %parallel_loop3A_338 = vector.broadcast %parallel_loop3A_335 : i32 to vector<16xi32>
        %parallel_loop3A_339 = arith.addi %parallel_loop3A_337, %parallel_loop3A_338 : vector<16xi32>
        %parallel_loop3A_340 = tpu.vector_load_idx %arg9[%parallel_loop3A_339] : memref<128xf32, #tpu.memory_space<vmem>>[vector<16xi32>], vector<16xf32>,
        %parallel_loop3A_341 = arith.constant 0 : i32
        %parallel_loop3A_342 = arith.index_cast %parallel_loop3A_341 : i32 to index
        %parallel_loop3A_343 = arith.index_cast %parallel_loop3A_335 : i32 to index
        %parallel_loop3A_344 = arith.constant 0 : index
        %parallel_loop3A_345 = tpu.vector_load %arg7[%parallel_loop3A_342, %parallel_loop3A_343, %parallel_loop3A_344] {strides = array<i32>} : memref<2x128x16xf32, #tpu.memory_space<vmem>>, vector<16xf32>,
        %parallel_loop3A_346 = arith.mulf %parallel_loop3A_340, %parallel_loop3A_345 : vector<16xf32>
        %parallel_loop3A_347 = arith.constant 0 : i32
        %parallel_loop3A_348 = arith.index_cast %parallel_loop3A_347 : i32 to index
        %parallel_loop3A_349 = arith.index_cast %parallel_loop3A_335 : i32 to index
        %parallel_loop3A_350 = arith.constant 0 : index
        %parallel_loop3A_351 = tpu.vector_load %arg10[%parallel_loop3A_348, %parallel_loop3A_349, %parallel_loop3A_350] {strides = array<i32>} : memref<2x128x16xf32, #tpu.memory_space<vmem>>, vector<16xf32>,
        tpu.vector_store %arg10[%parallel_loop3A_348, %parallel_loop3A_349, %parallel_loop3A_350], %parallel_loop3A_346 {strides = array<i32>} : memref<2x128x16xf32, #tpu.memory_space<vmem>>, vector<16xf32>,
      } {sc.loop_unroll_factor = 4 : i64, sc.parallel_access}
      %dma_start3A_247 = arith.constant 0 : i32
      %dma_start3A_248 = arith.constant 1 : i32
      %dma_start3A_249 = arith.constant 0 : i32
      %dma_start3A_250 = arith.constant 0 : i32
      %dma_start3A_251 = arith.constant 0 : i32
      %dma_start3A_252 = tpu.memref_slice %arg10[%dma_start3A_247, %dma_start3A_250, %dma_start3A_251] : memref<2x128x16xf32, #tpu.memory_space<vmem>> -> memref<1x128x16xf32, #tpu.memory_space<vmem>>
      %dma_start3A_253 = tpu.memref_squeeze %dma_start3A_252 : memref<1x128x16xf32, #tpu.memory_space<vmem>> -> memref<128x16xf32, #tpu.memory_space<vmem>>
      %dma_start3A_254 = arith.constant 0 : i32
      %dma_start3A_255 = tpu.memref_slice %arg6[%mul3A_168, %dma_start3A_248, %dma_start3A_254] : memref<79x2x128xi32, #tpu.memory_space<vmem>> -> memref<1x1x128xi32, #tpu.memory_space<vmem>>
      %dma_start3A_256 = tpu.memref_squeeze %dma_start3A_255 : memref<1x1x128xi32, #tpu.memory_space<vmem>> -> memref<128xi32, #tpu.memory_space<vmem>>
      %dma_start3A_257 = arith.constant 0 : i32
      %dma_start3A_258 = arith.constant 0 : i32
      %dma_start3A_259 = tpu.memref_slice %arg12[%dma_start3A_257, %dma_start3A_258] : memref<10112x16xf32, #tpu.memory_space<vmem_shared>> -> memref<10112x16xf32, #tpu.memory_space<vmem_shared>>
      %dma_start3A_260 = tpu.memref_slice %arg14[%dma_start3A_249] : memref<2x!tpu.dma_semaphore, #tpu.memory_space<semaphore_mem>> -> memref<1x!tpu.dma_semaphore, #tpu.memory_space<semaphore_mem>>
      %dma_start3A_261 = tpu.memref_squeeze %dma_start3A_260 : memref<1x!tpu.dma_semaphore, #tpu.memory_space<semaphore_mem>> -> memref<!tpu.dma_semaphore, #tpu.memory_space<semaphore_mem>>
      tpu.enqueue_indirect_dma source(%dma_start3A_253 : memref<128x16xf32, #tpu.memory_space<vmem>>) target(%dma_start3A_259 : memref<10112x16xf32, #tpu.memory_space<vmem_shared>>) offsets(%dma_start3A_256 : memref<128xi32, #tpu.memory_space<vmem>>) semaphore(%dma_start3A_261 : memref<!tpu.dma_semaphore, #tpu.memory_space<semaphore_mem>>) {add = true}
      %add3A_262 = arith.constant 1 : i32
      %add3A_263 = arith.addi %mul3A_168, %add3A_262 : i32
      %dma_wait3A_264 = arith.constant 0 : i32
      %dma_wait3A_265 = arith.constant 1 : i32
      %dma_wait3A_266 = arith.constant 1 : i32
      %dma_wait3A_267 = arith.constant 0 : i32
      %dma_wait3A_268 = arith.constant 0 : i32
      %dma_wait3A_269 = tpu.memref_slice %arg7[%dma_wait3A_265, %dma_wait3A_267, %dma_wait3A_268] : memref<2x128x16xf32, #tpu.memory_space<vmem>> -> memref<1x128x16xf32, #tpu.memory_space<vmem>>
      %dma_wait3A_270 = tpu.memref_squeeze %dma_wait3A_269 : memref<1x128x16xf32, #tpu.memory_space<vmem>> -> memref<128x16xf32, #tpu.memory_space<vmem>>
      %dma_wait3A_271 = arith.constant 0 : i32
      %dma_wait3A_272 = tpu.memref_slice %arg6[%add3A_263, %dma_wait3A_264, %dma_wait3A_271] : memref<79x2x128xi32, #tpu.memory_space<vmem>> -> memref<1x1x128xi32, #tpu.memory_space<vmem>>
      %dma_wait3A_273 = tpu.memref_squeeze %dma_wait3A_272 : memref<1x1x128xi32, #tpu.memory_space<vmem>> -> memref<128xi32, #tpu.memory_space<vmem>>
      %dma_wait3A_274 = arith.constant 0 : i32
      %dma_wait3A_275 = arith.constant 0 : i32
      %dma_wait3A_276 = tpu.memref_slice %arg2[%dma_wait3A_274, %dma_wait3A_275] : memref<10000x16xf32, #tpu.memory_space<hbm>> -> memref<10000x16xf32, #tpu.memory_space<hbm>>
      %dma_wait3A_277 = tpu.memref_slice %arg13[%dma_wait3A_266] : memref<2x!tpu.dma_semaphore, #tpu.memory_space<semaphore_mem>> -> memref<1x!tpu.dma_semaphore, #tpu.memory_space<semaphore_mem>>
      %dma_wait3A_278 = tpu.memref_squeeze %dma_wait3A_277 : memref<1x!tpu.dma_semaphore, #tpu.memory_space<semaphore_mem>> -> memref<!tpu.dma_semaphore, #tpu.memory_space<semaphore_mem>>
      tpu.wait_indirect_dma semaphore(%dma_wait3A_278 : memref<!tpu.dma_semaphore, #tpu.memory_space<semaphore_mem>>) src(%dma_wait3A_276 : memref<10000x16xf32, #tpu.memory_space<hbm>>) dst(%dma_wait3A_270 : memref<128x16xf32, #tpu.memory_space<vmem>>)
      %dma_wait3A_279 = arith.constant 1 : i32
      %dma_wait3A_280 = arith.constant 1 : i32
      %dma_wait3A_281 = arith.constant 1 : i32
      %dma_wait3A_282 = arith.constant 0 : i32
      %dma_wait3A_283 = arith.constant 0 : i32
      %dma_wait3A_284 = tpu.memref_slice %arg8[%dma_wait3A_280, %dma_wait3A_282, %dma_wait3A_283] : memref<2x128x16xf32, #tpu.memory_space<vmem>> -> memref<1x128x16xf32, #tpu.memory_space<vmem>>
      %dma_wait3A_285 = tpu.memref_squeeze %dma_wait3A_284 : memref<1x128x16xf32, #tpu.memory_space<vmem>> -> memref<128x16xf32, #tpu.memory_space<vmem>>
      %dma_wait3A_286 = arith.constant 0 : i32
      %dma_wait3A_287 = tpu.memref_slice %arg6[%add3A_263, %dma_wait3A_279, %dma_wait3A_286] : memref<79x2x128xi32, #tpu.memory_space<vmem>> -> memref<1x1x128xi32, #tpu.memory_space<vmem>>
      %dma_wait3A_288 = tpu.memref_squeeze %dma_wait3A_287 : memref<1x1x128xi32, #tpu.memory_space<vmem>> -> memref<128xi32, #tpu.memory_space<vmem>>
      %dma_wait3A_289 = arith.constant 0 : i32
      %dma_wait3A_290 = arith.constant 0 : i32
      %dma_wait3A_291 = tpu.memref_slice %arg2[%dma_wait3A_289, %dma_wait3A_290] : memref<10000x16xf32, #tpu.memory_space<hbm>> -> memref<10000x16xf32, #tpu.memory_space<hbm>>
      %dma_wait3A_292 = tpu.memref_slice %arg13[%dma_wait3A_281] : memref<2x!tpu.dma_semaphore, #tpu.memory_space<semaphore_mem>> -> memref<1x!tpu.dma_semaphore, #tpu.memory_space<semaphore_mem>>
      %dma_wait3A_293 = tpu.memref_squeeze %dma_wait3A_292 : memref<1x!tpu.dma_semaphore, #tpu.memory_space<semaphore_mem>> -> memref<!tpu.dma_semaphore, #tpu.memory_space<semaphore_mem>>
      tpu.wait_indirect_dma semaphore(%dma_wait3A_293 : memref<!tpu.dma_semaphore, #tpu.memory_space<semaphore_mem>>) src(%dma_wait3A_291 : memref<10000x16xf32, #tpu.memory_space<hbm>>) dst(%dma_wait3A_285 : memref<128x16xf32, #tpu.memory_space<vmem>>)
      %lt3A_294 = arith.constant 38 : i32
      %lt3A_295 = arith.cmpi slt, %add3A_166, %lt3A_294 : i32
      %convert_element_type3A_296 = arith.extui %lt3A_295 : i1 to i32
      %cond3A_297 = arith.constant 0 : i32
      %cond3A_298 = arith.cmpi ne, %convert_element_type3A_296, %cond3A_297 : i32
      scf.if %cond3A_298 {
        %add3A_335 = arith.constant 2 : i32
        %add3A_336 = arith.addi %mul3A_168, %add3A_335 : i32
        %dma_start3A_337 = arith.constant 0 : i32
        %dma_start3A_338 = arith.constant 0 : i32
        %dma_start3A_339 = arith.constant 0 : i32
        %dma_start3A_340 = arith.constant 0 : i32
        %dma_start3A_341 = arith.constant 0 : i32
        %dma_start3A_342 = tpu.memref_slice %arg7[%dma_start3A_338, %dma_start3A_340, %dma_start3A_341] : memref<2x128x16xf32, #tpu.memory_space<vmem>> -> memref<1x128x16xf32, #tpu.memory_space<vmem>>
        %dma_start3A_343 = tpu.memref_squeeze %dma_start3A_342 : memref<1x128x16xf32, #tpu.memory_space<vmem>> -> memref<128x16xf32, #tpu.memory_space<vmem>>
        %dma_start3A_344 = arith.constant 0 : i32
        %dma_start3A_345 = tpu.memref_slice %arg6[%add3A_336, %dma_start3A_337, %dma_start3A_344] : memref<79x2x128xi32, #tpu.memory_space<vmem>> -> memref<1x1x128xi32, #tpu.memory_space<vmem>>
        %dma_start3A_346 = tpu.memref_squeeze %dma_start3A_345 : memref<1x1x128xi32, #tpu.memory_space<vmem>> -> memref<128xi32, #tpu.memory_space<vmem>>
        %dma_start3A_347 = arith.constant 0 : i32
        %dma_start3A_348 = arith.constant 0 : i32
        %dma_start3A_349 = tpu.memref_slice %arg2[%dma_start3A_347, %dma_start3A_348] : memref<10000x16xf32, #tpu.memory_space<hbm>> -> memref<10000x16xf32, #tpu.memory_space<hbm>>
        %dma_start3A_350 = tpu.memref_slice %arg13[%dma_start3A_339] : memref<2x!tpu.dma_semaphore, #tpu.memory_space<semaphore_mem>> -> memref<1x!tpu.dma_semaphore, #tpu.memory_space<semaphore_mem>>
        %dma_start3A_351 = tpu.memref_squeeze %dma_start3A_350 : memref<1x!tpu.dma_semaphore, #tpu.memory_space<semaphore_mem>> -> memref<!tpu.dma_semaphore, #tpu.memory_space<semaphore_mem>>
        tpu.enqueue_indirect_dma source(%dma_start3A_349 : memref<10000x16xf32, #tpu.memory_space<hbm>>) target(%dma_start3A_343 : memref<128x16xf32, #tpu.memory_space<vmem>>) offsets(%dma_start3A_346 : memref<128xi32, #tpu.memory_space<vmem>>) semaphore(%dma_start3A_351 : memref<!tpu.dma_semaphore, #tpu.memory_space<semaphore_mem>>)
        %dma_start3A_352 = arith.constant 1 : i32
        %dma_start3A_353 = arith.constant 0 : i32
        %dma_start3A_354 = arith.constant 0 : i32
        %dma_start3A_355 = arith.constant 0 : i32
        %dma_start3A_356 = arith.constant 0 : i32
        %dma_start3A_357 = tpu.memref_slice %arg8[%dma_start3A_353, %dma_start3A_355, %dma_start3A_356] : memref<2x128x16xf32, #tpu.memory_space<vmem>> -> memref<1x128x16xf32, #tpu.memory_space<vmem>>
        %dma_start3A_358 = tpu.memref_squeeze %dma_start3A_357 : memref<1x128x16xf32, #tpu.memory_space<vmem>> -> memref<128x16xf32, #tpu.memory_space<vmem>>
        %dma_start3A_359 = arith.constant 0 : i32
        %dma_start3A_360 = tpu.memref_slice %arg6[%add3A_336, %dma_start3A_352, %dma_start3A_359] : memref<79x2x128xi32, #tpu.memory_space<vmem>> -> memref<1x1x128xi32, #tpu.memory_space<vmem>>
        %dma_start3A_361 = tpu.memref_squeeze %dma_start3A_360 : memref<1x1x128xi32, #tpu.memory_space<vmem>> -> memref<128xi32, #tpu.memory_space<vmem>>
        %dma_start3A_362 = arith.constant 0 : i32
        %dma_start3A_363 = arith.constant 0 : i32
        %dma_start3A_364 = tpu.memref_slice %arg2[%dma_start3A_362, %dma_start3A_363] : memref<10000x16xf32, #tpu.memory_space<hbm>> -> memref<10000x16xf32, #tpu.memory_space<hbm>>
        %dma_start3A_365 = tpu.memref_slice %arg13[%dma_start3A_354] : memref<2x!tpu.dma_semaphore, #tpu.memory_space<semaphore_mem>> -> memref<1x!tpu.dma_semaphore, #tpu.memory_space<semaphore_mem>>
        %dma_start3A_366 = tpu.memref_squeeze %dma_start3A_365 : memref<1x!tpu.dma_semaphore, #tpu.memory_space<semaphore_mem>> -> memref<!tpu.dma_semaphore, #tpu.memory_space<semaphore_mem>>
        tpu.enqueue_indirect_dma source(%dma_start3A_364 : memref<10000x16xf32, #tpu.memory_space<hbm>>) target(%dma_start3A_358 : memref<128x16xf32, #tpu.memory_space<vmem>>) offsets(%dma_start3A_361 : memref<128xi32, #tpu.memory_space<vmem>>) semaphore(%dma_start3A_366 : memref<!tpu.dma_semaphore, #tpu.memory_space<semaphore_mem>>)
      } else {
      }
      %dma_wait3A_299 = arith.constant 1 : i32
      %dma_wait3A_300 = arith.constant 1 : i32
      %dma_wait3A_301 = arith.constant 0 : i32
      %dma_wait3A_302 = arith.constant 0 : i32
      %dma_wait3A_303 = tpu.memref_slice %arg10[%dma_wait3A_299, %dma_wait3A_301, %dma_wait3A_302] : memref<2x128x16xf32, #tpu.memory_space<vmem>> -> memref<1x128x16xf32, #tpu.memory_space<vmem>>
      %dma_wait3A_304 = tpu.memref_squeeze %dma_wait3A_303 : memref<1x128x16xf32, #tpu.memory_space<vmem>> -> memref<128x16xf32, #tpu.memory_space<vmem>>
      %dma_wait3A_305 = arith.constant 0 : i32
      %dma_wait3A_306 = arith.constant 0 : i32
      %dma_wait3A_307 = tpu.memref_slice %arg12[%dma_wait3A_305, %dma_wait3A_306] : memref<10112x16xf32, #tpu.memory_space<vmem_shared>> -> memref<10112x16xf32, #tpu.memory_space<vmem_shared>>
      %dma_wait3A_308 = tpu.memref_slice %arg14[%dma_wait3A_300] : memref<2x!tpu.dma_semaphore, #tpu.memory_space<semaphore_mem>> -> memref<1x!tpu.dma_semaphore, #tpu.memory_space<semaphore_mem>>
      %dma_wait3A_309 = tpu.memref_squeeze %dma_wait3A_308 : memref<1x!tpu.dma_semaphore, #tpu.memory_space<semaphore_mem>> -> memref<!tpu.dma_semaphore, #tpu.memory_space<semaphore_mem>>
      tpu.wait_indirect_dma semaphore(%dma_wait3A_309 : memref<!tpu.dma_semaphore, #tpu.memory_space<semaphore_mem>>) src(%dma_wait3A_304 : memref<128x16xf32, #tpu.memory_space<vmem>>) dst(%dma_wait3A_307 : memref<10112x16xf32, #tpu.memory_space<vmem_shared>>)
      %add3A_310 = arith.constant 1 : i32
      %add3A_311 = arith.addi %mul3A_168, %add3A_310 : i32
      %parallel_loop3A_312 = arith.constant 0 : i32
      %parallel_loop3A_313 = arith.constant 8 : i32
      %parallel_loop3A_314 = arith.constant 1 : i32
      scf.for %parallel_loop3A_335 = %parallel_loop3A_312 to %parallel_loop3A_313 step %parallel_loop3A_314  : i32 {
        %parallel_loop3A_336 = arith.constant 16 : i32
        %parallel_loop3A_337 = arith.muli %parallel_loop3A_335, %parallel_loop3A_336 : i32
        %parallel_loop3A_338 = vector.broadcast %parallel_loop3A_337 : i32 to vector<16xi32>
        %parallel_loop3A_339 = arith.addi %iota3A, %parallel_loop3A_338 : vector<16xi32>
        %parallel_loop3A_340 = arith.constant 1 : i32
        %parallel_loop3A_341 = arith.constant 0 : i32
        %parallel_loop3A_342 = arith.constant 0 : i32
        %parallel_loop3A_343 = tpu.memref_slice %arg7[%parallel_loop3A_340, %parallel_loop3A_341, %parallel_loop3A_342] : memref<2x128x16xf32, #tpu.memory_space<vmem>> -> memref<1x128x16xf32, #tpu.memory_space<vmem>>
        %parallel_loop3A_344 = tpu.memref_squeeze %parallel_loop3A_343 : memref<1x128x16xf32, #tpu.memory_space<vmem>> -> memref<128x16xf32, #tpu.memory_space<vmem>>
        %parallel_loop3A_345 = tpu.vector_load_idx %parallel_loop3A_344[%parallel_loop3A_339, %broadcast_in_dim3A_3] : memref<128x16xf32, #tpu.memory_space<vmem>>[vector<16xi32>, vector<16xi32>], vector<16xf32>,
        %parallel_loop3A_346 = arith.constant 1 : i32
        %parallel_loop3A_347 = arith.constant 0 : i32
        %parallel_loop3A_348 = arith.constant 0 : i32
        %parallel_loop3A_349 = tpu.memref_slice %arg8[%parallel_loop3A_346, %parallel_loop3A_347, %parallel_loop3A_348] : memref<2x128x16xf32, #tpu.memory_space<vmem>> -> memref<1x128x16xf32, #tpu.memory_space<vmem>>
        %parallel_loop3A_350 = tpu.memref_squeeze %parallel_loop3A_349 : memref<1x128x16xf32, #tpu.memory_space<vmem>> -> memref<128x16xf32, #tpu.memory_space<vmem>>
        %parallel_loop3A_351 = tpu.vector_load_idx %parallel_loop3A_350[%parallel_loop3A_339, %broadcast_in_dim3A_5] : memref<128x16xf32, #tpu.memory_space<vmem>>[vector<16xi32>, vector<16xi32>], vector<16xf32>,
        %parallel_loop3A_352 = arith.addf %parallel_loop3A_345, %parallel_loop3A_351 : vector<16xf32>
        %parallel_loop3A_353 = arith.constant 0.000000e+00 : f32
        %parallel_loop3A_354 = vector.broadcast %parallel_loop3A_353 : f32 to vector<16xf32>
        %parallel_loop3A_355 = arith.cmpf ogt, %parallel_loop3A_352, %parallel_loop3A_354 : vector<16xf32>
        %parallel_loop3A_356 = arith.constant 2.000000e-01 : f32
        %parallel_loop3A_357 = vector.broadcast %parallel_loop3A_356 : f32 to vector<16xf32>
        %parallel_loop3A_358 = arith.mulf %parallel_loop3A_357, %parallel_loop3A_352 : vector<16xf32>
        %parallel_loop3A_359 = arith.select %parallel_loop3A_355, %parallel_loop3A_352, %parallel_loop3A_358 : vector<16xi1>, vector<16xf32>
        %parallel_loop3A_360 = math.exp %parallel_loop3A_359 : vector<16xf32>
        %parallel_loop3A_361 = arith.constant 16 : i32
        %parallel_loop3A_362 = arith.muli %parallel_loop3A_335, %parallel_loop3A_361 : i32
        %parallel_loop3A_363 = arith.index_cast %parallel_loop3A_362 : i32 to index
        %parallel_loop3A_364 = tpu.vector_load %arg9[%parallel_loop3A_363] {strides = array<i32>} : memref<128xf32, #tpu.memory_space<vmem>>, vector<16xf32>,
        tpu.vector_store %arg9[%parallel_loop3A_363], %parallel_loop3A_360 {strides = array<i32>} : memref<128xf32, #tpu.memory_space<vmem>>, vector<16xf32>,
      } {sc.loop_unroll_factor = 2 : i64, sc.parallel_access}
      %parallel_loop3A_315 = arith.constant 0 : i32
      %parallel_loop3A_316 = arith.constant 128 : i32
      %parallel_loop3A_317 = arith.constant 1 : i32
      scf.for %parallel_loop3A_335 = %parallel_loop3A_315 to %parallel_loop3A_316 step %parallel_loop3A_317  : i32 {
        %parallel_loop3A_336 = arith.constant 0 : i32
        %parallel_loop3A_337 = vector.broadcast %parallel_loop3A_336 : i32 to vector<16xi32>
        %parallel_loop3A_338 = vector.broadcast %parallel_loop3A_335 : i32 to vector<16xi32>
        %parallel_loop3A_339 = arith.addi %parallel_loop3A_337, %parallel_loop3A_338 : vector<16xi32>
        %parallel_loop3A_340 = tpu.vector_load_idx %arg9[%parallel_loop3A_339] : memref<128xf32, #tpu.memory_space<vmem>>[vector<16xi32>], vector<16xf32>,
        %parallel_loop3A_341 = arith.constant 1 : i32
        %parallel_loop3A_342 = arith.index_cast %parallel_loop3A_341 : i32 to index
        %parallel_loop3A_343 = arith.index_cast %parallel_loop3A_335 : i32 to index
        %parallel_loop3A_344 = arith.constant 0 : index
        %parallel_loop3A_345 = tpu.vector_load %arg7[%parallel_loop3A_342, %parallel_loop3A_343, %parallel_loop3A_344] {strides = array<i32>} : memref<2x128x16xf32, #tpu.memory_space<vmem>>, vector<16xf32>,
        %parallel_loop3A_346 = arith.mulf %parallel_loop3A_340, %parallel_loop3A_345 : vector<16xf32>
        %parallel_loop3A_347 = arith.constant 1 : i32
        %parallel_loop3A_348 = arith.index_cast %parallel_loop3A_347 : i32 to index
        %parallel_loop3A_349 = arith.index_cast %parallel_loop3A_335 : i32 to index
        %parallel_loop3A_350 = arith.constant 0 : index
        %parallel_loop3A_351 = tpu.vector_load %arg10[%parallel_loop3A_348, %parallel_loop3A_349, %parallel_loop3A_350] {strides = array<i32>} : memref<2x128x16xf32, #tpu.memory_space<vmem>>, vector<16xf32>,
        tpu.vector_store %arg10[%parallel_loop3A_348, %parallel_loop3A_349, %parallel_loop3A_350], %parallel_loop3A_346 {strides = array<i32>} : memref<2x128x16xf32, #tpu.memory_space<vmem>>, vector<16xf32>,
      } {sc.loop_unroll_factor = 4 : i64, sc.parallel_access}
      %add3A_318 = arith.constant 1 : i32
      %add3A_319 = arith.addi %mul3A_168, %add3A_318 : i32
      %dma_start3A_320 = arith.constant 1 : i32
      %dma_start3A_321 = arith.constant 1 : i32
      %dma_start3A_322 = arith.constant 1 : i32
      %dma_start3A_323 = arith.constant 0 : i32
      %dma_start3A_324 = arith.constant 0 : i32
      %dma_start3A_325 = tpu.memref_slice %arg10[%dma_start3A_320, %dma_start3A_323, %dma_start3A_324] : memref<2x128x16xf32, #tpu.memory_space<vmem>> -> memref<1x128x16xf32, #tpu.memory_space<vmem>>
      %dma_start3A_326 = tpu.memref_squeeze %dma_start3A_325 : memref<1x128x16xf32, #tpu.memory_space<vmem>> -> memref<128x16xf32, #tpu.memory_space<vmem>>
      %dma_start3A_327 = arith.constant 0 : i32
      %dma_start3A_328 = tpu.memref_slice %arg6[%add3A_319, %dma_start3A_321, %dma_start3A_327] : memref<79x2x128xi32, #tpu.memory_space<vmem>> -> memref<1x1x128xi32, #tpu.memory_space<vmem>>
      %dma_start3A_329 = tpu.memref_squeeze %dma_start3A_328 : memref<1x1x128xi32, #tpu.memory_space<vmem>> -> memref<128xi32, #tpu.memory_space<vmem>>
      %dma_start3A_330 = arith.constant 0 : i32
      %dma_start3A_331 = arith.constant 0 : i32
      %dma_start3A_332 = tpu.memref_slice %arg12[%dma_start3A_330, %dma_start3A_331] : memref<10112x16xf32, #tpu.memory_space<vmem_shared>> -> memref<10112x16xf32, #tpu.memory_space<vmem_shared>>
      %dma_start3A_333 = tpu.memref_slice %arg14[%dma_start3A_322] : memref<2x!tpu.dma_semaphore, #tpu.memory_space<semaphore_mem>> -> memref<1x!tpu.dma_semaphore, #tpu.memory_space<semaphore_mem>>
      %dma_start3A_334 = tpu.memref_squeeze %dma_start3A_333 : memref<1x!tpu.dma_semaphore, #tpu.memory_space<semaphore_mem>> -> memref<!tpu.dma_semaphore, #tpu.memory_space<semaphore_mem>>
      tpu.enqueue_indirect_dma source(%dma_start3A_326 : memref<128x16xf32, #tpu.memory_space<vmem>>) target(%dma_start3A_332 : memref<10112x16xf32, #tpu.memory_space<vmem_shared>>) offsets(%dma_start3A_329 : memref<128xi32, #tpu.memory_space<vmem>>) semaphore(%dma_start3A_334 : memref<!tpu.dma_semaphore, #tpu.memory_space<semaphore_mem>>) {add = true}
    }
    %scan3A_124 = arith.constant 39 : i32
    %dma_wait3A_125 = arith.constant 0 : i32
    %dma_wait3A_126 = arith.constant 0 : i32
    %dma_wait3A_127 = arith.constant 0 : i32
    %dma_wait3A_128 = arith.constant 0 : i32
    %dma_wait3A_129 = tpu.memref_slice %arg10[%dma_wait3A_125, %dma_wait3A_127, %dma_wait3A_128] : memref<2x128x16xf32, #tpu.memory_space<vmem>> -> memref<1x128x16xf32, #tpu.memory_space<vmem>>
    %dma_wait3A_130 = tpu.memref_squeeze %dma_wait3A_129 : memref<1x128x16xf32, #tpu.memory_space<vmem>> -> memref<128x16xf32, #tpu.memory_space<vmem>>
    %dma_wait3A_131 = arith.constant 0 : i32
    %dma_wait3A_132 = arith.constant 0 : i32
    %dma_wait3A_133 = tpu.memref_slice %arg12[%dma_wait3A_131, %dma_wait3A_132] : memref<10112x16xf32, #tpu.memory_space<vmem_shared>> -> memref<10112x16xf32, #tpu.memory_space<vmem_shared>>
    %dma_wait3A_134 = tpu.memref_slice %arg14[%dma_wait3A_126] : memref<2x!tpu.dma_semaphore, #tpu.memory_space<semaphore_mem>> -> memref<1x!tpu.dma_semaphore, #tpu.memory_space<semaphore_mem>>
    %dma_wait3A_135 = tpu.memref_squeeze %dma_wait3A_134 : memref<1x!tpu.dma_semaphore, #tpu.memory_space<semaphore_mem>> -> memref<!tpu.dma_semaphore, #tpu.memory_space<semaphore_mem>>
    tpu.wait_indirect_dma semaphore(%dma_wait3A_135 : memref<!tpu.dma_semaphore, #tpu.memory_space<semaphore_mem>>) src(%dma_wait3A_130 : memref<128x16xf32, #tpu.memory_space<vmem>>) dst(%dma_wait3A_133 : memref<10112x16xf32, #tpu.memory_space<vmem_shared>>)
    %dma_wait3A_136 = arith.constant 1 : i32
    %dma_wait3A_137 = arith.constant 1 : i32
    %dma_wait3A_138 = arith.constant 0 : i32
    %dma_wait3A_139 = arith.constant 0 : i32
    %dma_wait3A_140 = tpu.memref_slice %arg10[%dma_wait3A_136, %dma_wait3A_138, %dma_wait3A_139] : memref<2x128x16xf32, #tpu.memory_space<vmem>> -> memref<1x128x16xf32, #tpu.memory_space<vmem>>
    %dma_wait3A_141 = tpu.memref_squeeze %dma_wait3A_140 : memref<1x128x16xf32, #tpu.memory_space<vmem>> -> memref<128x16xf32, #tpu.memory_space<vmem>>
    %dma_wait3A_142 = arith.constant 0 : i32
    %dma_wait3A_143 = arith.constant 0 : i32
    %dma_wait3A_144 = tpu.memref_slice %arg12[%dma_wait3A_142, %dma_wait3A_143] : memref<10112x16xf32, #tpu.memory_space<vmem_shared>> -> memref<10112x16xf32, #tpu.memory_space<vmem_shared>>
    %dma_wait3A_145 = tpu.memref_slice %arg14[%dma_wait3A_137] : memref<2x!tpu.dma_semaphore, #tpu.memory_space<semaphore_mem>> -> memref<1x!tpu.dma_semaphore, #tpu.memory_space<semaphore_mem>>
    %dma_wait3A_146 = tpu.memref_squeeze %dma_wait3A_145 : memref<1x!tpu.dma_semaphore, #tpu.memory_space<semaphore_mem>> -> memref<!tpu.dma_semaphore, #tpu.memory_space<semaphore_mem>>
    tpu.wait_indirect_dma semaphore(%dma_wait3A_146 : memref<!tpu.dma_semaphore, #tpu.memory_space<semaphore_mem>>) src(%dma_wait3A_141 : memref<128x16xf32, #tpu.memory_space<vmem>>) dst(%dma_wait3A_144 : memref<10112x16xf32, #tpu.memory_space<vmem_shared>>)
    %lt3A_147 = arith.constant 4 : i32
    %lt3A_148 = arith.cmpi slt, %add3A, %lt3A_147 : i32
    %convert_element_type3A_149 = arith.extui %lt3A_148 : i1 to i32
    %cond3A_150 = arith.constant 0 : i32
    %cond3A_151 = arith.cmpi ne, %convert_element_type3A_149, %cond3A_150 : i32
    scf.if %cond3A_151 {
      %dma_start3A_162 = arith.constant 78 : i32
      %dma_start3A_163 = arith.constant 0 : i32
      %dma_start3A_164 = arith.constant 0 : i32
      %dma_start3A_165 = arith.constant 0 : i32
      %dma_start3A_166 = arith.constant 0 : i32
      %dma_start3A_167 = arith.constant 0 : i32
      %dma_start3A_168 = tpu.memref_slice %arg7[%dma_start3A_164, %dma_start3A_166, %dma_start3A_167] : memref<2x128x16xf32, #tpu.memory_space<vmem>> -> memref<1x128x16xf32, #tpu.memory_space<vmem>>
      %dma_start3A_169 = tpu.memref_squeeze %dma_start3A_168 : memref<1x128x16xf32, #tpu.memory_space<vmem>> -> memref<128x16xf32, #tpu.memory_space<vmem>>
      %dma_start3A_170 = arith.constant 0 : i32
      %dma_start3A_171 = tpu.memref_slice %arg6[%dma_start3A_162, %dma_start3A_163, %dma_start3A_170] : memref<79x2x128xi32, #tpu.memory_space<vmem>> -> memref<1x1x128xi32, #tpu.memory_space<vmem>>
      %dma_start3A_172 = tpu.memref_squeeze %dma_start3A_171 : memref<1x1x128xi32, #tpu.memory_space<vmem>> -> memref<128xi32, #tpu.memory_space<vmem>>
      %dma_start3A_173 = arith.constant 0 : i32
      %dma_start3A_174 = arith.constant 0 : i32
      %dma_start3A_175 = tpu.memref_slice %arg2[%dma_start3A_173, %dma_start3A_174] : memref<10000x16xf32, #tpu.memory_space<hbm>> -> memref<10000x16xf32, #tpu.memory_space<hbm>>
      %dma_start3A_176 = tpu.memref_slice %arg13[%dma_start3A_165] : memref<2x!tpu.dma_semaphore, #tpu.memory_space<semaphore_mem>> -> memref<1x!tpu.dma_semaphore, #tpu.memory_space<semaphore_mem>>
      %dma_start3A_177 = tpu.memref_squeeze %dma_start3A_176 : memref<1x!tpu.dma_semaphore, #tpu.memory_space<semaphore_mem>> -> memref<!tpu.dma_semaphore, #tpu.memory_space<semaphore_mem>>
      tpu.enqueue_indirect_dma source(%dma_start3A_175 : memref<10000x16xf32, #tpu.memory_space<hbm>>) target(%dma_start3A_169 : memref<128x16xf32, #tpu.memory_space<vmem>>) offsets(%dma_start3A_172 : memref<128xi32, #tpu.memory_space<vmem>>) semaphore(%dma_start3A_177 : memref<!tpu.dma_semaphore, #tpu.memory_space<semaphore_mem>>)
      %dma_start3A_178 = arith.constant 78 : i32
      %dma_start3A_179 = arith.constant 1 : i32
      %dma_start3A_180 = arith.constant 0 : i32
      %dma_start3A_181 = arith.constant 0 : i32
      %dma_start3A_182 = arith.constant 0 : i32
      %dma_start3A_183 = arith.constant 0 : i32
      %dma_start3A_184 = tpu.memref_slice %arg8[%dma_start3A_180, %dma_start3A_182, %dma_start3A_183] : memref<2x128x16xf32, #tpu.memory_space<vmem>> -> memref<1x128x16xf32, #tpu.memory_space<vmem>>
      %dma_start3A_185 = tpu.memref_squeeze %dma_start3A_184 : memref<1x128x16xf32, #tpu.memory_space<vmem>> -> memref<128x16xf32, #tpu.memory_space<vmem>>
      %dma_start3A_186 = arith.constant 0 : i32
      %dma_start3A_187 = tpu.memref_slice %arg6[%dma_start3A_178, %dma_start3A_179, %dma_start3A_186] : memref<79x2x128xi32, #tpu.memory_space<vmem>> -> memref<1x1x128xi32, #tpu.memory_space<vmem>>
      %dma_start3A_188 = tpu.memref_squeeze %dma_start3A_187 : memref<1x1x128xi32, #tpu.memory_space<vmem>> -> memref<128xi32, #tpu.memory_space<vmem>>
      %dma_start3A_189 = arith.constant 0 : i32
      %dma_start3A_190 = arith.constant 0 : i32
      %dma_start3A_191 = tpu.memref_slice %arg2[%dma_start3A_189, %dma_start3A_190] : memref<10000x16xf32, #tpu.memory_space<hbm>> -> memref<10000x16xf32, #tpu.memory_space<hbm>>
      %dma_start3A_192 = tpu.memref_slice %arg13[%dma_start3A_181] : memref<2x!tpu.dma_semaphore, #tpu.memory_space<semaphore_mem>> -> memref<1x!tpu.dma_semaphore, #tpu.memory_space<semaphore_mem>>
      %dma_start3A_193 = tpu.memref_squeeze %dma_start3A_192 : memref<1x!tpu.dma_semaphore, #tpu.memory_space<semaphore_mem>> -> memref<!tpu.dma_semaphore, #tpu.memory_space<semaphore_mem>>
      tpu.enqueue_indirect_dma source(%dma_start3A_191 : memref<10000x16xf32, #tpu.memory_space<hbm>>) target(%dma_start3A_185 : memref<128x16xf32, #tpu.memory_space<vmem>>) offsets(%dma_start3A_188 : memref<128xi32, #tpu.memory_space<vmem>>) semaphore(%dma_start3A_193 : memref<!tpu.dma_semaphore, #tpu.memory_space<semaphore_mem>>)
      %dma_wait3A_194 = arith.constant 78 : i32
      %dma_wait3A_195 = arith.constant 0 : i32
      %dma_wait3A_196 = arith.constant 0 : i32
      %dma_wait3A_197 = arith.constant 0 : i32
      %dma_wait3A_198 = arith.constant 0 : i32
      %dma_wait3A_199 = arith.constant 0 : i32
      %dma_wait3A_200 = tpu.memref_slice %arg7[%dma_wait3A_196, %dma_wait3A_198, %dma_wait3A_199] : memref<2x128x16xf32, #tpu.memory_space<vmem>> -> memref<1x128x16xf32, #tpu.memory_space<vmem>>
      %dma_wait3A_201 = tpu.memref_squeeze %dma_wait3A_200 : memref<1x128x16xf32, #tpu.memory_space<vmem>> -> memref<128x16xf32, #tpu.memory_space<vmem>>
      %dma_wait3A_202 = arith.constant 0 : i32
      %dma_wait3A_203 = tpu.memref_slice %arg6[%dma_wait3A_194, %dma_wait3A_195, %dma_wait3A_202] : memref<79x2x128xi32, #tpu.memory_space<vmem>> -> memref<1x1x128xi32, #tpu.memory_space<vmem>>
      %dma_wait3A_204 = tpu.memref_squeeze %dma_wait3A_203 : memref<1x1x128xi32, #tpu.memory_space<vmem>> -> memref<128xi32, #tpu.memory_space<vmem>>
      %dma_wait3A_205 = arith.constant 0 : i32
      %dma_wait3A_206 = arith.constant 0 : i32
      %dma_wait3A_207 = tpu.memref_slice %arg2[%dma_wait3A_205, %dma_wait3A_206] : memref<10000x16xf32, #tpu.memory_space<hbm>> -> memref<10000x16xf32, #tpu.memory_space<hbm>>
      %dma_wait3A_208 = tpu.memref_slice %arg13[%dma_wait3A_197] : memref<2x!tpu.dma_semaphore, #tpu.memory_space<semaphore_mem>> -> memref<1x!tpu.dma_semaphore, #tpu.memory_space<semaphore_mem>>
      %dma_wait3A_209 = tpu.memref_squeeze %dma_wait3A_208 : memref<1x!tpu.dma_semaphore, #tpu.memory_space<semaphore_mem>> -> memref<!tpu.dma_semaphore, #tpu.memory_space<semaphore_mem>>
      tpu.wait_indirect_dma semaphore(%dma_wait3A_209 : memref<!tpu.dma_semaphore, #tpu.memory_space<semaphore_mem>>) src(%dma_wait3A_207 : memref<10000x16xf32, #tpu.memory_space<hbm>>) dst(%dma_wait3A_201 : memref<128x16xf32, #tpu.memory_space<vmem>>)
      %dma_wait3A_210 = arith.constant 78 : i32
      %dma_wait3A_211 = arith.constant 1 : i32
      %dma_wait3A_212 = arith.constant 0 : i32
      %dma_wait3A_213 = arith.constant 0 : i32
      %dma_wait3A_214 = arith.constant 0 : i32
      %dma_wait3A_215 = arith.constant 0 : i32
      %dma_wait3A_216 = tpu.memref_slice %arg8[%dma_wait3A_212, %dma_wait3A_214, %dma_wait3A_215] : memref<2x128x16xf32, #tpu.memory_space<vmem>> -> memref<1x128x16xf32, #tpu.memory_space<vmem>>
      %dma_wait3A_217 = tpu.memref_squeeze %dma_wait3A_216 : memref<1x128x16xf32, #tpu.memory_space<vmem>> -> memref<128x16xf32, #tpu.memory_space<vmem>>
      %dma_wait3A_218 = arith.constant 0 : i32
      %dma_wait3A_219 = tpu.memref_slice %arg6[%dma_wait3A_210, %dma_wait3A_211, %dma_wait3A_218] : memref<79x2x128xi32, #tpu.memory_space<vmem>> -> memref<1x1x128xi32, #tpu.memory_space<vmem>>
      %dma_wait3A_220 = tpu.memref_squeeze %dma_wait3A_219 : memref<1x1x128xi32, #tpu.memory_space<vmem>> -> memref<128xi32, #tpu.memory_space<vmem>>
      %dma_wait3A_221 = arith.constant 0 : i32
      %dma_wait3A_222 = arith.constant 0 : i32
      %dma_wait3A_223 = tpu.memref_slice %arg2[%dma_wait3A_221, %dma_wait3A_222] : memref<10000x16xf32, #tpu.memory_space<hbm>> -> memref<10000x16xf32, #tpu.memory_space<hbm>>
      %dma_wait3A_224 = tpu.memref_slice %arg13[%dma_wait3A_213] : memref<2x!tpu.dma_semaphore, #tpu.memory_space<semaphore_mem>> -> memref<1x!tpu.dma_semaphore, #tpu.memory_space<semaphore_mem>>
      %dma_wait3A_225 = tpu.memref_squeeze %dma_wait3A_224 : memref<1x!tpu.dma_semaphore, #tpu.memory_space<semaphore_mem>> -> memref<!tpu.dma_semaphore, #tpu.memory_space<semaphore_mem>>
      tpu.wait_indirect_dma semaphore(%dma_wait3A_225 : memref<!tpu.dma_semaphore, #tpu.memory_space<semaphore_mem>>) src(%dma_wait3A_223 : memref<10000x16xf32, #tpu.memory_space<hbm>>) dst(%dma_wait3A_217 : memref<128x16xf32, #tpu.memory_space<vmem>>)
      %parallel_loop3A = arith.constant 0 : i32
      %parallel_loop3A_226 = arith.constant 8 : i32
      %parallel_loop3A_227 = arith.constant 1 : i32
      scf.for %parallel_loop3A_234 = %parallel_loop3A to %parallel_loop3A_226 step %parallel_loop3A_227  : i32 {
        %parallel_loop3A_235 = arith.constant 16 : i32
        %parallel_loop3A_236 = arith.muli %parallel_loop3A_234, %parallel_loop3A_235 : i32
        %parallel_loop3A_237 = vector.broadcast %parallel_loop3A_236 : i32 to vector<16xi32>
        %parallel_loop3A_238 = arith.addi %iota3A, %parallel_loop3A_237 : vector<16xi32>
        %parallel_loop3A_239 = arith.constant 0 : i32
        %parallel_loop3A_240 = arith.constant 0 : i32
        %parallel_loop3A_241 = arith.constant 0 : i32
        %parallel_loop3A_242 = tpu.memref_slice %arg7[%parallel_loop3A_239, %parallel_loop3A_240, %parallel_loop3A_241] : memref<2x128x16xf32, #tpu.memory_space<vmem>> -> memref<1x128x16xf32, #tpu.memory_space<vmem>>
        %parallel_loop3A_243 = tpu.memref_squeeze %parallel_loop3A_242 : memref<1x128x16xf32, #tpu.memory_space<vmem>> -> memref<128x16xf32, #tpu.memory_space<vmem>>
        %parallel_loop3A_244 = tpu.vector_load_idx %parallel_loop3A_243[%parallel_loop3A_238, %broadcast_in_dim3A_3] : memref<128x16xf32, #tpu.memory_space<vmem>>[vector<16xi32>, vector<16xi32>], vector<16xf32>,
        %parallel_loop3A_245 = arith.constant 0 : i32
        %parallel_loop3A_246 = arith.constant 0 : i32
        %parallel_loop3A_247 = arith.constant 0 : i32
        %parallel_loop3A_248 = tpu.memref_slice %arg8[%parallel_loop3A_245, %parallel_loop3A_246, %parallel_loop3A_247] : memref<2x128x16xf32, #tpu.memory_space<vmem>> -> memref<1x128x16xf32, #tpu.memory_space<vmem>>
        %parallel_loop3A_249 = tpu.memref_squeeze %parallel_loop3A_248 : memref<1x128x16xf32, #tpu.memory_space<vmem>> -> memref<128x16xf32, #tpu.memory_space<vmem>>
        %parallel_loop3A_250 = tpu.vector_load_idx %parallel_loop3A_249[%parallel_loop3A_238, %broadcast_in_dim3A_5] : memref<128x16xf32, #tpu.memory_space<vmem>>[vector<16xi32>, vector<16xi32>], vector<16xf32>,
        %parallel_loop3A_251 = arith.addf %parallel_loop3A_244, %parallel_loop3A_250 : vector<16xf32>
        %parallel_loop3A_252 = arith.constant 0.000000e+00 : f32
        %parallel_loop3A_253 = vector.broadcast %parallel_loop3A_252 : f32 to vector<16xf32>
        %parallel_loop3A_254 = arith.cmpf ogt, %parallel_loop3A_251, %parallel_loop3A_253 : vector<16xf32>
        %parallel_loop3A_255 = arith.constant 2.000000e-01 : f32
        %parallel_loop3A_256 = vector.broadcast %parallel_loop3A_255 : f32 to vector<16xf32>
        %parallel_loop3A_257 = arith.mulf %parallel_loop3A_256, %parallel_loop3A_251 : vector<16xf32>
        %parallel_loop3A_258 = arith.select %parallel_loop3A_254, %parallel_loop3A_251, %parallel_loop3A_257 : vector<16xi1>, vector<16xf32>
        %parallel_loop3A_259 = math.exp %parallel_loop3A_258 : vector<16xf32>
        %parallel_loop3A_260 = arith.constant 16 : i32
        %parallel_loop3A_261 = arith.muli %parallel_loop3A_234, %parallel_loop3A_260 : i32
        %parallel_loop3A_262 = arith.index_cast %parallel_loop3A_261 : i32 to index
        %parallel_loop3A_263 = tpu.vector_load %arg9[%parallel_loop3A_262] {strides = array<i32>} : memref<128xf32, #tpu.memory_space<vmem>>, vector<16xf32>,
        tpu.vector_store %arg9[%parallel_loop3A_262], %parallel_loop3A_259 {strides = array<i32>} : memref<128xf32, #tpu.memory_space<vmem>>, vector<16xf32>,
      } {sc.loop_unroll_factor = 2 : i64, sc.parallel_access}
      %parallel_loop3A_228 = arith.constant 0 : i32
      %parallel_loop3A_229 = arith.constant 128 : i32
      %parallel_loop3A_230 = arith.constant 1 : i32
      scf.for %parallel_loop3A_234 = %parallel_loop3A_228 to %parallel_loop3A_229 step %parallel_loop3A_230  : i32 {
        %parallel_loop3A_235 = arith.constant 0 : i32
        %parallel_loop3A_236 = vector.broadcast %parallel_loop3A_235 : i32 to vector<16xi32>
        %parallel_loop3A_237 = vector.broadcast %parallel_loop3A_234 : i32 to vector<16xi32>
        %parallel_loop3A_238 = arith.addi %parallel_loop3A_236, %parallel_loop3A_237 : vector<16xi32>
        %parallel_loop3A_239 = tpu.vector_load_idx %arg9[%parallel_loop3A_238] : memref<128xf32, #tpu.memory_space<vmem>>[vector<16xi32>], vector<16xf32>,
        %parallel_loop3A_240 = arith.constant 0 : i32
        %parallel_loop3A_241 = arith.index_cast %parallel_loop3A_240 : i32 to index
        %parallel_loop3A_242 = arith.index_cast %parallel_loop3A_234 : i32 to index
        %parallel_loop3A_243 = arith.constant 0 : index
        %parallel_loop3A_244 = tpu.vector_load %arg7[%parallel_loop3A_241, %parallel_loop3A_242, %parallel_loop3A_243] {strides = array<i32>} : memref<2x128x16xf32, #tpu.memory_space<vmem>>, vector<16xf32>,
        %parallel_loop3A_245 = arith.mulf %parallel_loop3A_239, %parallel_loop3A_244 : vector<16xf32>
        %parallel_loop3A_246 = arith.constant 0 : i32
        %parallel_loop3A_247 = arith.index_cast %parallel_loop3A_246 : i32 to index
        %parallel_loop3A_248 = arith.index_cast %parallel_loop3A_234 : i32 to index
        %parallel_loop3A_249 = arith.constant 0 : index
        %parallel_loop3A_250 = tpu.vector_load %arg10[%parallel_loop3A_247, %parallel_loop3A_248, %parallel_loop3A_249] {strides = array<i32>} : memref<2x128x16xf32, #tpu.memory_space<vmem>>, vector<16xf32>,
        tpu.vector_store %arg10[%parallel_loop3A_247, %parallel_loop3A_248, %parallel_loop3A_249], %parallel_loop3A_245 {strides = array<i32>} : memref<2x128x16xf32, #tpu.memory_space<vmem>>, vector<16xf32>,
      } {sc.loop_unroll_factor = 4 : i64, sc.parallel_access}
      %run_scoped3A_231 = arith.constant 0 : i32
      %run_scoped3A_232 = arith.constant 78 : i32
      %run_scoped3A_233 = arith.constant 1 : i32
      "tpu.region"() ({
        %run_scoped3A_234 = tpu.sem_alloc : memref<!tpu.dma_semaphore, #tpu.memory_space<semaphore_mem>>
        %dma_start3A_235 = arith.constant 0 : i32
        %dma_start3A_236 = arith.constant 0 : i32
        %dma_start3A_237 = tpu.memref_slice %arg10[%run_scoped3A_231, %dma_start3A_235, %dma_start3A_236] : memref<2x128x16xf32, #tpu.memory_space<vmem>> -> memref<1x128x16xf32, #tpu.memory_space<vmem>>
        %dma_start3A_238 = tpu.memref_squeeze %dma_start3A_237 : memref<1x128x16xf32, #tpu.memory_space<vmem>> -> memref<128x16xf32, #tpu.memory_space<vmem>>
        %dma_start3A_239 = arith.constant 0 : i32
        %dma_start3A_240 = tpu.memref_slice %arg6[%run_scoped3A_232, %run_scoped3A_233, %dma_start3A_239] : memref<79x2x128xi32, #tpu.memory_space<vmem>> -> memref<1x1x128xi32, #tpu.memory_space<vmem>>
        %dma_start3A_241 = tpu.memref_squeeze %dma_start3A_240 : memref<1x1x128xi32, #tpu.memory_space<vmem>> -> memref<128xi32, #tpu.memory_space<vmem>>
        %dma_start3A_242 = arith.constant 0 : i32
        %dma_start3A_243 = arith.constant 0 : i32
        %dma_start3A_244 = tpu.memref_slice %arg12[%dma_start3A_242, %dma_start3A_243] : memref<10112x16xf32, #tpu.memory_space<vmem_shared>> -> memref<10112x16xf32, #tpu.memory_space<vmem_shared>>
        tpu.enqueue_indirect_dma source(%dma_start3A_238 : memref<128x16xf32, #tpu.memory_space<vmem>>) target(%dma_start3A_244 : memref<10112x16xf32, #tpu.memory_space<vmem_shared>>) offsets(%dma_start3A_241 : memref<128xi32, #tpu.memory_space<vmem>>) semaphore(%run_scoped3A_234 : memref<!tpu.dma_semaphore, #tpu.memory_space<semaphore_mem>>) {add = true}
        %dma_wait3A_245 = arith.constant 0 : i32
        %dma_wait3A_246 = arith.constant 0 : i32
        %dma_wait3A_247 = tpu.memref_slice %arg10[%run_scoped3A_231, %dma_wait3A_245, %dma_wait3A_246] : memref<2x128x16xf32, #tpu.memory_space<vmem>> -> memref<1x128x16xf32, #tpu.memory_space<vmem>>
        %dma_wait3A_248 = tpu.memref_squeeze %dma_wait3A_247 : memref<1x128x16xf32, #tpu.memory_space<vmem>> -> memref<128x16xf32, #tpu.memory_space<vmem>>
        %dma_wait3A_249 = arith.constant 0 : i32
        %dma_wait3A_250 = tpu.memref_slice %arg6[%run_scoped3A_232, %run_scoped3A_233, %dma_wait3A_249] : memref<79x2x128xi32, #tpu.memory_space<vmem>> -> memref<1x1x128xi32, #tpu.memory_space<vmem>>
        %dma_wait3A_251 = tpu.memref_squeeze %dma_wait3A_250 : memref<1x1x128xi32, #tpu.memory_space<vmem>> -> memref<128xi32, #tpu.memory_space<vmem>>
        %dma_wait3A_252 = arith.constant 0 : i32
        %dma_wait3A_253 = arith.constant 0 : i32
        %dma_wait3A_254 = tpu.memref_slice %arg12[%dma_wait3A_252, %dma_wait3A_253] : memref<10112x16xf32, #tpu.memory_space<vmem_shared>> -> memref<10112x16xf32, #tpu.memory_space<vmem_shared>>
        tpu.wait_indirect_dma semaphore(%run_scoped3A_234 : memref<!tpu.dma_semaphore, #tpu.memory_space<semaphore_mem>>) src(%dma_wait3A_248 : memref<128x16xf32, #tpu.memory_space<vmem>>) dst(%dma_wait3A_254 : memref<10112x16xf32, #tpu.memory_space<vmem_shared>>)
        tpu.yield
      }) : () -> ()
    } else {
    }
    %barrier3A_152 = arith.constant 0 : index
    tpu.barrier barrier_id(%barrier3A_152)
    %eq3A = arith.constant 0 : i32
    %eq3A_153 = arith.cmpi eq, %arg0, %eq3A : i32
    %convert_element_type3A_154 = arith.extui %eq3A_153 : i1 to i32
    %cond3A_155 = arith.constant 0 : i32
    %cond3A_156 = arith.cmpi ne, %convert_element_type3A_154, %cond3A_155 : i32
    scf.if %cond3A_156 {
      "tpu.region"() ({
        %run_scoped3A_162 = tpu.sem_alloc : memref<!tpu.dma_semaphore, #tpu.memory_space<semaphore_mem>>
        %dma_start3A_163 = arith.constant 0 : i32
        %dma_start3A_164 = tpu.memref_slice %arg4[%mul3A_36, %dma_start3A_163] : memref<10112x128xf32, #tpu.memory_space<hbm>> -> memref<632x16xf32, #tpu.memory_space<hbm>>
        %dma_start3A_165 = arith.constant 0 : i32
        %dma_start3A_166 = tpu.memref_slice %arg12[%mul3A_36, %dma_start3A_165] : memref<10112x16xf32, #tpu.memory_space<vmem_shared>> -> memref<632x16xf32, #tpu.memory_space<vmem_shared>>
        tpu.enqueue_dma source(%dma_start3A_166 : memref<632x16xf32, #tpu.memory_space<vmem_shared>>) target(%dma_start3A_164 : memref<632x16xf32, #tpu.memory_space<hbm>>) target_semaphore(%run_scoped3A_162 : memref<!tpu.dma_semaphore, #tpu.memory_space<semaphore_mem>>)
        %dma_wait3A_167 = arith.constant 0 : i32
        %dma_wait3A_168 = tpu.memref_slice %arg4[%mul3A_36, %dma_wait3A_167] : memref<10112x128xf32, #tpu.memory_space<hbm>> -> memref<632x16xf32, #tpu.memory_space<hbm>>
        %dma_wait3A_169 = arith.constant 0 : i32
        %dma_wait3A_170 = tpu.memref_slice %arg12[%mul3A_36, %dma_wait3A_169] : memref<10112x16xf32, #tpu.memory_space<vmem_shared>> -> memref<632x16xf32, #tpu.memory_space<vmem_shared>>
        tpu.wait_dma2 semaphore(%run_scoped3A_162 : memref<!tpu.dma_semaphore, #tpu.memory_space<semaphore_mem>>) src(%dma_wait3A_170 : memref<632x16xf32, #tpu.memory_space<vmem_shared>>) dst(%dma_wait3A_168 : memref<632x16xf32, #tpu.memory_space<hbm>>)
        tpu.yield
      }) : () -> ()
    } else {
    }
    %eq3A_157 = arith.constant 1 : i32
    %eq3A_158 = arith.cmpi eq, %arg0, %eq3A_157 : i32
    %convert_element_type3A_159 = arith.extui %eq3A_158 : i1 to i32
    %cond3A_160 = arith.constant 0 : i32
    %cond3A_161 = arith.cmpi ne, %convert_element_type3A_159, %cond3A_160 : i32
    scf.if %cond3A_161 {
      "tpu.region"() ({
        %run_scoped3A_162 = tpu.sem_alloc : memref<!tpu.dma_semaphore, #tpu.memory_space<semaphore_mem>>
        %dma_start3A_163 = arith.constant 0 : i32
        %dma_start3A_164 = tpu.memref_slice %arg5[%mul3A_36, %dma_start3A_163] : memref<10112x128xf32, #tpu.memory_space<hbm>> -> memref<632x16xf32, #tpu.memory_space<hbm>>
        %dma_start3A_165 = arith.constant 0 : i32
        %dma_start3A_166 = tpu.memref_slice %arg12[%mul3A_36, %dma_start3A_165] : memref<10112x16xf32, #tpu.memory_space<vmem_shared>> -> memref<632x16xf32, #tpu.memory_space<vmem_shared>>
        tpu.enqueue_dma source(%dma_start3A_166 : memref<632x16xf32, #tpu.memory_space<vmem_shared>>) target(%dma_start3A_164 : memref<632x16xf32, #tpu.memory_space<hbm>>) target_semaphore(%run_scoped3A_162 : memref<!tpu.dma_semaphore, #tpu.memory_space<semaphore_mem>>)
        %dma_wait3A_167 = arith.constant 0 : i32
        %dma_wait3A_168 = tpu.memref_slice %arg5[%mul3A_36, %dma_wait3A_167] : memref<10112x128xf32, #tpu.memory_space<hbm>> -> memref<632x16xf32, #tpu.memory_space<hbm>>
        %dma_wait3A_169 = arith.constant 0 : i32
        %dma_wait3A_170 = tpu.memref_slice %arg12[%mul3A_36, %dma_wait3A_169] : memref<10112x16xf32, #tpu.memory_space<vmem_shared>> -> memref<632x16xf32, #tpu.memory_space<vmem_shared>>
        tpu.wait_dma2 semaphore(%run_scoped3A_162 : memref<!tpu.dma_semaphore, #tpu.memory_space<semaphore_mem>>) src(%dma_wait3A_170 : memref<632x16xf32, #tpu.memory_space<vmem_shared>>) dst(%dma_wait3A_168 : memref<632x16xf32, #tpu.memory_space<hbm>>)
        tpu.yield
      }) : () -> ()
    } else {
    }
    return
  }
}

module attributes {stable_mosaic.version = 14 : i64} {
  func.func @_tc1_body(%arg0: i32, %arg1: memref<1000x128xf32, #tpu.memory_space<vmem>>, %arg2: memref<128x64xf32, #tpu.memory_space<vmem>>, %arg3: memref<64x16xf32, #tpu.memory_space<vmem>>, %arg4: memref<64x16xf32, #tpu.memory_space<vmem>>, %arg5: memref<1000x64xf32, #tpu.memory_space<vmem>>, %arg6: memref<1000x16xf32, #tpu.memory_space<vmem>>, %arg7: memref<1000x16xf32, #tpu.memory_space<vmem>>) attributes {dimension_semantics = [#tpu.dimension_semantics<arbitrary>], iteration_bounds = array<i64: 10>, scalar_prefetch = 0 : i64, scratch_operands = 0 : i64, tpu.core_type = #tpu.core_type<tc>, window_params = [{transform_indices = @transform_0, window_bounds = array<i64: 1000, 128>}, {pipeline_mode = #tpu.pipeline_mode<synchronous>, transform_indices = @transform_1, window_bounds = array<i64: 128, 64>}, {pipeline_mode = #tpu.pipeline_mode<synchronous>, transform_indices = @transform_2, window_bounds = array<i64: 64, 16>}, {pipeline_mode = #tpu.pipeline_mode<synchronous>, transform_indices = @transform_3, window_bounds = array<i64: 64, 16>}, {transform_indices = @transform_4, window_bounds = array<i64: 1000, 64>}, {transform_indices = @transform_5, window_bounds = array<i64: 1000, 16>}, {transform_indices = @transform_6, window_bounds = array<i64: 1000, 16>}]} {
    %get3A = arith.constant 0 : index
    %get3A_0 = arith.constant 0 : index
    %get3A_1 = vector.load %arg1[%get3A, %get3A_0] : memref<1000x128xf32, #tpu.memory_space<vmem>>, vector<1000x128xf32>
    %get3A_2 = arith.constant 0 : index
    %get3A_3 = arith.constant 0 : index
    %get3A_4 = vector.load %arg2[%get3A_2, %get3A_3] : memref<128x64xf32, #tpu.memory_space<vmem>>, vector<128x64xf32>
    %dot_general3A = arith.constant dense<0.000000e+00> : vector<1000x64xf32>
    %dot_general3A_5 = tpu.matmul %get3A_1, %get3A_4, %dot_general3A {dimension_numbers = #tpu.dot_dimension_numbers<[1], [0], [0], [1], [0, 0, 1, 1], [], []>, transpose_lhs_hint = false} : vector<1000x128xf32>, vector<128x64xf32>, vector<1000x64xf32> -> vector<1000x64xf32>
    %swap3A = arith.constant 0 : index
    %swap3A_6 = arith.constant 0 : index
    %swap3A_7 = vector.load %arg5[%swap3A, %swap3A_6] : memref<1000x64xf32, #tpu.memory_space<vmem>>, vector<1000x64xf32>
    tpu.vector_store %arg5[%swap3A, %swap3A_6], %dot_general3A_5 {strides = array<i32>} : memref<1000x64xf32, #tpu.memory_space<vmem>>, vector<1000x64xf32>,
    %get3A_8 = arith.constant 0 : index
    %get3A_9 = arith.constant 0 : index
    %get3A_10 = vector.load %arg3[%get3A_8, %get3A_9] : memref<64x16xf32, #tpu.memory_space<vmem>>, vector<64x16xf32>
    %dot_general3A_11 = arith.constant dense<0.000000e+00> : vector<1000x16xf32>
    %dot_general3A_12 = tpu.matmul %dot_general3A_5, %get3A_10, %dot_general3A_11 {dimension_numbers = #tpu.dot_dimension_numbers<[1], [0], [0], [1], [0, 0, 1, 1], [], []>, transpose_lhs_hint = false} : vector<1000x64xf32>, vector<64x16xf32>, vector<1000x16xf32> -> vector<1000x16xf32>
    %swap3A_13 = arith.constant 0 : index
    %swap3A_14 = arith.constant 0 : index
    %swap3A_15 = vector.load %arg6[%swap3A_13, %swap3A_14] : memref<1000x16xf32, #tpu.memory_space<vmem>>, vector<1000x16xf32>
    tpu.vector_store %arg6[%swap3A_13, %swap3A_14], %dot_general3A_12 {strides = array<i32>} : memref<1000x16xf32, #tpu.memory_space<vmem>>, vector<1000x16xf32>,
    %get3A_16 = arith.constant 0 : index
    %get3A_17 = arith.constant 0 : index
    %get3A_18 = vector.load %arg4[%get3A_16, %get3A_17] : memref<64x16xf32, #tpu.memory_space<vmem>>, vector<64x16xf32>
    %dot_general3A_19 = arith.constant dense<0.000000e+00> : vector<1000x16xf32>
    %dot_general3A_20 = tpu.matmul %dot_general3A_5, %get3A_18, %dot_general3A_19 {dimension_numbers = #tpu.dot_dimension_numbers<[1], [0], [0], [1], [0, 0, 1, 1], [], []>, transpose_lhs_hint = false} : vector<1000x64xf32>, vector<64x16xf32>, vector<1000x16xf32> -> vector<1000x16xf32>
    %swap3A_21 = arith.constant 0 : index
    %swap3A_22 = arith.constant 0 : index
    %swap3A_23 = vector.load %arg7[%swap3A_21, %swap3A_22] : memref<1000x16xf32, #tpu.memory_space<vmem>>, vector<1000x16xf32>
    tpu.vector_store %arg7[%swap3A_21, %swap3A_22], %dot_general3A_20 {strides = array<i32>} : memref<1000x16xf32, #tpu.memory_space<vmem>>, vector<1000x16xf32>,
    return
  }
  func.func @transform_0(%arg0: i32) -> (i32, i32) {
    %c0_i32 = arith.constant 0 : i32
    %c0_i32_0 = arith.constant 0 : i32
    return %arg0, %c0_i32 : i32, i32
  }
  func.func @transform_1(%arg0: i32) -> (i32, i32) {
    %c0_i32 = arith.constant 0 : i32
    %c0_i32_0 = arith.constant 0 : i32
    %c0_i32_1 = arith.constant 0 : i32
    return %c0_i32, %c0_i32_0 : i32, i32
  }
  func.func @transform_2(%arg0: i32) -> (i32, i32) {
    %c0_i32 = arith.constant 0 : i32
    %c0_i32_0 = arith.constant 0 : i32
    %c0_i32_1 = arith.constant 0 : i32
    return %c0_i32, %c0_i32_0 : i32, i32
  }
  func.func @transform_3(%arg0: i32) -> (i32, i32) {
    %c0_i32 = arith.constant 0 : i32
    %c0_i32_0 = arith.constant 0 : i32
    %c0_i32_1 = arith.constant 0 : i32
    return %c0_i32, %c0_i32_0 : i32, i32
  }
  func.func @transform_4(%arg0: i32) -> (i32, i32) {
    %c0_i32 = arith.constant 0 : i32
    %c0_i32_0 = arith.constant 0 : i32
    return %arg0, %c0_i32 : i32, i32
  }
  func.func @transform_5(%arg0: i32) -> (i32, i32) {
    %c0_i32 = arith.constant 0 : i32
    %c0_i32_0 = arith.constant 0 : i32
    return %arg0, %c0_i32 : i32, i32
  }
  func.func @transform_6(%arg0: i32) -> (i32, i32) {
    %c0_i32 = arith.constant 0 : i32
    %c0_i32_0 = arith.constant 0 : i32
    return %arg0, %c0_i32 : i32, i32
  }
}

module attributes {stable_mosaic.version = 14 : i64} {
  func.func @_tc2_body(%arg0: i32, %arg1: memref<1000x128xf32, #tpu.memory_space<vmem>>, %arg2: memref<1000x128xf32, #tpu.memory_space<vmem>>, %arg3: memref<1000x64xf32, #tpu.memory_space<vmem>>, %arg4: memref<1000x16xf32, #tpu.memory_space<vmem>>, %arg5: memref<1000x16xf32, #tpu.memory_space<vmem>>, %arg6: memref<16x64xf32, #tpu.memory_space<vmem>>, %arg7: memref<1x64xf32, #tpu.memory_space<vmem>>, %arg8: memref<64x16xf32, #tpu.memory_space<vmem>>, %arg9: memref<1x16xf32, #tpu.memory_space<vmem>>, %arg10: memref<1000x16xf32, #tpu.memory_space<vmem>>) attributes {dimension_semantics = [#tpu.dimension_semantics<arbitrary>], iteration_bounds = array<i64: 10>, scalar_prefetch = 0 : i64, scratch_operands = 0 : i64, tpu.core_type = #tpu.core_type<tc>, window_params = [{transform_indices = @transform_0, window_bounds = array<i64: 1000, 128>}, {transform_indices = @transform_1, window_bounds = array<i64: 1000, 128>}, {transform_indices = @transform_2, window_bounds = array<i64: 1000, 64>}, {transform_indices = @transform_3, window_bounds = array<i64: 1000, 16>}, {transform_indices = @transform_4, window_bounds = array<i64: 1000, 16>}, {pipeline_mode = #tpu.pipeline_mode<synchronous>, transform_indices = @transform_5, window_bounds = array<i64: 16, 64>}, {pipeline_mode = #tpu.pipeline_mode<synchronous>, transform_indices = @transform_6, window_bounds = array<i64: 1, 64>}, {pipeline_mode = #tpu.pipeline_mode<synchronous>, transform_indices = @transform_7, window_bounds = array<i64: 64, 16>}, {pipeline_mode = #tpu.pipeline_mode<synchronous>, transform_indices = @transform_8, window_bounds = array<i64: 1, 16>}, {transform_indices = @transform_9, window_bounds = array<i64: 1000, 16>}]} {
    %get3A = arith.constant 0 : index
    %get3A_0 = arith.constant 0 : index
    %get3A_1 = vector.load %arg4[%get3A, %get3A_0] : memref<1000x16xf32, #tpu.memory_space<vmem>>, vector<1000x16xf32>
    %get3A_2 = arith.constant 0 : index
    %get3A_3 = arith.constant 0 : index
    %get3A_4 = vector.load %arg5[%get3A_2, %get3A_3] : memref<1000x16xf32, #tpu.memory_space<vmem>>, vector<1000x16xf32>
    %add3A = arith.addf %get3A_1, %get3A_4 : vector<1000x16xf32>
    %gt3A = arith.constant 0.000000e+00 : f32
    %gt3A_5 = vector.broadcast %gt3A : f32 to vector<1000x16xf32>
    %gt3A_6 = arith.cmpf ogt, %add3A, %gt3A_5 : vector<1000x16xf32>
    %mul3A = arith.constant 2.000000e-01 : f32
    %mul3A_7 = vector.broadcast %mul3A : f32 to vector<1000x16xf32>
    %mul3A_8 = arith.mulf %mul3A_7, %add3A : vector<1000x16xf32>
    %select_n3A = arith.select %gt3A_6, %add3A, %mul3A_8 : vector<1000x16xi1>, vector<1000x16xf32>
    %exp3A = math.exp %select_n3A : vector<1000x16xf32>
    %get3A_9 = arith.constant 0 : index
    %get3A_10 = arith.constant 64 : index
    %get3A_11 = vector.load %arg1[%get3A_9, %get3A_10] : memref<1000x128xf32, #tpu.memory_space<vmem>>, vector<1000x16xf32>
    %get3A_12 = arith.constant 0 : index
    %get3A_13 = arith.constant 64 : index
    %get3A_14 = vector.load %arg2[%get3A_12, %get3A_13] : memref<1000x128xf32, #tpu.memory_space<vmem>>, vector<1000x16xf32>
    %add3A_15 = arith.addf %get3A_11, %get3A_14 : vector<1000x16xf32>
    %add3A_16 = arith.addf %add3A_15, %exp3A : vector<1000x16xf32>
    %get3A_17 = arith.constant 0 : index
    %get3A_18 = arith.constant 0 : index
    %get3A_19 = vector.load %arg6[%get3A_17, %get3A_18] : memref<16x64xf32, #tpu.memory_space<vmem>>, vector<16x64xf32>
    %dot_general3A = arith.constant dense<0.000000e+00> : vector<1000x64xf32>
    %dot_general3A_20 = tpu.matmul %exp3A, %get3A_19, %dot_general3A {dimension_numbers = #tpu.dot_dimension_numbers<[1], [0], [0], [1], [0, 0, 1, 1], [], []>, transpose_lhs_hint = false} : vector<1000x16xf32>, vector<16x64xf32>, vector<1000x64xf32> -> vector<1000x64xf32>
    %get3A_21 = arith.constant 0 : index
    %get3A_22 = arith.constant 0 : index
    %get3A_23 = vector.load %arg6[%get3A_21, %get3A_22] : memref<16x64xf32, #tpu.memory_space<vmem>>, vector<16x64xf32>
    %dot_general3A_24 = arith.constant dense<0.000000e+00> : vector<1000x64xf32>
    %dot_general3A_25 = tpu.matmul %add3A_16, %get3A_23, %dot_general3A_24 {dimension_numbers = #tpu.dot_dimension_numbers<[1], [0], [0], [1], [0, 0, 1, 1], [], []>, transpose_lhs_hint = false} : vector<1000x16xf32>, vector<16x64xf32>, vector<1000x64xf32> -> vector<1000x64xf32>
    %get3A_26 = arith.constant 0 : index
    %get3A_27 = arith.constant 0 : index
    %get3A_28 = vector.load %arg1[%get3A_26, %get3A_27] : memref<1000x128xf32, #tpu.memory_space<vmem>>, vector<1000x64xf32>
    %get3A_29 = arith.constant 0 : index
    %get3A_30 = arith.constant 0 : index
    %get3A_31 = vector.load %arg2[%get3A_29, %get3A_30] : memref<1000x128xf32, #tpu.memory_space<vmem>>, vector<1000x64xf32>
    %add3A_32 = arith.addf %get3A_28, %get3A_31 : vector<1000x64xf32>
    %get3A_33 = arith.constant 0 : index
    %get3A_34 = arith.constant 0 : index
    %get3A_35 = vector.load %arg3[%get3A_33, %get3A_34] : memref<1000x64xf32, #tpu.memory_space<vmem>>, vector<1000x64xf32>
    %mul3A_36 = arith.mulf %dot_general3A_20, %get3A_35 : vector<1000x64xf32>
    %add3A_37 = arith.addf %add3A_32, %mul3A_36 : vector<1000x64xf32>
    %div3A = arith.divf %add3A_37, %dot_general3A_25 : vector<1000x64xf32>
    %get3A_38 = arith.constant 0 : index
    %get3A_39 = arith.constant 0 : index
    %get3A_40 = vector.load %arg7[%get3A_38, %get3A_39] : memref<1x64xf32, #tpu.memory_space<vmem>>, vector<1x64xf32>
    %add3A_41 = vector.broadcast %get3A_40 : vector<1x64xf32> to vector<1000x64xf32>
    %add3A_42 = arith.addf %div3A, %add3A_41 : vector<1000x64xf32>
    %gt3A_43 = arith.constant 0.000000e+00 : f32
    %gt3A_44 = vector.broadcast %gt3A_43 : f32 to vector<1000x64xf32>
    %gt3A_45 = arith.cmpf ogt, %add3A_42, %gt3A_44 : vector<1000x64xf32>
    %exp3A_46 = math.exp %add3A_42 : vector<1000x64xf32>
    %sub3A = arith.constant 1.000000e+00 : f32
    %sub3A_47 = vector.broadcast %sub3A : f32 to vector<1000x64xf32>
    %sub3A_48 = arith.subf %exp3A_46, %sub3A_47 : vector<1000x64xf32>
    %select_n3A_49 = arith.select %gt3A_45, %add3A_42, %sub3A_48 : vector<1000x64xi1>, vector<1000x64xf32>
    %get3A_50 = arith.constant 0 : index
    %get3A_51 = arith.constant 0 : index
    %get3A_52 = vector.load %arg8[%get3A_50, %get3A_51] : memref<64x16xf32, #tpu.memory_space<vmem>>, vector<64x16xf32>
    %dot_general3A_53 = arith.constant dense<0.000000e+00> : vector<1000x16xf32>
    %dot_general3A_54 = tpu.matmul %select_n3A_49, %get3A_52, %dot_general3A_53 {dimension_numbers = #tpu.dot_dimension_numbers<[1], [0], [0], [1], [0, 0, 1, 1], [], []>, transpose_lhs_hint = false} : vector<1000x64xf32>, vector<64x16xf32>, vector<1000x16xf32> -> vector<1000x16xf32>
    %get3A_55 = arith.constant 0 : index
    %get3A_56 = arith.constant 0 : index
    %get3A_57 = vector.load %arg9[%get3A_55, %get3A_56] : memref<1x16xf32, #tpu.memory_space<vmem>>, vector<1x16xf32>
    %add3A_58 = vector.broadcast %get3A_57 : vector<1x16xf32> to vector<1000x16xf32>
    %add3A_59 = arith.addf %dot_general3A_54, %add3A_58 : vector<1000x16xf32>
    %swap3A = arith.constant 0 : index
    %swap3A_60 = arith.constant 0 : index
    %swap3A_61 = vector.load %arg10[%swap3A, %swap3A_60] : memref<1000x16xf32, #tpu.memory_space<vmem>>, vector<1000x16xf32>
    tpu.vector_store %arg10[%swap3A, %swap3A_60], %add3A_59 {strides = array<i32>} : memref<1000x16xf32, #tpu.memory_space<vmem>>, vector<1000x16xf32>,
    return
  }
  func.func @transform_0(%arg0: i32) -> (i32, i32) {
    %c0_i32 = arith.constant 0 : i32
    %c0_i32_0 = arith.constant 0 : i32
    return %arg0, %c0_i32 : i32, i32
  }
  func.func @transform_1(%arg0: i32) -> (i32, i32) {
    %c0_i32 = arith.constant 0 : i32
    %c0_i32_0 = arith.constant 0 : i32
    return %arg0, %c0_i32 : i32, i32
  }
  func.func @transform_2(%arg0: i32) -> (i32, i32) {
    %c0_i32 = arith.constant 0 : i32
    %c0_i32_0 = arith.constant 0 : i32
    return %arg0, %c0_i32 : i32, i32
  }
  func.func @transform_3(%arg0: i32) -> (i32, i32) {
    %c0_i32 = arith.constant 0 : i32
    %c0_i32_0 = arith.constant 0 : i32
    return %arg0, %c0_i32 : i32, i32
  }
  func.func @transform_4(%arg0: i32) -> (i32, i32) {
    %c0_i32 = arith.constant 0 : i32
    %c0_i32_0 = arith.constant 0 : i32
    return %arg0, %c0_i32 : i32, i32
  }
  func.func @transform_5(%arg0: i32) -> (i32, i32) {
    %c0_i32 = arith.constant 0 : i32
    %c0_i32_0 = arith.constant 0 : i32
    %c0_i32_1 = arith.constant 0 : i32
    return %c0_i32, %c0_i32_0 : i32, i32
  }
  func.func @transform_6(%arg0: i32) -> (i32, i32) {
    %c0_i32 = arith.constant 0 : i32
    %c0_i32_0 = arith.constant 0 : i32
    %c0_i32_1 = arith.constant 0 : i32
    return %c0_i32, %c0_i32_0 : i32, i32
  }
  func.func @transform_7(%arg0: i32) -> (i32, i32) {
    %c0_i32 = arith.constant 0 : i32
    %c0_i32_0 = arith.constant 0 : i32
    %c0_i32_1 = arith.constant 0 : i32
    return %c0_i32, %c0_i32_0 : i32, i32
  }
  func.func @transform_8(%arg0: i32) -> (i32, i32) {
    %c0_i32 = arith.constant 0 : i32
    %c0_i32_0 = arith.constant 0 : i32
    %c0_i32_1 = arith.constant 0 : i32
    return %c0_i32, %c0_i32_0 : i32, i32
  }
  func.func @transform_9(%arg0: i32) -> (i32, i32) {
    %c0_i32 = arith.constant 0 : i32
    %c0_i32_0 = arith.constant 0 : i32
    return %arg0, %c0_i32 : i32, i32
  }
}

module attributes {stable_mosaic.version = 14 : i64} {
  func.func @_tc3_body(%arg0: i32, %arg1: memref<1000x128xf32, #tpu.memory_space<vmem>>, %arg2: memref<1000x128xf32, #tpu.memory_space<vmem>>, %arg3: memref<1000x16xf32, #tpu.memory_space<vmem>>, %arg4: memref<16x16xf32, #tpu.memory_space<vmem>>, %arg5: memref<16x16xf32, #tpu.memory_space<vmem>>, %arg6: memref<1x16xf32, #tpu.memory_space<vmem>>, %arg7: memref<1000x10xf32, #tpu.memory_space<vmem>>) attributes {dimension_semantics = [#tpu.dimension_semantics<arbitrary>], iteration_bounds = array<i64: 10>, scalar_prefetch = 0 : i64, scratch_operands = 0 : i64, tpu.core_type = #tpu.core_type<tc>, window_params = [{transform_indices = @transform_0, window_bounds = array<i64: 1000, 128>}, {transform_indices = @transform_1, window_bounds = array<i64: 1000, 128>}, {transform_indices = @transform_2, window_bounds = array<i64: 1000, 16>}, {pipeline_mode = #tpu.pipeline_mode<synchronous>, transform_indices = @transform_3, window_bounds = array<i64: 16, 16>}, {pipeline_mode = #tpu.pipeline_mode<synchronous>, transform_indices = @transform_4, window_bounds = array<i64: 16, 16>}, {pipeline_mode = #tpu.pipeline_mode<synchronous>, transform_indices = @transform_5, window_bounds = array<i64: 1, 16>}, {transform_indices = @transform_6, window_bounds = array<i64: 1000, 10>}]} {
    %get3A = arith.constant 0 : index
    %get3A_0 = arith.constant 0 : index
    %get3A_1 = vector.load %arg3[%get3A, %get3A_0] : memref<1000x16xf32, #tpu.memory_space<vmem>>, vector<1000x16xf32>
    %get3A_2 = arith.constant 0 : index
    %get3A_3 = arith.constant 0 : index
    %get3A_4 = vector.load %arg1[%get3A_2, %get3A_3] : memref<1000x128xf32, #tpu.memory_space<vmem>>, vector<1000x16xf32>
    %get3A_5 = arith.constant 0 : index
    %get3A_6 = arith.constant 0 : index
    %get3A_7 = vector.load %arg2[%get3A_5, %get3A_6] : memref<1000x128xf32, #tpu.memory_space<vmem>>, vector<1000x16xf32>
    %add3A = arith.addf %get3A_4, %get3A_7 : vector<1000x16xf32>
    %get3A_8 = arith.constant 0 : index
    %get3A_9 = arith.constant 0 : index
    %get3A_10 = vector.load %arg4[%get3A_8, %get3A_9] : memref<16x16xf32, #tpu.memory_space<vmem>>, vector<16x16xf32>
    %dot_general3A = arith.constant dense<0.000000e+00> : vector<1000x16xf32>
    %dot_general3A_11 = tpu.matmul %get3A_1, %get3A_10, %dot_general3A {dimension_numbers = #tpu.dot_dimension_numbers<[1], [0], [0], [1], [0, 0, 1, 1], [], []>, transpose_lhs_hint = false} : vector<1000x16xf32>, vector<16x16xf32>, vector<1000x16xf32> -> vector<1000x16xf32>
    %gt3A = arith.constant 0.000000e+00 : f32
    %gt3A_12 = vector.broadcast %gt3A : f32 to vector<1000x16xf32>
    %gt3A_13 = arith.cmpf ogt, %dot_general3A_11, %gt3A_12 : vector<1000x16xf32>
    %mul3A = arith.constant 2.000000e-01 : f32
    %mul3A_14 = vector.broadcast %mul3A : f32 to vector<1000x16xf32>
    %mul3A_15 = arith.mulf %mul3A_14, %dot_general3A_11 : vector<1000x16xf32>
    %select_n3A = arith.select %gt3A_13, %dot_general3A_11, %mul3A_15 : vector<1000x16xi1>, vector<1000x16xf32>
    %exp3A = math.exp %select_n3A : vector<1000x16xf32>
    %get3A_16 = arith.constant 0 : index
    %get3A_17 = arith.constant 0 : index
    %get3A_18 = vector.load %arg5[%get3A_16, %get3A_17] : memref<16x16xf32, #tpu.memory_space<vmem>>, vector<16x16xf32>
    %dot_general3A_19 = arith.constant dense<0.000000e+00> : vector<1000x16xf32>
    %dot_general3A_20 = tpu.matmul %add3A, %get3A_18, %dot_general3A_19 {dimension_numbers = #tpu.dot_dimension_numbers<[1], [0], [0], [1], [0, 0, 1, 1], [], []>, transpose_lhs_hint = false} : vector<1000x16xf32>, vector<16x16xf32>, vector<1000x16xf32> -> vector<1000x16xf32>
    %add3A_21 = arith.addf %dot_general3A_20, %exp3A : vector<1000x16xf32>
    %mul3A_22 = arith.mulf %exp3A, %get3A_1 : vector<1000x16xf32>
    %add3A_23 = arith.addf %add3A, %mul3A_22 : vector<1000x16xf32>
    %div3A = arith.divf %add3A_23, %add3A_21 : vector<1000x16xf32>
    %get3A_24 = arith.constant 0 : index
    %get3A_25 = arith.constant 0 : index
    %get3A_26 = vector.load %arg6[%get3A_24, %get3A_25] : memref<1x16xf32, #tpu.memory_space<vmem>>, vector<1x16xf32>
    %add3A_27 = vector.broadcast %get3A_26 : vector<1x16xf32> to vector<1000x16xf32>
    %add3A_28 = arith.addf %div3A, %add3A_27 : vector<1000x16xf32>
    %iota3A = tpu.iota {dimensions = array<i32: 1>} : vector<1000x16xi32>
    %lt3A = arith.constant 10 : i32
    %lt3A_29 = vector.broadcast %lt3A : i32 to vector<1000x16xi32>
    %lt3A_30 = arith.cmpi slt, %iota3A, %lt3A_29 : vector<1000x16xi32>
    %jit3A = arith.constant -1.000000e+30 : f32
    %broadcast_in_dim3A = vector.broadcast %jit3A : f32 to vector<1000x16xf32>
    %select_n3A_31 = arith.select %lt3A_30, %add3A_28, %broadcast_in_dim3A : vector<1000x16xi1>, vector<1000x16xf32>
    %reduce_max3A = arith.constant dense<0xFF800000> : vector<1000xf32>
    %reduce_max3A_32 = vector.multi_reduction <maximumf>, %select_n3A_31, %reduce_max3A [1] : vector<1000x16xf32> to vector<1000xf32>
    %broadcast_in_dim3A_33 = vector.shape_cast %reduce_max3A_32 : vector<1000xf32> to vector<1000x1xf32>
    %sub3A = vector.broadcast %broadcast_in_dim3A_33 : vector<1000x1xf32> to vector<1000x16xf32>
    %sub3A_34 = arith.subf %select_n3A_31, %sub3A : vector<1000x16xf32>
    %exp3A_35 = math.exp %sub3A_34 : vector<1000x16xf32>
    %reduce_sum3A = arith.constant dense<0.000000e+00> : vector<1000xf32>
    %reduce_sum3A_36 = vector.multi_reduction <add>, %exp3A_35, %reduce_sum3A [1] : vector<1000x16xf32> to vector<1000xf32>
    %broadcast_in_dim3A_37 = vector.shape_cast %reduce_sum3A_36 : vector<1000xf32> to vector<1000x1xf32>
    %log3A = math.log %broadcast_in_dim3A_37 : vector<1000x1xf32>
    %add3A_38 = arith.addf %log3A, %broadcast_in_dim3A_33 : vector<1000x1xf32>
    %sub3A_39 = vector.broadcast %add3A_38 : vector<1000x1xf32> to vector<1000x16xf32>
    %sub3A_40 = arith.subf %select_n3A_31, %sub3A_39 : vector<1000x16xf32>
    %slice3A = vector.extract_strided_slice %sub3A_40 {offsets = [0, 0], sizes = [1000, 10], strides = [1, 1]} : vector<1000x16xf32> to vector<1000x10xf32>
    %swap3A = arith.constant 0 : index
    %swap3A_41 = arith.constant 0 : index
    %swap3A_42 = vector.load %arg7[%swap3A, %swap3A_41] : memref<1000x10xf32, #tpu.memory_space<vmem>>, vector<1000x10xf32>
    tpu.vector_store %arg7[%swap3A, %swap3A_41], %slice3A {strides = array<i32>} : memref<1000x10xf32, #tpu.memory_space<vmem>>, vector<1000x10xf32>,
    return
  }
  func.func @transform_0(%arg0: i32) -> (i32, i32) {
    %c0_i32 = arith.constant 0 : i32
    %c0_i32_0 = arith.constant 0 : i32
    return %arg0, %c0_i32 : i32, i32
  }
  func.func @transform_1(%arg0: i32) -> (i32, i32) {
    %c0_i32 = arith.constant 0 : i32
    %c0_i32_0 = arith.constant 0 : i32
    return %arg0, %c0_i32 : i32, i32
  }
  func.func @transform_2(%arg0: i32) -> (i32, i32) {
    %c0_i32 = arith.constant 0 : i32
    %c0_i32_0 = arith.constant 0 : i32
    return %arg0, %c0_i32 : i32, i32
  }
  func.func @transform_3(%arg0: i32) -> (i32, i32) {
    %c0_i32 = arith.constant 0 : i32
    %c0_i32_0 = arith.constant 0 : i32
    %c0_i32_1 = arith.constant 0 : i32
    return %c0_i32, %c0_i32_0 : i32, i32
  }
  func.func @transform_4(%arg0: i32) -> (i32, i32) {
    %c0_i32 = arith.constant 0 : i32
    %c0_i32_0 = arith.constant 0 : i32
    %c0_i32_1 = arith.constant 0 : i32
    return %c0_i32, %c0_i32_0 : i32, i32
  }
  func.func @transform_5(%arg0: i32) -> (i32, i32) {
    %c0_i32 = arith.constant 0 : i32
    %c0_i32_0 = arith.constant 0 : i32
    %c0_i32_1 = arith.constant 0 : i32
    return %c0_i32, %c0_i32_0 : i32, i32
  }
  func.func @transform_6(%arg0: i32) -> (i32, i32) {
    %c0_i32 = arith.constant 0 : i32
    %c0_i32_0 = arith.constant 0 : i32
    return %arg0, %c0_i32 : i32, i32
  }
}

</mosaic_0001>

<sc_bundles>
// kernel: kernel.10.cloned.1.call-start
scs
__scs_entry_jumppad:
0x0: {  	(pc) =	sbr.rel $0x88, $3  }
0x1: {  	(tag) =	ssettag $0x0;
	lr =	simm.s32 $0x1  }
0x2: {  	[smem:$0x3F97] =	sst lr;
	_ =	strace $0xD0000000  }
0x3: {  	_ = 	snop  }
0x4: {  	_ = 	snop  }
0x5: {  	_ = 	snop  }
0x6: {  	_ = 	snop  }
0x7: {  	_ = 	snop  }
__scs_overlays_trampoline_lowered:
0x8: {  	[smem:$0x3FA6] =	sst s0  }
0x9: {  	[smem:$0x3FA7] =	sst s1  }
0xa: {  	[smem:$0x3FA8] =	sst s2  }
0xb: {  	[smem:$0x3FA9] =	sst s3  }
0xc: {  	[smem:$0x3FAA] =	sst s4  }
0xd: {  	[smem:$0x3FAB] =	sst s5  }
0xe: {  	[smem:$0x3FAC] =	sst s6  }
0xf: {  	[smem:$0x3FAD] =	sst s7  }
0x10: {  	[smem:$0x3FAE] =	sst s8  }
0x11: {  	[smem:$0x3FAF] =	sst s9;
	s0 =	simm.s32 @!p0 $0x0  }
0x12: {  	s1 =	sld [smem:$0x3F95];
	s0 =	simm.s32 @p0 $0x1  }
0x13: {  	[smem:$0x3FB0] =	sst s0;
	s0 =	simm.s32 @!p1 $0x0  }
0x14: {  	s2 =	sld [smem:$0x3F94];
	s0 =	simm.s32 @p1 $0x1  }
0x15: {  	[smem:$0x3FB1] =	sst s0;
	s0 =	simm.s32 @!p2 $0x0  }
0x16: {  	s3 =	sld [smem:$0x3FDB];
	s0 =	simm.s32 @p2 $0x1  }
0x17: {  	s4 =	simm.s32 $0x1BF5;
	[smem:$0x3FB3] =	sst s0  }
0x18: {  	s0 =	sld [smem:$0x3F96];
	_ =	swait.ge [sflag:s4], $0x0  }
0x19: {  	s7 =	sld [smem:$0x3F97]  }
0x1a: {  	s8 =	sadd.s32 $0xFFFFE003, lr  }
0x1b: {  	s9 =	sadd.s32 $0xFFFFFEF7, lr;
	s5 =	simm.s32 $0xFFFFFFFF;
	p2 =	slt.u32 s8, $0xFFFFF086  }
0x1c: {  	p1 =	slt.u32 s9, $0xF7A;
	s5 =	simm.s32 @!p2 $0x0  }
0x1d: {  	s5 =	simm.s32 @p1 $0x1;
	p0 =	seq.s32 s7, s2  }
0x1e: {  	s7 =	smul.u32 @!p0 $0xF7A, s2;
	p2 =	seq.s32 @!p0 s5, $0x0  }
0x1f: {  	s9 =	smul.u32 $0xF7A, s1;
	s8 =	simm.s32 @!p0 $0x1BF5;
	p2 =	por !p2, p0  }
0x20: {  	[sflag:s8] =	ssyncset.s32 @!p0 $0xFFFFF086;
	s6 =	sadd.s32 @!p0 s3, s7;
	s7 =	simm.s32 @!p0 $0x108  }
0x21: {  	s3 =	sadd.s32 s3, s9;
	s6 =	sadd.s32 @!p0 $0x88, s6;
	s7 =	simm.s32 @p2 $0x1082  }
0x22: {  	[simem:s7], [sflag:s8] =	dma.local @!p0 [hbm:s6], $0xF7A  }
0x23: {  	s9 =	sor.u32 $0xD0000000, s2;
	s6 =	simm.s32 $0x108;
	_ =	swait.ge @!p0 [sflag:s8], $0x0  }
0x24: {  	s3 =	sadd.s32 $0x88, s3;
	s6 =	simm.s32 @!p1 $0x1082;
	[sflag:s4] =	ssyncset.s32 $0xFFFFF086  }
0x25: {  	[simem:s6], [sflag:s4] =	dma.local [hbm:s3], $0xF7A  }
0x26: {  	[smem:$0x3F97] =	sst s1;
	(tag) =	ssettag s2;
	_ =	strace s9  }
0x27: {  	s1 =	sld [smem:$0x3FA7]  }
0x28: {  	s2 =	sld [smem:$0x3FA8]  }
0x29: {  	s4 =	sld [smem:$0x3FAA]  }
0x2a: {  	p0 =	seq.s32 s5, $0x0;
	s5 =	sld [smem:$0x3FAB]  }
0x2b: {  	s6 =	sld [smem:$0x3FAC]  }
0x2c: {  	s7 =	sld [smem:$0x3FAD]  }
0x2d: {  	s3 =	simm.s32 $0x108;
	s8 =	sld [smem:$0x3FAE]  }
0x2e: {  	s3 =	simm.s32 @!p0 $0x1082;
	s9 =	sld [smem:$0x3FAF]  }
0x2f: {  	lr =	sadd.s32 s0, s3;
	s0 =	sld [smem:$0x3FA6]  }
0x30: {  	s3 =	sld [smem:$0x3FA9]  }
0x31: {  	[smem:$0x3FB2] =	sst s10  }
0x32: {  	s10 =	sld [smem:$0x3FB0];
	_ =	sdelay $0x3  }
0x33: {  	p0 =	seq.s32 s10, $0x1;
	s10 =	sld [smem:$0x3FB2];
	_ =	sdelay $0x3  }
0x34: {  	[smem:$0x3FB2] =	sst s10  }
0x35: {  	s10 =	sld [smem:$0x3FB1];
	_ =	sdelay $0x3  }
0x36: {  	p1 =	seq.s32 s10, $0x1;
	s10 =	sld [smem:$0x3FB2];
	_ =	sdelay $0x3  }
0x37: {  	[smem:$0x3FB2] =	sst s10  }
0x38: {  	s10 =	sld [smem:$0x3FB3]  }
0x39: {  	_ = 	snop;
	(pc) =	sbr.ind lr, $3  }
0x3a: {  	_ = 	snop  }
0x3b: {  	_ = 	snop  }
0x3c: {  	p2 =	seq.s32 s10, $0x1;
	s10 =	sld [smem:$0x3FB2]  }
0x3d: {  	_ =	shalt  }
0x3e: {  	_ =	shalt  }
0x3f: {  	_ =	shalt  }
0x40: {  	_ =	shalt  }
0x41: {  	_ =	shalt  }
0x42: {  	_ =	shalt  }
0x43: {  	_ =	shalt  }
0x44: {  	_ =	shalt  }
0x45: {  	_ =	shalt  }
0x46: {  	_ =	shalt  }
0x47: {  	_ =	shalt  }
0x48: {  	_ =	shalt  }
0x49: {  	_ =	shalt  }
0x4a: {  	_ =	shalt  }
0x4b: {  	_ =	shalt  }
0x4c: {  	_ =	shalt  }
0x4d: {  	_ =	shalt  }
0x4e: {  	_ =	shalt  }
0x4f: {  	_ =	shalt  }
0x50: {  	_ =	shalt  }
0x51: {  	_ =	shalt  }
0x52: {  	_ =	shalt  }
0x53: {  	_ =	shalt  }
0x54: {  	_ =	shalt  }
0x55: {  	_ =	shalt  }
0x56: {  	_ =	shalt  }
0x57: {  	_ =	shalt  }
0x58: {  	_ =	shalt  }
0x59: {  	_ =	shalt  }
0x5a: {  	_ =	shalt  }
0x5b: {  	_ =	shalt  }
0x5c: {  	_ =	shalt  }
0x5d: {  	_ =	shalt  }
0x5e: {  	_ =	shalt  }
0x5f: {  	_ =	shalt  }
0x60: {  	_ =	shalt  }
0x61: {  	_ =	shalt  }
0x62: {  	_ =	shalt  }
0x63: {  	_ =	shalt  }
0x64: {  	_ =	shalt  }
0x65: {  	_ =	shalt  }
0x66: {  	_ =	shalt  }
0x67: {  	_ =	shalt  }
0x68: {  	_ =	shalt  }
0x69: {  	_ =	shalt  }
0x6a: {  	_ =	shalt  }
0x6b: {  	_ =	shalt  }
0x6c: {  	_ =	shalt  }
0x6d: {  	_ =	shalt  }
0x6e: {  	_ =	shalt  }
0x6f: {  	_ =	shalt  }
0x70: {  	_ =	shalt  }
0x71: {  	_ =	shalt  }
0x72: {  	_ =	shalt  }
0x73: {  	_ =	shalt  }
0x74: {  	_ =	shalt  }
0x75: {  	_ =	shalt  }
0x76: {  	_ =	shalt  }
0x77: {  	_ =	shalt  }
0x78: {  	_ =	shalt  }
0x79: {  	_ =	shalt  }
0x7a: {  	_ =	shalt  }
0x7b: {  	_ =	shalt  }
0x7c: {  	_ =	shalt  }
0x7d: {  	_ =	shalt  }
0x7e: {  	_ =	shalt  }
0x7f: {  	_ =	shalt  }
0x80: {  	_ =	shalt  }
0x81: {  	_ =	shalt  }
0x82: {  	_ =	shalt  }
0x83: {  	_ =	shalt  }
0x84: {  	_ =	shalt  }
0x85: {  	_ =	shalt  }
0x86: {  	_ =	shalt  }
0x87: {  	_ =	shalt  }
.Lfunc_end0:
.L_simem_size_0:
called_computation.1_lowered:
.L_overlay_start_0:
0x88: {  	s2 =	sld [smem:$0x3FD9]  }
0x89: {  	s3 =	sld [smem:$0x3FFE];
	_ =	sdelay $0x1  }
0x8a: {  	s1 =	srdreg.scid  }
0x8b: {  	s0 =	sand.u32 $0x1, s1  }
0x8c: {  	s17 =	sshll.u32 s0, $0xA;
	s2 =	sadd.s32 s3, s2  }
0x8d: {  	s2 =	sadd.s32 s2, s17  }
0x8e: {  	[smem:$0x3FBE] =	sst s2  }
0x8f: {  	_ = 	snop  }
0x90: {  	s2 =	sld [smem:$0x3FC8]  }
0x91: {  	s18 =	sld [smem:$0x3FD0];
	(tm) =	ssettm $0x1  }
0x92: {  	s4 =	sld [smem:$0x3FFB];
	_ =	sdelay $0x3  }
0x93: {  	_ =	strace s4  }
0x94: {  	s4 =	sld [smem:$0x3FFC];
	_ =	sdelay $0x3  }
0x95: {  	_ =	strace s4  }
0x96: {  	s4 =	sld [smem:$0x3FFD];
	_ =	sdelay $0x3  }
0x97: {  	_ =	strace s4  }
0x98: {  	_ =	strace $0x8FFFFFFF  }
0x99: {  	s19 =	sld [smem:$0x3FDB];
	_ =	sdelay $0x1  }
0x9a: {  	s5 =	simm.s32 $_scs_section_size  }
0x9b: {  	s6 =	simm.s32 $_size__tile_overlayer_lowered;
	s7 =	simm.s32 $_tile_overlayer_lowered  }
0x9c: {  	s22 =	simm.s32 $0x1BFF;
	s21 =	sshll.u32 s7, $0x1;
	s4 =	sadd.s32 s5, s19  }
0x9d: {  	s8 =	simm.s32 $0x0;
	s20 =	sshll.u32 s6, $0x1;
	s6 =	sadd.s32 s21, s4  }
0x9e: {  	[timem:s8], [sflag:s22] =	dma.local [hbm:s6], s20  }
0x9f: {  	_ =	swait.ge [sflag:s22], s20  }
0xa0: {  	s5 =	ssub.s32 $0x0, s20;
	[sflag:s22] =	ssyncset.done $0x0  }
0xa1: {  	[sflag:s22] =	ssyncadd.s32 s5;
	_ =	sdelay $0x1  }
0xa2: {  	s23 =	simm.s32 $0x1B8B  }
0xa3: {  	_ =	swait.ge [sflag:s23], $0x1  }
0xa4: {  	[sflag:s23] =	ssyncset.done $0x0  }
0xa5: {  	s25 =	simm.s32 $0x1B8E;
	s24 =	sld [smem:$0x3FFE];
	[sflag:s23] =	ssyncadd.s32 $0xFFFFFFFF  }
0xa6: {  	s26 =	simm.s32 $execute0_lowered;
	[smem:$0x3FD2] =	sst s25  }
0xa7: {  	s6 =	sshll.u32 s26, $0x1;
	_ =	strace $0x80000049;
	[dreg:$0x1] =	wrdreg $0xFFFFFFFF  }
0xa8: {  	s28 =	simm.s32 $_size_execute0_lowered;
	s4 =	sadd.s32 s4, s6;
	[dreg:$0x0] =	wrdreg $0x0  }
0xa9: {  	s6 =	sshll.u32 s28, $0x1;
	[dreg:$0x2] =	wrdreg s4  }
0xaa: {  	[dreg:$0x3] =	wrdreg s6  }
0xab: {  	[dreg:$0x4] =	wrdreg $0xC0  }
0xac: {  	_ =	task [dreg:s8], $0x5FFFF  }
0xad: {  	[dreg:$0x1] =	wrdreg $0xFFFFFFFF  }
0xae: {  	[dreg:$0x0] =	wrdreg $0x60  }
0xaf: {  	[dreg:$0x2] =	wrdreg s18  }
0xb0: {  	[dreg:$0x3] =	wrdreg s2  }
0xb1: {  	[dreg:$0x4] =	wrdreg s24  }
0xb2: {  	[dreg:$0x5] =	wrdreg $0x80000  }
0xb3: {  	[dreg:$0x6] =	wrdreg $0x9  }
0xb4: {  	_ =	task.clear_ibuf [dreg:s8], $0x7FFFF;
	_ =	strace $0x90000049  }
0xb5: {  	s29 =	simm.s32 $0x9;
	_ =	strace $0x8000004B  }
0xb6: {  	_ =	swait.ge [sflag:s29], $0x1  }
0xb7: {  	[sflag:s29] =	ssyncadd.s32 $0xFFFFFFFF  }
0xb8: {  	_ =	strace $0x9000004B  }
0xb9: {  	_ =	sfence  }
0xba: {  	s30 =	sld [smem:$0x0];
	_ =	sdelay $0x2  }
0xbb: {  	s31 =	sshll.u32 s1, $0xD;
	s1 =	sshrl.u32 s1, $0x2  }
0xbc: {  	s3 =	sand.u32 $0x4000, s31;
	s1 =	sadd.s32 s1, s30  }
0xbd: {  	s0 =	sor.u32 s3, s0;
	s1 =	sshll.u32 s1, $0x11  }
0xbe: {  	s0 =	sor.u32 s1, s0  }
0xbf: {  	s0 =	sadd.s32 $0x8F2B, s0  }
0xc0: {  	[sflag:s0] =	ssyncadd.remote.s32 $0x1  }
0xc1: {  	_ =	sfence.sel $0xFFFF  }
0xc2: {  	[dreg:$0x0] =	wrdreg $0xFFFFFFFF;
	(pc) =	sbr.abs _section_cstart, $3  }
0xc3: {  	[dreg:$0x1] =	wrdreg $0xFFFFFFFF  }
0xc4: {  	_ =	task.clear_ibuf [dreg:s8], $0x2FFFF;
	_ =	strace $0x9FFFFFFF  }
0xc5: {  	(tm) =	ssettm $0x7FFFFFFF  }
tec
execute0_lowered:
.L_overlay_start_1:
0x0: {  	(tag) =	ssettag $0x1  }
0x1: {  	s1 =	rddreg [dreg:$0x0]  }
0x2: {  	s0 =	rddreg [dreg:$0x1]  }
0x3: {  	s2 =	rddreg [dreg:$0x2]  }
0x4: {  	s3 =	rddreg [dreg:$0x3];
	s4 =	srdreg.scid  }
0x5: {  	s11 =	stileid.u32;
	s7 =	simm.s32 $0x0;
	s14 =	simm.s32 $0x6F80  }
0x6: {  	s15 =	simm.s32 $0x6;
	s16 =	simm.s32 $0x5;
	s17 =	simm.s32 $0x80  }
0x7: {  	s28 =	simm.s32 $0x2;
	s29 =	simm.s32 $0x4;
	s30 =	simm.s32 $0x0  }
0x8: {  	s4 =	sand.u32 $0x1, s4;
	s6 =	smul.u32 $0x9E00, s11;
	[smem:$0x7FF] =	sst s7  }
0x9: {  	s25 =	sshll.u32 s11, $0x5;
	s26 =	smul.u32 $0x2780, s11;
	s5 =	sshll.u32 s4, $0x4  }
0xa: {  	s8 =	ssub.s32 $0x2, s4;
	_ =	strace $0x8000004A;
	p0 =	seq.s32 s4, $0x1  }
0xb: {  	s4 =	simm.s32 $0x28A00;
	s18 =	sor.u32 s11, s5;
	s19 =	sshrl.u32 s6, $0x2  }
0xc: {  	s20 =	sshrl.u32 s8, $0x1;
	s4 =	simm.s32 @!p0 $0x1200;
	s9 =	smul.u32 $0x9C0, s18  }
0xd: {  	s5 =	sadd.s32 s19, s3;
	s6 =	ssub.s32 s8, s20;
	s31 =	sadd.s32 s4, s2  }
0xe: {  	p0 =	sgt.u32 s18, $0x3;
	s18 =	simm.s32 $0x7F80;
	s19 =	simm.s32 $0x7780  }
0xf: {  	s20 =	simm.s32 $0x4F00;
	s22 =	sadd.s32 $0x800, s5;
	s23 =	sadd.s32 $0x1000, s5  }
0x10: {  	s24 =	sadd.s32 $0x1800, s5;
	s10 =	sadd.s32 $0x2000, s5;
	s12 =	smax.u32 s6, $0x1  }
.Ltmp0:
0x11: {  	s13 =	sadd.s32 s31, s26;
	[dreg:$0x6] =	wrdreg s22;
	(pc) =	sbr.rel .LBB2_1-.Ltmp0, $4  }
0x12: {  	s26 =	simm.s32 $0x6F00;
	s21 =	sadd.s32 s0, s9;
	[dreg:$0x7] =	wrdreg s23  }
0x13: {  	[dreg:$0x8] =	wrdreg s24;
	s0 =	sadd.s32 s25, s0;
	s22 =	simm.s32 $0x1  }
0x14: {  	v2 =	vlaneseq.u32;
	s23 =	simm.s32 $0x5700;
	s24 =	simm.s32 $0x6700;
	s25 =	simm.s32 $0x3  }
0x15: {  	v0 =	vimm.f32 $0.0e+00;
	v1 =	vimm.s32 $0x2710;
	v2 =	vmul.u32 $0x10, v2;
	[dreg:$0x5] =	wrdreg s21;
	s11 =	sadd.s32 $0x13800, s0;
	s21 =	simm.s32 $0x5F00  }
.LBB2_21:
0x16: {  	s0 =	stileid.u32;
	[bflag:$0x0] =	sbarrier.arrive $0xFFFF;
	s30 =	sadd.s32 $0x1, s30  }
0x17: {  	s2 =	sshrl.u32 s5, $0x3;
	s0 =	sshll.u32 s0, $0x6;
	p1 =	sne.s32 s30, s12  }
.Ltmp1:
0x18: {  	s4 =	simm.s32 $0x10;
	s0 =	sor.u32 $0x1C06, s0;
	(pc) =	sbr.rel @!p1 .LBB2_22-.Ltmp1, $4  }
0x19: {  	[hbm:s13@s4], [sflag:s0] =	dma.strided [spmem:s2@s28], $0x4F0, s22, $0x2   }
0x1a: {  	_ =	swait.ge [sflag:s15], $0x4F0  }
0x1b: {  	[sflag:s15] =	ssyncset.done $0x0  }
0x1c: {  	[sflag:s15] =	ssyncadd.s32 $0xFFFFFB10  }
.LBB2_1:
0x1d: {  	s0 =	simm.s32 $0x0;
	s2 =	rddreg [dreg:$0x5]  }
0x1e: {  	[tilespmem:s0], [sflag:$0x5] =	stream.linear.gather [hbm4b:s2+s0], $0x4E00, $0x38;
	[tilespmem:$0xA780] =	vst v63  }
0x1f: {  	s0 =	simm.s32 $0x0  }
.LBB2_2:
0x20: {  	p1 =	sne.s32 s0, $0x1FC0  }
.Ltmp2:
0x21: {  	_ = 	snop;
	(pc) =	sbr.rel @p1 .LBB2_2-.Ltmp2, $3  }
0x22: {  	_ =	sdelay $0x1  }
0x23: {  	s2 =	sshra.s32 s0, $0x2  }
0x24: {  	s0 =	sadd.s32 $0x40, s0;
	[tilespmem:s2+$0x6F80] =	vst v0  }
0x25: {  	s0 =	simm.s32 $0x40;
	s2 =	simm.s32 $0x0  }
.LBB2_4:
0x26: {  	p1 =	sne.s32 s0, $0x1FC0;
	[tilespmem:s2+$0x7780] =	vst v0;
	s2 =	smov.u32 s0;
	s0 =	sadd.s32 $0x40, s0  }
.Ltmp3:
0x27: {  	(pc) =	sbr.rel @p1 .LBB2_4-.Ltmp3, $2  }
0x28: {  	_ =	sdelay $0x2  }
0x29: {  	s2 =	sshra.s32 s2, $0x2  }
0x2a: {  	[tilespmem:s2+$0x7780] =	vst v0  }
0x2b: {  	[tilespmem:$0x7F80] =	vst v1  }
0x2c: {  	[tilespmem:$0x7F90] =	vst v1  }
0x2d: {  	[tilespmem:$0x7FA0] =	vst v1  }
0x2e: {  	[tilespmem:$0x7FB0] =	vst v1  }
0x2f: {  	[tilespmem:$0x7FC0] =	vst v1  }
0x30: {  	[tilespmem:$0x7FD0] =	vst v1  }
0x31: {  	[tilespmem:$0x7FE0] =	vst v1  }
0x32: {  	[tilespmem:$0x7FF0] =	vst v1  }
0x33: {  	[spmem:s5] =	stream.linear.scatter [tilespmem:s14], [sflag:$0x6], $0x800, $0x38;
	[tilespmem:$0xA780] =	vst v63  }
0x34: {  	_ =	swait.ge [sflag:s15], $0x800  }
0x35: {  	[sflag:s15] =	ssyncset.done $0x0  }
0x36: {  	s0 =	rddreg [dreg:$0x6];
	[sflag:s15] =	ssyncadd.s32 $0xFFFFF800  }
0x37: {  	[spmem:s0] =	stream.linear.scatter [tilespmem:s14], [sflag:$0x6], $0x800, $0x38;
	[tilespmem:$0xA780] =	vst v63  }
0x38: {  	_ =	swait.ge [sflag:s15], $0x800  }
0x39: {  	[sflag:s15] =	ssyncset.done $0x0  }
0x3a: {  	s9 =	rddreg [dreg:$0x7];
	[sflag:s15] =	ssyncadd.s32 $0xFFFFF800  }
0x3b: {  	[spmem:s9] =	stream.linear.scatter [tilespmem:s14], [sflag:$0x6], $0x800, $0x38;
	[tilespmem:$0xA780] =	vst v63  }
0x3c: {  	_ =	swait.ge [sflag:s15], $0x800  }
0x3d: {  	[sflag:s15] =	ssyncset.done $0x0  }
0x3e: {  	s31 =	rddreg [dreg:$0x8];
	[sflag:s15] =	ssyncadd.s32 $0xFFFFF800  }
0x3f: {  	[spmem:s31] =	stream.linear.scatter [tilespmem:s14], [sflag:$0x6], $0x800, $0x38;
	[tilespmem:$0xA780] =	vst v63  }
0x40: {  	_ =	swait.ge [sflag:s15], $0x800  }
0x41: {  	[sflag:s15] =	ssyncset.done $0x0  }
0x42: {  	[sflag:s15] =	ssyncadd.s32 $0xFFFFF800  }
0x43: {  	[spmem:s10] =	stream.linear.scatter [tilespmem:s14], [sflag:$0x6], $0x780, $0x38;
	[tilespmem:$0xA780] =	vst v63  }
0x44: {  	_ =	swait.ge [sflag:s15], $0x780  }
0x45: {  	[sflag:s15] =	ssyncset.done $0x0  }
0x46: {  	[sflag:s15] =	ssyncadd.s32 $0xFFFFF880  }
0x47: {  	_ =	swait.ge [sflag:s16], $0x4E00  }
0x48: {  	[sflag:s16] =	ssyncset.done $0x0  }
0x49: {  	s2 =	simm.s32 @!p0 $0x4E00;
	s0 =	simm.s32 @!p0 $0x0;
	[sflag:s16] =	ssyncadd.s32 $0xFFFFB200  }
0x4a: {  	[tilespmem:s2], [sflag:$0x6] =	stream.linear.gather @!p0 [hbm4b:s11+s0], $0x100, $0x38;
	[tilespmem:$0xA780] =	vst v63  }
0x4b: {  	s0 =	simm.s32 @!p0 $0x6  }
0x4c: {  	_ =	swait.ge @!p0 [sflag:s0], $0x100  }
0x4d: {  	[sflag:s0] =	ssyncset.done @!p0 $0x0  }
0x4e: {  	[sflag:s0] =	ssyncadd.s32 @!p0 $0xFFFFFF00  }
0x4f: {  	[bflag:$0x0] =	sbarrier.arrive $0xFFFF  }
0x50: {  	[spmem:s3] =	stream.indirect.scatter.add.f32 [tilespmem:s14], [sflag:$0x3], $0x10, s18, s17, $0xb8;
	[tilespmem:$0xA780] =	vst v63  }
0x51: {  	_ = 	snop  }
0x52: {  	[spmem:s3] =	stream.indirect.scatter.add.f32 [tilespmem:s19], [sflag:$0x4], $0x10, s18, s17, $0xb8;
	[tilespmem:$0xA780] =	vst v63  }
0x53: {  	s4 =	simm.s32 $0x0  }
0x54: {  	[tilespmem:s20], [sflag:$0x1] =	stream.indirect.gather [hbm4b:s1+s17], $0x10, s4, s17, $0xb8;
	[tilespmem:$0xA780] =	vst v63  }
0x55: {  	_ = 	snop  }
0x56: {  	[tilespmem:s21], [sflag:$0x1] =	stream.indirect.gather [hbm4b:s1+s17], $0x10, s17, s17, $0xb8;
	[tilespmem:$0xA780] =	vst v63  }
.LBB2_6:
0x57: {  	_ =	swait.ge [sflag:s22], $0x800  }
0x58: {  	[sflag:s22] =	ssyncset.done $0x0  }
0x59: {  	[sflag:s22] =	ssyncadd.s32 $0xFFFFF800  }
0x5a: {  	s0 =	sshll.u32 s4, $0x9;
	s2 =	simm.s32 $0x0;
	_ =	swait.ge [sflag:s22], $0x800  }
0x5b: {  	s0 =	sand.u32 $0x3FFFFE00, s0;
	v3 =	vmov s2;
	[sflag:s22] =	ssyncset.done $0x0  }
0x5c: {  	s9 =	sor.u32 $0x100, s0;
	v3 =	vshll.u32 v3, $0x4;
	[sflag:s22] =	ssyncadd.s32 $0xFFFFF800  }
0x5d: {  	v3 =	vor.u32 v2, v3;
	[tilespmem:s23], [sflag:$0x2] =	stream.indirect.gather [hbm4b:s1+s17], $0x10, s9, s17, $0xb8;
	[tilespmem:$0xA780] =	vst v63  }
0x5e: {  	s31 =	sor.u32 $0x180, s0;
	v4 =	vor.u32 $0xA, v3  }
0x5f: {  	v3 =	vor.u32 $0xB, v3;
	[tilespmem:s24], [sflag:$0x2] =	stream.indirect.gather [hbm4b:s1+s17], $0x10, s31, s17, $0xb8;
	[tilespmem:$0xA780] =	vst v63  }
0x60: {  	_ =	swait.ge [sflag:s25], $0x800  }
0x61: {  	s6 =	simm.s32 $0x10;
	[sflag:s25] =	ssyncset.done $0x0  }
0x62: {  	v5 =	vmov s6;
	[sflag:s25] =	ssyncadd.s32 $0xFFFFF800  }
0x63: {  	v5 =	vshll.u32 v5, $0x4;
	v4 =	vld.idx.msk [tilespmem:v4+s20+$0x0], $0xffff  }
0x64: {  	v5 =	vor.u32 v2, v5;
	v3 =	vld.idx.msk [tilespmem:v3+s21+$0x0], $0xffff  }
0x65: {  	v7 =	vor.u32 $0xA, v5  }
0x66: {  	s6 =	simm.s32 $0x20;
	v5 =	vor.u32 $0xB, v5  }
0x67: {  	v8 =	vmov s6  }
0x68: {  	v8 =	vshll.u32 v8, $0x4  }
0x69: {  	v8 =	vor.u32 v2, v8;
	v3 =	vadd.f32 v3, v4  }
0x6a: {  	s7 =	simm.s32 $0x30;
	v10 =	vor.u32 $0xA, v8;
	v7 =	vld.idx.msk [tilespmem:v7+s20+$0x0], $0xffff  }
0x6b: {  	v6 =	vmov s7;
	v5 =	vld.idx.msk [tilespmem:v5+s21+$0x0], $0xffff;
	v4 =	vor.u32 $0xB, v8;
	v8 =	vmul.f32 $2.000000030e-01, v3  }
0x6c: {  	v6 =	vshll.u32 v6, $0x4;
	vm0 =	vgt.f32 v3, $0.0e+00  }
0x6d: {  	v6 =	vor.u32 v2, v6;
	v3 =	vsel vm0, v3, v8  }
0x6e: {  	v9 =	vor.u32 $0xA, v6;
	v3 =	vmul.f32 $1.442695020e+00, v3  }
0x6f: {  	v6 =	vor.u32 $0xB, v6;
	v8 =	vld.idx.msk [tilespmem:v10+s20+$0x0], $0xffff  }
0x70: {  	s9 =	simm.s32 $0x40;
	v4 =	vld.idx.msk [tilespmem:v4+s21+$0x0], $0xffff;
	(erf) = vpow2.f32 v3;
	v3 =	vadd.f32 v5, v7  }
0x71: {  	v11 =	vmov s9  }
0x72: {  	v5 =	vshll.u32 v11, $0x4;
	v11 =	vmul.f32 $2.000000030e-01, v3  }
0x73: {  	v9 =	vld.idx.msk [tilespmem:v9+s20+$0x0], $0xffff;
	vm14 =	vgt.f32 v3, $0.0e+00  }
0x74: {  	s8 =	simm.s32 $0x50;
	v6 =	vld.idx.msk [tilespmem:v6+s21+$0x0], $0xffff;
	v3 =	vsel vm14, v3, v11  }
0x75: {  	v10 =	vmov s8;
	v8 =	vadd.f32 v4, v8;
	v4 =	vmul.f32 $1.442695020e+00, v3  }
0x76: {  	v10 =	vshll.u32 v10, $0x4  }
0x77: {  	v7 =	vor.u32 v2, v10;
	(erf) = vpow2.f32 v4  }
0x78: {  	v5 =	vor.u32 v2, v5;
	v10 =	vor.u32 $0xA, v7  }
0x79: {  	v9 =	vadd.f32 v6, v9;
	v12 =	vor.u32 $0xA, v5;
	v6 =	vmul.f32 $2.000000030e-01, v8  }
0x7a: {  	v5 =	vor.u32 $0xB, v5;
	vm15 =	vgt.f32 v8, $0.0e+00  }
0x7b: {  	v8 =	vsel vm15, v8, v6;
	v6 =	vor.u32 $0xB, v7;
	_ =	sdelay $0x1  }
0x7c: {  	v3 =	vld.idx.msk [tilespmem:v10+s20+$0x0], $0xffff;
	v10 =	vmul.f32 $2.000000030e-01, v9  }
0x7d: {  	vm1 =	vgt.f32 v9, $0.0e+00;
	v4 =	vld.idx.msk [tilespmem:v12+s20+$0x0], $0xffff  }
0x7e: {  	s7 =	simm.s32 $0x4;
	s6 =	simm.s32 $0x6F10;
	s8 =	simm.s32 $0x70;
	v5 =	vld.idx.msk [tilespmem:v5+s21+$0x0], $0xffff;
	v8 =	vmul.f32 $1.442695020e+00, v8;
	v9 =	vsel vm1, v9, v10;
	v7 =	vpop (erf)  }
.LBB2_7:
0x7f: {  	s9 =	sadd.s32 $0xFFFFFFF0, s8;
	v10 =	vmov s8;
	v11 =	vld.idx.msk [tilespmem:v6+s21+$0x0], $0xffff;
	v6 =	vmul.f32 $1.442695020e+00, v9;
	[tilespmem:s6+$0xFFFFFFF0] =	vst v7;
	s2 =	simm.s32 $0x6FA0;
	v7 =	vpop (erf)  }
0x80: {  	s7 =	sadd.s32 $0x2, s7;
	v9 =	vmov s9;
	v10 =	vshll.u32 v10, $0x4;
	(erf) = vpow2.f32 v8;
	[tilespmem:s6+$0x0] =	vst v7  }
0x81: {  	p1 =	slt.u32 s7, $0x6;
	v7 =	vshll.u32 v9, $0x4;
	v8 =	vor.u32 v2, v10;
	(erf) = vpow2.f32 v6  }
0x82: {  	v7 =	vor.u32 v2, v7;
	v9 =	vor.u32 $0xA, v8;
	v6 =	vor.u32 $0xB, v8  }
0x83: {  	v8 =	vor.u32 $0xA, v7  }
0x84: {  	v7 =	vor.u32 $0xB, v7;
	v5 =	vadd.f32 v5, v4  }
.Ltmp4:
0x85: {  	v10 =	vadd.f32 v11, v3;
	(pc) =	sbr.rel @p1 .LBB2_7-.Ltmp4, $4  }
0x86: {  	v11 =	vmul.f32 $2.000000030e-01, v5  }
0x87: {  	vm0 =	vgt.f32 v5, $0.0e+00;
	vm1 =	vgt.f32 v10, $0.0e+00;
	v3 =	vld.idx.msk [tilespmem:v9+s20+$0x0], $0xffff;
	v9 =	vmul.f32 $2.000000030e-01, v10  }
0x88: {  	v4 =	vld.idx.msk [tilespmem:v8+s20+$0x0], $0xffff;
	v8 =	vsel vm0, v5, v11  }
0x89: {  	s8 =	sadd.s32 $0x20, s8;
	s6 =	sadd.s32 $0x20, s6;
	v5 =	vld.idx.msk [tilespmem:v7+s21+$0x0], $0xffff;
	v8 =	vmul.f32 $1.442695020e+00, v8;
	v9 =	vsel vm1, v10, v9;
	v7 =	vpop (erf)  }
0x8a: {  	_ =	sdelay $0x3  }
0x8b: {  	v6 =	vld.idx.msk [tilespmem:v6+s21+$0x0], $0xffff;
	_ =	sdelay $0x3  }
0x8c: {  	v4 =	vadd.f32 v5, v4  }
0x8d: {  	v3 =	vadd.f32 v6, v3  }
0x8e: {  	v5 =	vmul.f32 $2.000000030e-01, v4  }
0x8f: {  	v9 =	vmul.f32 $1.442695020e+00, v9;
	vm0 =	vgt.f32 v4, $0.0e+00;
	v6 =	vmul.f32 $2.000000030e-01, v3  }
0x90: {  	(erf) = vpow2.f32 v8;
	vm1 =	vgt.f32 v3, $0.0e+00;
	v4 =	vsel vm0, v4, v5  }
0x91: {  	v4 =	vmul.f32 $1.442695020e+00, v4;
	v3 =	vsel vm1, v3, v6  }
0x92: {  	(erf) = vpow2.f32 v9;
	v3 =	vmul.f32 $1.442695020e+00, v3  }
0x93: {  	(erf) = vpow2.f32 v4  }
0x94: {  	(erf) = vpow2.f32 v3;
	_ =	sdelay $0x1  }
0x95: {  	s7 =	simm.s32 $0x0  }
0x96: {  	s9 =	simm.s32 $0x3;
	s8 =	simm.s32 $0x1;
	v3 =	vmov s7  }
0x97: {  	[tilespmem:s6+$0xFFFFFFF0] =	vst v7;
	v5 =	vmov s9;
	v6 =	vmov s8;
	s8 =	simm.s32 $0x2;
	v4 =	vpop (erf);
	v3 =	vand.u32 $0xFFFFFFFC, v3  }
0x98: {  	s9 =	sadd.s32 $0x20, s6;
	v7 =	vpop (erf);
	[tilespmem:s6+$0x0] =	vst v4;
	v4 =	vbroadcast v3, $0x0;
	v3 =	vand.u32 $0xFFFFFFFD, v6;
	v6 =	vmov s8  }
0x99: {  	[tilespmem:s9+$0xFFFFFFF0] =	vst v7;
	v7 =	vbroadcast v3, $0x0;
	v3 =	vand.u32 $0xFFFFFFFE, v6  }
0x9a: {  	v8 =	vpop (erf)  }
0x9b: {  	s6 =	sadd.s32 $0x20, s9;
	[tilespmem:s9+$0x0] =	vst v8;
	v8 =	vbroadcast v3, $0x0;
	v6 =	vpop (erf)  }
0x9c: {  	[tilespmem:s6+$0xFFFFFFF0] =	vst v6;
	v3 =	vpop (erf)  }
0x9d: {  	s7 =	simm.s32 $0x4;
	[tilespmem:s6+$0x0] =	vst v3  }
0x9e: {  	s8 =	simm.s32 $0x5;
	v3 =	vld.idx.msk [tilespmem:v5+s26+$0x0], $0xffff;
	v5 =	vmov s7  }
0x9f: {  	v14 =	vld.idx.msk [tilespmem:v4+s26+$0x0], $0xffff;
	v4 =	vand.u32 $0xFFFFFFFC, v5;
	v5 =	vmov s8  }
0xa0: {  	s9 =	simm.s32 $0x7;
	v7 =	vld.idx.msk [tilespmem:v7+s26+$0x0], $0xffff;
	s8 =	simm.s32 $0x6;
	v9 =	vbroadcast v4, $0x0;
	v4 =	vand.u32 $0xFFFFFFFD, v5  }
0xa1: {  	v6 =	vmov s9;
	s6 =	simm.s32 $0x4F20;
	v11 =	vld.idx.msk [tilespmem:v8+s26+$0x0], $0xffff;
	v16 =	vbroadcast v4, $0x0;
	v4 =	vmov s8  }
0xa2: {  	v13 =	vld [tilespmem:s6+$0x0];
	v4 =	vand.u32 $0xFFFFFFFE, v4  }
0xa3: {  	v17 =	vld [tilespmem:s6+$0xFFFFFFE0];
	v12 =	vbroadcast v4, $0x0  }
0xa4: {  	v8 =	vld [tilespmem:s6+$0xFFFFFFF0]  }
0xa5: {  	s9 =	simm.s32 $0x8;
	v5 =	vld [tilespmem:s6+$0x10]  }
0xa6: {  	v10 =	vmov s9;
	s8 =	simm.s32 $0xB;
	v4 =	vld.idx.msk [tilespmem:v6+s26+$0x0], $0xffff  }
0xa7: {  	s9 =	simm.s32 $0x9;
	v15 =	vand.u32 $0xFFFFFFFC, v10;
	v10 =	vmov s8;
	v13 =	vmul.f32 v13, v11;
	v6 =	vld.idx.msk [tilespmem:v9+s26+$0x0], $0xffff  }
0xa8: {  	s7 =	simm.s32 $0xC;
	s8 =	simm.s32 $0xA;
	v11 =	vbroadcast v15, $0x0;
	v15 =	vmov s9;
	v14 =	vmul.f32 v17, v14;
	v9 =	vld.idx.msk [tilespmem:v16+s26+$0x0], $0xffff  }
.LBB2_9:
0xa9: {  	p1 =	slt.u32 s7, $0x7C;
	v15 =	vand.u32 $0xFFFFFFFD, v15;
	v16 =	vmov s8;
	v17 =	vld.idx.msk [tilespmem:v12+s26+$0x0], $0xffff;
	v7 =	vmul.f32 v8, v7;
	[tilespmem:s2+$0x0] =	vst v13;
	s6 =	sadd.s32 $0x40, s6  }
0xaa: {  	v18 =	vbroadcast v15, $0x0;
	v8 =	vand.u32 $0xFFFFFFFE, v16;
	v13 =	vld [tilespmem:s6+$0x0];
	[tilespmem:s2+$0xFFFFFFE0] =	vst v14;
	v5 =	vmul.f32 v5, v3  }
0xab: {  	v12 =	vbroadcast v8, $0x0;
	v14 =	vld [tilespmem:s6+$0xFFFFFFE0];
	[tilespmem:s2+$0xFFFFFFF0] =	vst v7  }
.Ltmp5:
0xac: {  	v3 =	vmov v4;
	v8 =	vld [tilespmem:s6+$0xFFFFFFF0];
	[tilespmem:s2+$0x10] =	vst v5;
	(pc) =	sbr.rel @p1 .LBB2_9-.Ltmp5, $4  }
0xad: {  	v16 =	vmov v6;
	v5 =	vld [tilespmem:s6+$0x10]  }
0xae: {  	s8 =	sadd.s32 $0x3, s7;
	v6 =	vmov s7;
	v7 =	vmov v9;
	v4 =	vld.idx.msk [tilespmem:v10+s26+$0x0], $0xffff  }
0xaf: {  	s9 =	sadd.s32 $0x1, s7;
	v9 =	vand.u32 $0xFFFFFFFC, v6;
	v10 =	vmov s8;
	v6 =	vld.idx.msk [tilespmem:v11+s26+$0x0], $0xffff;
	v13 =	vmul.f32 v13, v17  }
0xb0: {  	v15 =	vmov s9;
	s2 =	sadd.s32 $0x40, s2;
	s8 =	sadd.s32 $0x2, s7;
	s7 =	sadd.s32 $0x4, s7;
	v11 =	vbroadcast v9, $0x0;
	v9 =	vld.idx.msk [tilespmem:v18+s26+$0x0], $0xffff;
	v14 =	vmul.f32 v14, v16  }
0xb1: {  	_ =	sdelay $0x3  }
0xb2: {  	v12 =	vld.idx.msk [tilespmem:v12+s26+$0x0], $0xffff  }
0xb3: {  	s6 =	sadd.s32 $0x40, s6;
	v10 =	vld.idx.msk [tilespmem:v10+s26+$0x0], $0xffff  }
0xb4: {  	v16 =	vmov s8;
	v17 =	vld [tilespmem:s6+$0x0]  }
0xb5: {  	v16 =	vand.u32 $0xFFFFFFFE, v16;
	v18 =	vld [tilespmem:s6+$0xFFFFFFE0]  }
0xb6: {  	v15 =	vand.u32 $0xFFFFFFFD, v15;
	v19 =	vld [tilespmem:s6+$0xFFFFFFF0];
	v16 =	vbroadcast v16, $0x0  }
0xb7: {  	v15 =	vbroadcast v15, $0x0;
	v20 =	vld [tilespmem:s6+$0x10]  }
0xb8: {  	v7 =	vmul.f32 v8, v7;
	v11 =	vld.idx.msk [tilespmem:v11+s26+$0x0], $0xffff;
	s6 =	sadd.s32 $0x40, s6  }
0xb9: {  	v3 =	vmul.f32 v5, v3;
	v5 =	vld [tilespmem:s6+$0x0]  }
0xba: {  	[tilespmem:s2+$0xFFFFFFF0] =	vst v7;
	v62 =	vld [tilespmem:s6+$0xFFFFFFE0]  }
0xbb: {  	[tilespmem:s2+$0x10] =	vst v3;
	v7 =	vmul.f32 v17, v12;
	v3 =	vmul.f32 v18, v6;
	v6 =	vld [tilespmem:s6+$0xFFFFFFF0]  }
0xbc: {  	[tilespmem:s2+$0x0] =	vst v13;
	s7 =	sadd.s32 $0x40, s2;
	v8 =	vld.idx.msk [tilespmem:v16+s26+$0x0], $0xffff  }
0xbd: {  	v15 =	vld.idx.msk [tilespmem:v15+s26+$0x0], $0xffff;
	[tilespmem:s7+$0x0] =	vst v7  }
0xbe: {  	v7 =	vld [tilespmem:s6+$0x10];
	[tilespmem:s7+$0xFFFFFFE0] =	vst v3;
	v3 =	vmul.f32 v20, v4  }
0xbf: {  	[tilespmem:s2+$0xFFFFFFE0] =	vst v14;
	v9 =	vmul.f32 v19, v9  }
0xc0: {  	[tilespmem:s7+$0x10] =	vst v3;
	v3 =	vmul.f32 v62, v11  }
0xc1: {  	s2 =	sadd.s32 $0x40, s7;
	[tilespmem:s7+$0xFFFFFFF0] =	vst v9;
	v4 =	vmul.f32 v5, v8  }
0xc2: {  	[tilespmem:s2+$0xFFFFFFE0] =	vst v3;
	v5 =	vmul.f32 v6, v15  }
0xc3: {  	v3 =	vmul.f32 v7, v10;
	[tilespmem:s2+$0x0] =	vst v4  }
0xc4: {  	[tilespmem:s2+$0xFFFFFFF0] =	vst v5  }
0xc5: {  	s8 =	sadd.s32 $0x80, s0;
	[tilespmem:s2+$0x10] =	vst v3  }
0xc6: {  	[spmem:s3] =	stream.indirect.scatter.add.f32 [tilespmem:s14], [sflag:$0x3], $0x10, s8, s17, $0xb8;
	[tilespmem:$0xA780] =	vst v63  }
0xc7: {  	_ =	swait.ge [sflag:s28], $0x800  }
0xc8: {  	[sflag:s28] =	ssyncset.done $0x0  }
0xc9: {  	[sflag:s28] =	ssyncadd.s32 $0xFFFFF800  }
0xca: {  	s9 =	simm.s32 $0x0;
	p1 =	seq.s32 s4, $0x26;
	_ =	swait.ge [sflag:s28], $0x800  }
0xcb: {  	s6 =	simm.s32 @!p1 $0x80;
	v3 =	vmov s9;
	[sflag:s28] =	ssyncset.done $0x0  }
0xcc: {  	s7 =	simm.s32 @!p1 $0x4F00;
	s2 =	sadd.s32 @!p1 $0x200, s0;
	v3 =	vshll.u32 v3, $0x4;
	[sflag:s28] =	ssyncadd.s32 $0xFFFFF800  }
0xcd: {  	v3 =	vor.u32 v2, v3;
	[tilespmem:s7], [sflag:$0x1] =	stream.indirect.gather @!p1 [hbm4b:s1+s6], $0x10, s2, s6, $0xb8;
	[tilespmem:$0xA780] =	vst v63  }
0xce: {  	s0 =	sadd.s32 @!p1 $0x280, s0;
	v4 =	vor.u32 $0xA, v3;
	s2 =	simm.s32 @!p1 $0x5F00  }
0xcf: {  	v3 =	vor.u32 $0xB, v3;
	[tilespmem:s2], [sflag:$0x1] =	stream.indirect.gather @!p1 [hbm4b:s1+s6], $0x10, s0, s6, $0xb8;
	[tilespmem:$0xA780] =	vst v63  }
0xd0: {  	_ =	swait.ge [sflag:s29], $0x800  }
0xd1: {  	s2 =	simm.s32 $0x10;
	[sflag:s29] =	ssyncset.done $0x0  }
0xd2: {  	v5 =	vmov s2;
	[sflag:s29] =	ssyncadd.s32 $0xFFFFF800  }
0xd3: {  	v5 =	vshll.u32 v5, $0x4;
	v4 =	vld.idx.msk [tilespmem:v4+s23+$0x0], $0xffff  }
0xd4: {  	v5 =	vor.u32 v2, v5;
	v3 =	vld.idx.msk [tilespmem:v3+s24+$0x0], $0xffff  }
0xd5: {  	v7 =	vor.u32 $0xA, v5  }
0xd6: {  	s7 =	simm.s32 $0x20;
	v5 =	vor.u32 $0xB, v5  }
0xd7: {  	v8 =	vmov s7  }
0xd8: {  	v8 =	vshll.u32 v8, $0x4  }
0xd9: {  	v8 =	vor.u32 v2, v8;
	v3 =	vadd.f32 v3, v4  }
0xda: {  	s6 =	simm.s32 $0x30;
	v10 =	vor.u32 $0xA, v8;
	v7 =	vld.idx.msk [tilespmem:v7+s23+$0x0], $0xffff  }
0xdb: {  	v6 =	vmov s6;
	v4 =	vor.u32 $0xB, v8;
	v5 =	vld.idx.msk [tilespmem:v5+s24+$0x0], $0xffff;
	v8 =	vmul.f32 $2.000000030e-01, v3  }
0xdc: {  	v6 =	vshll.u32 v6, $0x4;
	vm0 =	vgt.f32 v3, $0.0e+00  }
0xdd: {  	v6 =	vor.u32 v2, v6;
	v3 =	vsel vm0, v3, v8  }
0xde: {  	v9 =	vor.u32 $0xA, v6;
	v3 =	vmul.f32 $1.442695020e+00, v3  }
0xdf: {  	v6 =	vor.u32 $0xB, v6;
	v8 =	vld.idx.msk [tilespmem:v10+s23+$0x0], $0xffff  }
0xe0: {  	s9 =	simm.s32 $0x40;
	v4 =	vld.idx.msk [tilespmem:v4+s24+$0x0], $0xffff;
	(erf) = vpow2.f32 v3;
	v3 =	vadd.f32 v5, v7  }
0xe1: {  	v11 =	vmov s9  }
0xe2: {  	v5 =	vshll.u32 v11, $0x4;
	v11 =	vmul.f32 $2.000000030e-01, v3  }
0xe3: {  	v9 =	vld.idx.msk [tilespmem:v9+s23+$0x0], $0xffff;
	vm14 =	vgt.f32 v3, $0.0e+00  }
0xe4: {  	s8 =	simm.s32 $0x50;
	v6 =	vld.idx.msk [tilespmem:v6+s24+$0x0], $0xffff;
	v3 =	vsel vm14, v3, v11  }
0xe5: {  	v10 =	vmov s8;
	v8 =	vadd.f32 v4, v8;
	v4 =	vmul.f32 $1.442695020e+00, v3  }
0xe6: {  	v10 =	vshll.u32 v10, $0x4  }
0xe7: {  	v7 =	vor.u32 v2, v10;
	(erf) = vpow2.f32 v4  }
0xe8: {  	v5 =	vor.u32 v2, v5;
	v10 =	vor.u32 $0xA, v7  }
0xe9: {  	v9 =	vadd.f32 v6, v9;
	v63 =	vor.u32 $0xA, v5;
	v6 =	vmul.f32 $2.000000030e-01, v8  }
0xea: {  	v5 =	vor.u32 $0xB, v5;
	vm15 =	vgt.f32 v8, $0.0e+00  }
0xeb: {  	v8 =	vsel vm15, v8, v6;
	v6 =	vor.u32 $0xB, v7;
	_ =	sdelay $0x1  }
0xec: {  	v3 =	vld.idx.msk [tilespmem:v10+s23+$0x0], $0xffff;
	v10 =	vmul.f32 $2.000000030e-01, v9  }
0xed: {  	vm1 =	vgt.f32 v9, $0.0e+00;
	v4 =	vld.idx.msk [tilespmem:v63+s23+$0x0], $0xffff  }
0xee: {  	s7 =	simm.s32 $0x70;
	s2 =	simm.s32 $0x6F10;
	s6 =	simm.s32 $0x4;
	v5 =	vld.idx.msk [tilespmem:v5+s24+$0x0], $0xffff;
	v8 =	vmul.f32 $1.442695020e+00, v8;
	v9 =	vsel vm1, v9, v10;
	v7 =	vpop (erf)  }
.LBB2_11:
0xef: {  	s8 =	sadd.s32 $0xFFFFFFF0, s7;
	v10 =	vmov s7;
	v11 =	vld.idx.msk [tilespmem:v6+s24+$0x0], $0xffff;
	v6 =	vmul.f32 $1.442695020e+00, v9;
	[tilespmem:s2+$0xFFFFFFF0] =	vst v7;
	s0 =	simm.s32 $0x5730;
	v7 =	vpop (erf)  }
0xf0: {  	s6 =	sadd.s32 $0x2, s6;
	v9 =	vmov s8;
	v10 =	vshll.u32 v10, $0x4;
	(erf) = vpow2.f32 v8;
	[tilespmem:s2+$0x0] =	vst v7  }
0xf1: {  	p1 =	slt.u32 s6, $0x6;
	v7 =	vshll.u32 v9, $0x4;
	v8 =	vor.u32 v2, v10;
	(erf) = vpow2.f32 v6  }
0xf2: {  	v7 =	vor.u32 v2, v7;
	v9 =	vor.u32 $0xA, v8;
	v6 =	vor.u32 $0xB, v8  }
0xf3: {  	v8 =	vor.u32 $0xA, v7  }
0xf4: {  	v7 =	vor.u32 $0xB, v7;
	v5 =	vadd.f32 v5, v4  }
.Ltmp6:
0xf5: {  	v10 =	vadd.f32 v11, v3;
	(pc) =	sbr.rel @p1 .LBB2_11-.Ltmp6, $4  }
0xf6: {  	v11 =	vmul.f32 $2.000000030e-01, v5  }
0xf7: {  	vm0 =	vgt.f32 v5, $0.0e+00;
	vm1 =	vgt.f32 v10, $0.0e+00;
	v3 =	vld.idx.msk [tilespmem:v9+s23+$0x0], $0xffff;
	v9 =	vmul.f32 $2.000000030e-01, v10  }
0xf8: {  	v4 =	vld.idx.msk [tilespmem:v8+s23+$0x0], $0xffff;
	v8 =	vsel vm0, v5, v11  }
0xf9: {  	s7 =	sadd.s32 $0x20, s7;
	s2 =	sadd.s32 $0x20, s2;
	v5 =	vld.idx.msk [tilespmem:v7+s24+$0x0], $0xffff;
	v8 =	vmul.f32 $1.442695020e+00, v8;
	v9 =	vsel vm1, v10, v9;
	v7 =	vpop (erf)  }
0xfa: {  	_ =	sdelay $0x3  }
0xfb: {  	v6 =	vld.idx.msk [tilespmem:v6+s24+$0x0], $0xffff;
	_ =	sdelay $0x3  }
0xfc: {  	v4 =	vadd.f32 v5, v4  }
0xfd: {  	v3 =	vadd.f32 v6, v3  }
0xfe: {  	v5 =	vmul.f32 $2.000000030e-01, v4  }
0xff: {  	v9 =	vmul.f32 $1.442695020e+00, v9;
	vm0 =	vgt.f32 v4, $0.0e+00;
	v6 =	vmul.f32 $2.000000030e-01, v3  }
0x100: {  	(erf) = vpow2.f32 v8;
	vm1 =	vgt.f32 v3, $0.0e+00;
	v4 =	vsel vm0, v4, v5  }
0x101: {  	v4 =	vmul.f32 $1.442695020e+00, v4;
	v3 =	vsel vm1, v3, v6  }
0x102: {  	(erf) = vpow2.f32 v9;
	v3 =	vmul.f32 $1.442695020e+00, v3  }
0x103: {  	(erf) = vpow2.f32 v4  }
0x104: {  	(erf) = vpow2.f32 v3;
	_ =	sdelay $0x1  }
0x105: {  	s6 =	simm.s32 $0x0  }
0x106: {  	s9 =	simm.s32 $0x3;
	s7 =	simm.s32 $0x1;
	v3 =	vmov s6  }
0x107: {  	[tilespmem:s2+$0xFFFFFFF0] =	vst v7;
	s8 =	simm.s32 $0x2;
	v5 =	vmov s9;
	v6 =	vmov s7;
	v4 =	vpop (erf);
	v3 =	vand.u32 $0xFFFFFFFC, v3  }
0x108: {  	s9 =	sadd.s32 $0x20, s2;
	v7 =	vpop (erf);
	[tilespmem:s2+$0x0] =	vst v4;
	v4 =	vbroadcast v3, $0x0;
	v3 =	vand.u32 $0xFFFFFFFD, v6;
	v6 =	vmov s8  }
0x109: {  	[tilespmem:s9+$0xFFFFFFF0] =	vst v7;
	v7 =	vbroadcast v3, $0x0;
	v3 =	vand.u32 $0xFFFFFFFE, v6  }
0x10a: {  	v8 =	vpop (erf)  }
0x10b: {  	s2 =	sadd.s32 $0x20, s9;
	[tilespmem:s9+$0x0] =	vst v8;
	v8 =	vbroadcast v3, $0x0;
	v6 =	vpop (erf)  }
0x10c: {  	[tilespmem:s2+$0xFFFFFFF0] =	vst v6;
	v3 =	vpop (erf)  }
0x10d: {  	s7 =	simm.s32 $0x4;
	[tilespmem:s2+$0x0] =	vst v3  }
0x10e: {  	s8 =	simm.s32 $0x5;
	v3 =	vld.idx.msk [tilespmem:v5+s26+$0x0], $0xffff;
	v5 =	vmov s7  }
0x10f: {  	v14 =	vld.idx.msk [tilespmem:v4+s26+$0x0], $0xffff;
	v4 =	vand.u32 $0xFFFFFFFC, v5;
	v5 =	vmov s8  }
0x110: {  	s6 =	simm.s32 $0x6;
	s9 =	simm.s32 $0x7;
	v7 =	vld.idx.msk [tilespmem:v7+s26+$0x0], $0xffff;
	v9 =	vbroadcast v4, $0x0;
	v4 =	vand.u32 $0xFFFFFFFD, v5  }
0x111: {  	v6 =	vmov s9;
	v11 =	vld.idx.msk [tilespmem:v8+s26+$0x0], $0xffff;
	v16 =	vbroadcast v4, $0x0;
	v4 =	vmov s6  }
0x112: {  	v13 =	vld [tilespmem:s0+$0xFFFFFFF0];
	v4 =	vand.u32 $0xFFFFFFFE, v4  }
0x113: {  	v17 =	vld [tilespmem:s0+$0xFFFFFFD0];
	v12 =	vbroadcast v4, $0x0  }
0x114: {  	v8 =	vld [tilespmem:s0+$0xFFFFFFE0]  }
0x115: {  	s7 =	simm.s32 $0x8;
	v5 =	vld [tilespmem:s0+$0x0]  }
0x116: {  	v10 =	vmov s7;
	s8 =	simm.s32 $0xB;
	v4 =	vld.idx.msk [tilespmem:v6+s26+$0x0], $0xffff  }
0x117: {  	s9 =	simm.s32 $0x9;
	v15 =	vand.u32 $0xFFFFFFFC, v10;
	v10 =	vmov s8;
	v13 =	vmul.f32 v13, v11;
	v6 =	vld.idx.msk [tilespmem:v9+s26+$0x0], $0xffff  }
0x118: {  	s2 =	simm.s32 $0x77B0;
	s7 =	simm.s32 $0xA;
	s6 =	simm.s32 $0xC;
	v11 =	vbroadcast v15, $0x0;
	v15 =	vmov s9;
	v14 =	vmul.f32 v17, v14;
	v9 =	vld.idx.msk [tilespmem:v16+s26+$0x0], $0xffff  }
.LBB2_13:
0x119: {  	p1 =	slt.u32 s6, $0x7C;
	v15 =	vand.u32 $0xFFFFFFFD, v15;
	v16 =	vmov s7;
	v17 =	vld.idx.msk [tilespmem:v12+s26+$0x0], $0xffff;
	v7 =	vmul.f32 v8, v7;
	[tilespmem:s2+$0xFFFFFFF0] =	vst v13;
	s0 =	sadd.s32 $0x40, s0  }
0x11a: {  	v18 =	vbroadcast v15, $0x0;
	v8 =	vand.u32 $0xFFFFFFFE, v16;
	v13 =	vld [tilespmem:s0+$0xFFFFFFF0];
	[tilespmem:s2+$0xFFFFFFD0] =	vst v14;
	v5 =	vmul.f32 v5, v3  }
0x11b: {  	v12 =	vbroadcast v8, $0x0;
	v14 =	vld [tilespmem:s0+$0xFFFFFFD0];
	[tilespmem:s2+$0xFFFFFFE0] =	vst v7  }
.Ltmp7:
0x11c: {  	v3 =	vmov v4;
	v8 =	vld [tilespmem:s0+$0xFFFFFFE0];
	[tilespmem:s2+$0x0] =	vst v5;
	(pc) =	sbr.rel @p1 .LBB2_13-.Ltmp7, $4  }
0x11d: {  	v16 =	vmov v6;
	v5 =	vld [tilespmem:s0+$0x0]  }
0x11e: {  	s7 =	sadd.s32 $0x3, s6;
	v6 =	vmov s6;
	v7 =	vmov v9;
	v4 =	vld.idx.msk [tilespmem:v10+s26+$0x0], $0xffff  }
0x11f: {  	s8 =	sadd.s32 $0x1, s6;
	v9 =	vand.u32 $0xFFFFFFFC, v6;
	v10 =	vmov s7;
	v6 =	vld.idx.msk [tilespmem:v11+s26+$0x0], $0xffff;
	v13 =	vmul.f32 v13, v17  }
0x120: {  	v15 =	vmov s8;
	s2 =	sadd.s32 $0x40, s2;
	s7 =	sadd.s32 $0x2, s6;
	s6 =	sadd.s32 $0x4, s6;
	v11 =	vbroadcast v9, $0x0;
	v9 =	vld.idx.msk [tilespmem:v18+s26+$0x0], $0xffff;
	v14 =	vmul.f32 v14, v16  }
0x121: {  	_ =	sdelay $0x3  }
0x122: {  	v12 =	vld.idx.msk [tilespmem:v12+s26+$0x0], $0xffff  }
0x123: {  	s0 =	sadd.s32 $0x40, s0;
	v10 =	vld.idx.msk [tilespmem:v10+s26+$0x0], $0xffff  }
0x124: {  	v17 =	vld [tilespmem:s0+$0xFFFFFFF0]  }
0x125: {  	v15 =	vand.u32 $0xFFFFFFFD, v15;
	v18 =	vld [tilespmem:s0+$0xFFFFFFD0]  }
0x126: {  	v16 =	vmov s7;
	v15 =	vbroadcast v15, $0x0;
	v19 =	vld [tilespmem:s0+$0xFFFFFFE0]  }
0x127: {  	v16 =	vand.u32 $0xFFFFFFFE, v16;
	v20 =	vld [tilespmem:s0+$0x0]  }
0x128: {  	v11 =	vld.idx.msk [tilespmem:v11+s26+$0x0], $0xffff;
	s0 =	sadd.s32 $0x40, s0;
	v16 =	vbroadcast v16, $0x0  }
0x129: {  	v57 =	vld [tilespmem:s0+$0xFFFFFFF0]  }
0x12a: {  	[tilespmem:s2+$0xFFFFFFF0] =	vst v13;
	v3 =	vmul.f32 v5, v3;
	v59 =	vld [tilespmem:s0+$0xFFFFFFD0]  }
0x12b: {  	v7 =	vmul.f32 v8, v7;
	[tilespmem:s2+$0xFFFFFFD0] =	vst v14;
	v60 =	vld [tilespmem:s0+$0xFFFFFFE0]  }
0x12c: {  	[tilespmem:s2+$0x0] =	vst v3;
	v3 =	vmul.f32 v18, v6;
	v15 =	vld.idx.msk [tilespmem:v15+s26+$0x0], $0xffff  }
0x12d: {  	s8 =	sadd.s32 $0x40, s2;
	[tilespmem:s2+$0xFFFFFFE0] =	vst v7;
	v61 =	vld [tilespmem:s0+$0x0];
	v58 =	vmul.f32 v17, v12  }
0x12e: {  	v56 =	vld.idx.msk [tilespmem:v16+s26+$0x0], $0xffff;
	[tilespmem:s8+$0xFFFFFFD0] =	vst v3;
	v3 =	vmul.f32 v20, v4  }
0x12f: {  	v9 =	vmul.f32 v19, v9;
	[tilespmem:s8+$0xFFFFFFF0] =	vst v58  }
0x130: {  	s4 =	sadd.s32 $0x1, s4;
	[tilespmem:s8+$0x0] =	vst v3;
	v3 =	vmul.f32 v59, v11  }
0x131: {  	s9 =	sadd.s32 $0x40, s8;
	p1 =	sne.s32 s4, $0x27;
	[tilespmem:s8+$0xFFFFFFE0] =	vst v9;
	v63 =	vmul.f32 v60, v15  }
.Ltmp8:
0x132: {  	[tilespmem:s9+$0xFFFFFFD0] =	vst v3;
	v3 =	vmul.f32 v61, v10;
	(pc) =	sbr.rel @p1 .LBB2_6-.Ltmp8, $4  }
0x133: {  	v62 =	vmul.f32 v57, v56;
	[tilespmem:s9+$0xFFFFFFE0] =	vst v63  }
0x134: {  	[tilespmem:s9+$0x0] =	vst v3  }
0x135: {  	[tilespmem:s9+$0xFFFFFFF0] =	vst v62  }
0x136: {  	[spmem:s3] =	stream.indirect.scatter.add.f32 [tilespmem:s19], [sflag:$0x4], $0x10, s31, s17, $0xb8;
	[tilespmem:$0xA780] =	vst v63  }
0x137: {  	_ =	swait.ge [sflag:s25], $0x800  }
.Ltmp9:
0x138: {  	[sflag:s25] =	ssyncset.done $0x0;
	(pc) =	sbr.rel @p0 .LBB2_21-.Ltmp9, $4  }
0x139: {  	[sflag:s25] =	ssyncadd.s32 $0xFFFFF800  }
0x13a: {  	_ =	swait.ge [sflag:s29], $0x800  }
0x13b: {  	[sflag:s29] =	ssyncset.done $0x0  }
0x13c: {  	[sflag:s29] =	ssyncadd.s32 $0xFFFFF800  }
0x13d: {  	s0 =	simm.s32 $0x4E00;
	s4 =	simm.s32 $0x0  }
0x13e: {  	[tilespmem:s20], [sflag:$0x1] =	stream.indirect.gather [hbm4b:s1+s17], $0x10, s0, s17, $0xb8;
	[tilespmem:$0xA780] =	vst v63  }
0x13f: {  	s6 =	simm.s32 $0x4E80;
	v3 =	vmov s4  }
0x140: {  	v3 =	vshll.u32 v3, $0x4;
	[tilespmem:s21], [sflag:$0x1] =	stream.indirect.gather [hbm4b:s1+s17], $0x10, s6, s17, $0xb8;
	[tilespmem:$0xA780] =	vst v63  }
0x141: {  	v3 =	vor.u32 v2, v3;
	_ =	swait.ge [sflag:s22], $0x800  }
0x142: {  	v4 =	vor.u32 $0xA, v3;
	[sflag:s22] =	ssyncset.done $0x0  }
0x143: {  	v3 =	vor.u32 $0xB, v3;
	[sflag:s22] =	ssyncadd.s32 $0xFFFFF800  }
0x144: {  	_ =	swait.ge [sflag:s22], $0x800  }
0x145: {  	s7 =	simm.s32 $0x10;
	[sflag:s22] =	ssyncset.done $0x0  }
0x146: {  	v5 =	vmov s7;
	[sflag:s22] =	ssyncadd.s32 $0xFFFFF800  }
0x147: {  	v5 =	vshll.u32 v5, $0x4;
	v4 =	vld.idx.msk [tilespmem:v4+s20+$0x0], $0xffff  }
0x148: {  	v5 =	vor.u32 v2, v5;
	v3 =	vld.idx.msk [tilespmem:v3+s21+$0x0], $0xffff  }
0x149: {  	v7 =	vor.u32 $0xA, v5  }
0x14a: {  	s2 =	simm.s32 $0x20;
	v5 =	vor.u32 $0xB, v5  }
0x14b: {  	v8 =	vmov s2  }
0x14c: {  	v8 =	vshll.u32 v8, $0x4  }
0x14d: {  	v8 =	vor.u32 v2, v8;
	v3 =	vadd.f32 v3, v4  }
0x14e: {  	s8 =	simm.s32 $0x30;
	v10 =	vor.u32 $0xA, v8;
	v7 =	vld.idx.msk [tilespmem:v7+s20+$0x0], $0xffff  }
0x14f: {  	v6 =	vmov s8;
	v5 =	vld.idx.msk [tilespmem:v5+s21+$0x0], $0xffff;
	v4 =	vor.u32 $0xB, v8;
	v8 =	vmul.f32 $2.000000030e-01, v3  }
0x150: {  	v6 =	vshll.u32 v6, $0x4;
	vm0 =	vgt.f32 v3, $0.0e+00  }
0x151: {  	v6 =	vor.u32 v2, v6;
	v3 =	vsel vm0, v3, v8  }
0x152: {  	v9 =	vor.u32 $0xA, v6;
	v3 =	vmul.f32 $1.442695020e+00, v3  }
0x153: {  	v6 =	vor.u32 $0xB, v6;
	v8 =	vld.idx.msk [tilespmem:v10+s20+$0x0], $0xffff  }
0x154: {  	s31 =	simm.s32 $0x40;
	v4 =	vld.idx.msk [tilespmem:v4+s21+$0x0], $0xffff;
	(erf) = vpow2.f32 v3;
	v3 =	vadd.f32 v5, v7  }
0x155: {  	v11 =	vmov s31  }
0x156: {  	v5 =	vshll.u32 v11, $0x4;
	v11 =	vmul.f32 $2.000000030e-01, v3  }
0x157: {  	v9 =	vld.idx.msk [tilespmem:v9+s20+$0x0], $0xffff;
	vm14 =	vgt.f32 v3, $0.0e+00  }
0x158: {  	s9 =	simm.s32 $0x50;
	v6 =	vld.idx.msk [tilespmem:v6+s21+$0x0], $0xffff;
	v3 =	vsel vm14, v3, v11  }
0x159: {  	v10 =	vmov s9;
	v8 =	vadd.f32 v4, v8;
	v4 =	vmul.f32 $1.442695020e+00, v3  }
0x15a: {  	v10 =	vshll.u32 v10, $0x4  }
0x15b: {  	v7 =	vor.u32 v2, v10;
	(erf) = vpow2.f32 v4  }
0x15c: {  	v5 =	vor.u32 v2, v5;
	v10 =	vor.u32 $0xA, v7  }
0x15d: {  	v9 =	vadd.f32 v6, v9;
	v12 =	vor.u32 $0xA, v5;
	v6 =	vmul.f32 $2.000000030e-01, v8  }
0x15e: {  	v5 =	vor.u32 $0xB, v5;
	vm15 =	vgt.f32 v8, $0.0e+00  }
0x15f: {  	v8 =	vsel vm15, v8, v6;
	v6 =	vor.u32 $0xB, v7;
	_ =	sdelay $0x1  }
0x160: {  	v3 =	vld.idx.msk [tilespmem:v10+s20+$0x0], $0xffff;
	v10 =	vmul.f32 $2.000000030e-01, v9  }
0x161: {  	vm1 =	vgt.f32 v9, $0.0e+00;
	v4 =	vld.idx.msk [tilespmem:v12+s20+$0x0], $0xffff  }
0x162: {  	s0 =	simm.s32 $0x6F10;
	s2 =	simm.s32 $0x4;
	s4 =	simm.s32 $0x70;
	v5 =	vld.idx.msk [tilespmem:v5+s21+$0x0], $0xffff;
	v8 =	vmul.f32 $1.442695020e+00, v8;
	v9 =	vsel vm1, v9, v10;
	v7 =	vpop (erf)  }
.LBB2_17:
0x163: {  	s6 =	sadd.s32 $0xFFFFFFF0, s4;
	v10 =	vmov s4;
	v11 =	vld.idx.msk [tilespmem:v6+s21+$0x0], $0xffff;
	v6 =	vmul.f32 $1.442695020e+00, v9;
	[tilespmem:s0+$0xFFFFFFF0] =	vst v7;
	v7 =	vpop (erf)  }
0x164: {  	s2 =	sadd.s32 $0x2, s2;
	v9 =	vmov s6;
	v10 =	vshll.u32 v10, $0x4;
	(erf) = vpow2.f32 v8;
	[tilespmem:s0+$0x0] =	vst v7  }
0x165: {  	p1 =	slt.u32 s2, $0x6;
	v7 =	vshll.u32 v9, $0x4;
	v8 =	vor.u32 v2, v10;
	(erf) = vpow2.f32 v6  }
0x166: {  	v7 =	vor.u32 v2, v7;
	v9 =	vor.u32 $0xA, v8;
	v6 =	vor.u32 $0xB, v8  }
0x167: {  	v8 =	vor.u32 $0xA, v7  }
0x168: {  	v7 =	vor.u32 $0xB, v7;
	v5 =	vadd.f32 v5, v4  }
.Ltmp10:
0x169: {  	v10 =	vadd.f32 v11, v3;
	(pc) =	sbr.rel @p1 .LBB2_17-.Ltmp10, $4  }
0x16a: {  	v11 =	vmul.f32 $2.000000030e-01, v5  }
0x16b: {  	vm0 =	vgt.f32 v5, $0.0e+00;
	vm1 =	vgt.f32 v10, $0.0e+00;
	v3 =	vld.idx.msk [tilespmem:v9+s20+$0x0], $0xffff;
	v9 =	vmul.f32 $2.000000030e-01, v10  }
0x16c: {  	v4 =	vld.idx.msk [tilespmem:v8+s20+$0x0], $0xffff;
	v8 =	vsel vm0, v5, v11  }
0x16d: {  	s4 =	sadd.s32 $0x20, s4;
	s0 =	sadd.s32 $0x20, s0;
	v5 =	vld.idx.msk [tilespmem:v7+s21+$0x0], $0xffff;
	v8 =	vmul.f32 $1.442695020e+00, v8;
	v9 =	vsel vm1, v10, v9;
	v7 =	vpop (erf)  }
0x16e: {  	_ =	sdelay $0x3  }
0x16f: {  	v6 =	vld.idx.msk [tilespmem:v6+s21+$0x0], $0xffff;
	_ =	sdelay $0x3  }
0x170: {  	v4 =	vadd.f32 v5, v4  }
0x171: {  	v3 =	vadd.f32 v6, v3  }
0x172: {  	v5 =	vmul.f32 $2.000000030e-01, v4  }
0x173: {  	v9 =	vmul.f32 $1.442695020e+00, v9;
	vm0 =	vgt.f32 v4, $0.0e+00;
	v6 =	vmul.f32 $2.000000030e-01, v3  }
0x174: {  	(erf) = vpow2.f32 v8;
	vm1 =	vgt.f32 v3, $0.0e+00;
	v4 =	vsel vm0, v4, v5  }
0x175: {  	v4 =	vmul.f32 $1.442695020e+00, v4;
	v3 =	vsel vm1, v3, v6  }
0x176: {  	(erf) = vpow2.f32 v9;
	v3 =	vmul.f32 $1.442695020e+00, v3  }
0x177: {  	(erf) = vpow2.f32 v4  }
0x178: {  	(erf) = vpow2.f32 v3;
	_ =	sdelay $0x1  }
0x179: {  	s2 =	simm.s32 $0x0  }
0x17a: {  	s4 =	simm.s32 $0x1;
	v3 =	vmov s2  }
0x17b: {  	[tilespmem:s0+$0xFFFFFFF0] =	vst v7;
	s9 =	simm.s32 $0x2;
	v6 =	vmov s4;
	v4 =	vpop (erf);
	v3 =	vand.u32 $0xFFFFFFFC, v3  }
0x17c: {  	s8 =	simm.s32 $0x3;
	s31 =	sadd.s32 $0x20, s0;
	v7 =	vpop (erf);
	[tilespmem:s0+$0x0] =	vst v4;
	v4 =	vbroadcast v3, $0x0;
	v3 =	vand.u32 $0xFFFFFFFD, v6;
	v6 =	vmov s9  }
0x17d: {  	v5 =	vmov s8;
	[tilespmem:s31+$0xFFFFFFF0] =	vst v7;
	v7 =	vbroadcast v3, $0x0;
	v3 =	vand.u32 $0xFFFFFFFE, v6  }
0x17e: {  	v8 =	vpop (erf)  }
0x17f: {  	s0 =	sadd.s32 $0x20, s31;
	[tilespmem:s31+$0x0] =	vst v8;
	v8 =	vbroadcast v3, $0x0;
	v6 =	vpop (erf)  }
0x180: {  	[tilespmem:s0+$0xFFFFFFF0] =	vst v6;
	v3 =	vpop (erf)  }
0x181: {  	s2 =	simm.s32 $0x4;
	[tilespmem:s0+$0x0] =	vst v3  }
0x182: {  	s4 =	simm.s32 $0x5;
	v3 =	vld.idx.msk [tilespmem:v5+s26+$0x0], $0xffff;
	v5 =	vmov s2  }
0x183: {  	v14 =	vld.idx.msk [tilespmem:v4+s26+$0x0], $0xffff;
	v4 =	vand.u32 $0xFFFFFFFC, v5;
	v5 =	vmov s4  }
0x184: {  	s6 =	simm.s32 $0x7;
	s7 =	simm.s32 $0x6;
	v7 =	vld.idx.msk [tilespmem:v7+s26+$0x0], $0xffff;
	v9 =	vbroadcast v4, $0x0;
	v4 =	vand.u32 $0xFFFFFFFD, v5  }
0x185: {  	v6 =	vmov s6;
	s2 =	simm.s32 $0x4F20;
	v11 =	vld.idx.msk [tilespmem:v8+s26+$0x0], $0xffff;
	v16 =	vbroadcast v4, $0x0;
	v4 =	vmov s7  }
0x186: {  	v13 =	vld [tilespmem:s2+$0x0];
	v4 =	vand.u32 $0xFFFFFFFE, v4  }
0x187: {  	v17 =	vld [tilespmem:s2+$0xFFFFFFE0];
	v12 =	vbroadcast v4, $0x0  }
0x188: {  	v8 =	vld [tilespmem:s2+$0xFFFFFFF0]  }
0x189: {  	s8 =	simm.s32 $0x8;
	v5 =	vld [tilespmem:s2+$0x10]  }
0x18a: {  	v10 =	vmov s8;
	s9 =	simm.s32 $0xB;
	v4 =	vld.idx.msk [tilespmem:v6+s26+$0x0], $0xffff  }
0x18b: {  	v15 =	vand.u32 $0xFFFFFFFC, v10;
	v10 =	vmov s9;
	s31 =	simm.s32 $0x9;
	v13 =	vmul.f32 v13, v11;
	v6 =	vld.idx.msk [tilespmem:v9+s26+$0x0], $0xffff  }
0x18c: {  	s6 =	simm.s32 $0xA;
	s0 =	simm.s32 $0x6FA0;
	s4 =	simm.s32 $0xC;
	v11 =	vbroadcast v15, $0x0;
	v15 =	vmov s31;
	v14 =	vmul.f32 v17, v14;
	v9 =	vld.idx.msk [tilespmem:v16+s26+$0x0], $0xffff  }
.LBB2_19:
0x18d: {  	p1 =	slt.u32 s4, $0x7C;
	v15 =	vand.u32 $0xFFFFFFFD, v15;
	v16 =	vmov s6;
	v17 =	vld.idx.msk [tilespmem:v12+s26+$0x0], $0xffff;
	v7 =	vmul.f32 v8, v7;
	[tilespmem:s0+$0x0] =	vst v13;
	s2 =	sadd.s32 $0x40, s2  }
0x18e: {  	v18 =	vbroadcast v15, $0x0;
	v8 =	vand.u32 $0xFFFFFFFE, v16;
	v13 =	vld [tilespmem:s2+$0x0];
	[tilespmem:s0+$0xFFFFFFE0] =	vst v14;
	v5 =	vmul.f32 v5, v3  }
0x18f: {  	v12 =	vbroadcast v8, $0x0;
	v14 =	vld [tilespmem:s2+$0xFFFFFFE0];
	[tilespmem:s0+$0xFFFFFFF0] =	vst v7  }
.Ltmp11:
0x190: {  	v3 =	vmov v4;
	v8 =	vld [tilespmem:s2+$0xFFFFFFF0];
	[tilespmem:s0+$0x10] =	vst v5;
	(pc) =	sbr.rel @p1 .LBB2_19-.Ltmp11, $4  }
0x191: {  	v16 =	vmov v6;
	v5 =	vld [tilespmem:s2+$0x10]  }
0x192: {  	s6 =	sadd.s32 $0x3, s4;
	v6 =	vmov s4;
	v7 =	vmov v9;
	v4 =	vld.idx.msk [tilespmem:v10+s26+$0x0], $0xffff  }
0x193: {  	s7 =	sadd.s32 $0x1, s4;
	v9 =	vand.u32 $0xFFFFFFFC, v6;
	v10 =	vmov s6;
	v6 =	vld.idx.msk [tilespmem:v11+s26+$0x0], $0xffff;
	v13 =	vmul.f32 v13, v17  }
0x194: {  	v15 =	vmov s7;
	s0 =	sadd.s32 $0x40, s0;
	s6 =	sadd.s32 $0x2, s4;
	s4 =	sadd.s32 $0x4, s4;
	v11 =	vbroadcast v9, $0x0;
	v9 =	vld.idx.msk [tilespmem:v18+s26+$0x0], $0xffff;
	v14 =	vmul.f32 v14, v16  }
0x195: {  	_ =	sdelay $0x3  }
0x196: {  	v12 =	vld.idx.msk [tilespmem:v12+s26+$0x0], $0xffff  }
0x197: {  	s2 =	sadd.s32 $0x40, s2;
	v10 =	vld.idx.msk [tilespmem:v10+s26+$0x0], $0xffff  }
0x198: {  	v17 =	vld [tilespmem:s2+$0x0]  }
0x199: {  	v15 =	vand.u32 $0xFFFFFFFD, v15;
	v18 =	vld [tilespmem:s2+$0xFFFFFFE0]  }
0x19a: {  	v16 =	vmov s6;
	v15 =	vbroadcast v15, $0x0;
	v19 =	vld [tilespmem:s2+$0xFFFFFFF0]  }
0x19b: {  	v16 =	vand.u32 $0xFFFFFFFE, v16;
	v20 =	vld [tilespmem:s2+$0x10]  }
0x19c: {  	v11 =	vld.idx.msk [tilespmem:v11+s26+$0x0], $0xffff;
	s2 =	sadd.s32 $0x40, s2;
	v16 =	vbroadcast v16, $0x0  }
0x19d: {  	v57 =	vld [tilespmem:s2+$0x0]  }
0x19e: {  	[tilespmem:s0+$0x0] =	vst v13;
	v3 =	vmul.f32 v5, v3;
	v59 =	vld [tilespmem:s2+$0xFFFFFFE0]  }
0x19f: {  	v7 =	vmul.f32 v8, v7;
	[tilespmem:s0+$0xFFFFFFE0] =	vst v14;
	v60 =	vld [tilespmem:s2+$0xFFFFFFF0]  }
0x1a0: {  	[tilespmem:s0+$0x10] =	vst v3;
	v3 =	vmul.f32 v18, v6;
	v15 =	vld.idx.msk [tilespmem:v15+s26+$0x0], $0xffff  }
0x1a1: {  	s9 =	sadd.s32 $0x40, s0;
	[tilespmem:s0+$0xFFFFFFF0] =	vst v7;
	v61 =	vld [tilespmem:s2+$0x10];
	v58 =	vmul.f32 v17, v12  }
0x1a2: {  	v56 =	vld.idx.msk [tilespmem:v16+s26+$0x0], $0xffff;
	[tilespmem:s9+$0xFFFFFFE0] =	vst v3;
	v3 =	vmul.f32 v20, v4  }
0x1a3: {  	v9 =	vmul.f32 v19, v9;
	[tilespmem:s9+$0x0] =	vst v58  }
0x1a4: {  	[tilespmem:s9+$0x10] =	vst v3;
	v3 =	vmul.f32 v59, v11  }
0x1a5: {  	s0 =	sadd.s32 $0x40, s9;
	[tilespmem:s9+$0xFFFFFFF0] =	vst v9;
	v63 =	vmul.f32 v60, v15  }
0x1a6: {  	[tilespmem:s0+$0xFFFFFFE0] =	vst v3;
	v3 =	vmul.f32 v61, v10  }
0x1a7: {  	v62 =	vmul.f32 v57, v56;
	[tilespmem:s0+$0xFFFFFFF0] =	vst v63  }
0x1a8: {  	[tilespmem:s0+$0x10] =	vst v3  }
.Ltmp12:
0x1a9: {  	s31 =	simm.s32 $0x4E80;
	[tilespmem:s0+$0x0] =	vst v62;
	(pc) =	sbr.rel .LBB2_21-.Ltmp12, $4  }
0x1aa: {  	[spmem:s3] =	stream.indirect.scatter.add.f32 [tilespmem:s14], [sflag:$0x6], $0x10, s31, s17, $0xb8;
	[tilespmem:$0xA780] =	vst v63  }
0x1ab: {  	_ =	swait.ge [sflag:s15], $0x800  }
0x1ac: {  	[sflag:s15] =	ssyncset.done $0x0  }
0x1ad: {  	[sflag:s15] =	ssyncadd.s32 $0xFFFFF800  }
.LBB2_22:
0x1ae: {  	_ =	sfence.sel $0x180000  }
0x1af: {  	[bflag:$0x0] =	sbarrier.arrive $0xFFFF  }
0x1b0: {  	_ =	strace $0x9000004A  }
0x1b1: {  	s0 =	stileid.u32;
	[bflag:$0x2] =	sbarrier.arrive $0xFFFF  }
0x1b2: {  	p0 =	sne.s32 s0, $0x0;
	s0 =	rddreg [dreg:$0x4]  }
0x1b3: {  	s0 =	sadd.s32 @!p0 $0x100000, s0  }
0x1b4: {  	[sflag:s0] =	ssyncadd.tile.s32 @!p0 $0x1;
	_ =	shalt  }
.Lfunc_end2:
_tile_overlayer_lowered:
.L_overlay_start_2:
0x1b5: {  	(tag) =	ssettag $0x2  }
0x1b6: {  	s0 =	rddreg [dreg:$0x0];
	s2 =	stileid.u32  }
0x1b7: {  	s1 =	rddreg [dreg:$0x1];
	p0 =	sne.s32 s2, $0x0  }
0x1b8: {  	s3 =	rddreg [dreg:$0x2];
	[bflag:$0x3] =	sbarrier.arrive $0xFFFF;
	s2 =	simm.s32 @!p0 $0x1C06  }
0x1b9: {  	[timem:s3], [sflag:s2] =	dma.local @!p0 [hbm:s0], s1  }
0x1ba: {  	s0 =	simm.s32 @!p0 $0x6  }
0x1bb: {  	_ =	swait.ge @!p0 [sflag:s0], s1  }
0x1bc: {  	s1 =	ssub.s32 @!p0 $0x0, s1;
	[sflag:s0] =	ssyncset.done @!p0 $0x0  }
0x1bd: {  	[sflag:s0] =	ssyncadd.s32 @!p0 s1  }
0x1be: {  	[bflag:$0x3] =	sbarrier.arrive $0xFFFF  }
0x1bf: {  	_ =	shalt  }

// kernel: kernel.7.cloned.1.call-start
scs
__scs_entry_jumppad:
0x0: {  	(pc) =	sbr.rel $0x88, $3  }
0x1: {  	(tag) =	ssettag $0x0;
	lr =	simm.s32 $0x1  }
0x2: {  	[smem:$0x3F97] =	sst lr;
	_ =	strace $0xD0000000  }
0x3: {  	_ = 	snop  }
0x4: {  	_ = 	snop  }
0x5: {  	_ = 	snop  }
0x6: {  	_ = 	snop  }
0x7: {  	_ = 	snop  }
__scs_overlays_trampoline_lowered:
0x8: {  	[smem:$0x3FA6] =	sst s0  }
0x9: {  	[smem:$0x3FA7] =	sst s1  }
0xa: {  	[smem:$0x3FA8] =	sst s2  }
0xb: {  	[smem:$0x3FA9] =	sst s3  }
0xc: {  	[smem:$0x3FAA] =	sst s4  }
0xd: {  	[smem:$0x3FAB] =	sst s5  }
0xe: {  	[smem:$0x3FAC] =	sst s6  }
0xf: {  	[smem:$0x3FAD] =	sst s7  }
0x10: {  	[smem:$0x3FAE] =	sst s8  }
0x11: {  	[smem:$0x3FAF] =	sst s9;
	s0 =	simm.s32 @!p0 $0x0  }
0x12: {  	s1 =	sld [smem:$0x3F95];
	s0 =	simm.s32 @p0 $0x1  }
0x13: {  	[smem:$0x3FB0] =	sst s0;
	s0 =	simm.s32 @!p1 $0x0  }
0x14: {  	s2 =	sld [smem:$0x3F94];
	s0 =	simm.s32 @p1 $0x1  }
0x15: {  	[smem:$0x3FB1] =	sst s0;
	s0 =	simm.s32 @!p2 $0x0  }
0x16: {  	s3 =	sld [smem:$0x3FDB];
	s0 =	simm.s32 @p2 $0x1  }
0x17: {  	s4 =	simm.s32 $0x1BF5;
	[smem:$0x3FB3] =	sst s0  }
0x18: {  	s0 =	sld [smem:$0x3F96];
	_ =	swait.ge [sflag:s4], $0x0  }
0x19: {  	s7 =	sld [smem:$0x3F97]  }
0x1a: {  	s8 =	sadd.s32 $0xFFFFE003, lr  }
0x1b: {  	s9 =	sadd.s32 $0xFFFFFEF7, lr;
	s5 =	simm.s32 $0xFFFFFFFF;
	p2 =	slt.u32 s8, $0xFFFFF086  }
0x1c: {  	p1 =	slt.u32 s9, $0xF7A;
	s5 =	simm.s32 @!p2 $0x0  }
0x1d: {  	s5 =	simm.s32 @p1 $0x1;
	p0 =	seq.s32 s7, s2  }
0x1e: {  	s7 =	smul.u32 @!p0 $0xF7A, s2;
	p2 =	seq.s32 @!p0 s5, $0x0  }
0x1f: {  	s9 =	smul.u32 $0xF7A, s1;
	s8 =	simm.s32 @!p0 $0x1BF5;
	p2 =	por !p2, p0  }
0x20: {  	[sflag:s8] =	ssyncset.s32 @!p0 $0xFFFFF086;
	s6 =	sadd.s32 @!p0 s3, s7;
	s7 =	simm.s32 @!p0 $0x108  }
0x21: {  	s3 =	sadd.s32 s3, s9;
	s6 =	sadd.s32 @!p0 $0x88, s6;
	s7 =	simm.s32 @p2 $0x1082  }
0x22: {  	[simem:s7], [sflag:s8] =	dma.local @!p0 [hbm:s6], $0xF7A  }
0x23: {  	s9 =	sor.u32 $0xD0000000, s2;
	s6 =	simm.s32 $0x108;
	_ =	swait.ge @!p0 [sflag:s8], $0x0  }
0x24: {  	s3 =	sadd.s32 $0x88, s3;
	s6 =	simm.s32 @!p1 $0x1082;
	[sflag:s4] =	ssyncset.s32 $0xFFFFF086  }
0x25: {  	[simem:s6], [sflag:s4] =	dma.local [hbm:s3], $0xF7A  }
0x26: {  	[smem:$0x3F97] =	sst s1;
	(tag) =	ssettag s2;
	_ =	strace s9  }
0x27: {  	s1 =	sld [smem:$0x3FA7]  }
0x28: {  	s2 =	sld [smem:$0x3FA8]  }
0x29: {  	s4 =	sld [smem:$0x3FAA]  }
0x2a: {  	p0 =	seq.s32 s5, $0x0;
	s5 =	sld [smem:$0x3FAB]  }
0x2b: {  	s6 =	sld [smem:$0x3FAC]  }
0x2c: {  	s7 =	sld [smem:$0x3FAD]  }
0x2d: {  	s3 =	simm.s32 $0x108;
	s8 =	sld [smem:$0x3FAE]  }
0x2e: {  	s3 =	simm.s32 @!p0 $0x1082;
	s9 =	sld [smem:$0x3FAF]  }
0x2f: {  	lr =	sadd.s32 s0, s3;
	s0 =	sld [smem:$0x3FA6]  }
0x30: {  	s3 =	sld [smem:$0x3FA9]  }
0x31: {  	[smem:$0x3FB2] =	sst s10  }
0x32: {  	s10 =	sld [smem:$0x3FB0];
	_ =	sdelay $0x3  }
0x33: {  	p0 =	seq.s32 s10, $0x1;
	s10 =	sld [smem:$0x3FB2];
	_ =	sdelay $0x3  }
0x34: {  	[smem:$0x3FB2] =	sst s10  }
0x35: {  	s10 =	sld [smem:$0x3FB1];
	_ =	sdelay $0x3  }
0x36: {  	p1 =	seq.s32 s10, $0x1;
	s10 =	sld [smem:$0x3FB2];
	_ =	sdelay $0x3  }
0x37: {  	[smem:$0x3FB2] =	sst s10  }
0x38: {  	s10 =	sld [smem:$0x3FB3]  }
0x39: {  	_ = 	snop;
	(pc) =	sbr.ind lr, $3  }
0x3a: {  	_ = 	snop  }
0x3b: {  	_ = 	snop  }
0x3c: {  	p2 =	seq.s32 s10, $0x1;
	s10 =	sld [smem:$0x3FB2]  }
0x3d: {  	_ =	shalt  }
0x3e: {  	_ =	shalt  }
0x3f: {  	_ =	shalt  }
0x40: {  	_ =	shalt  }
0x41: {  	_ =	shalt  }
0x42: {  	_ =	shalt  }
0x43: {  	_ =	shalt  }
0x44: {  	_ =	shalt  }
0x45: {  	_ =	shalt  }
0x46: {  	_ =	shalt  }
0x47: {  	_ =	shalt  }
0x48: {  	_ =	shalt  }
0x49: {  	_ =	shalt  }
0x4a: {  	_ =	shalt  }
0x4b: {  	_ =	shalt  }
0x4c: {  	_ =	shalt  }
0x4d: {  	_ =	shalt  }
0x4e: {  	_ =	shalt  }
0x4f: {  	_ =	shalt  }
0x50: {  	_ =	shalt  }
0x51: {  	_ =	shalt  }
0x52: {  	_ =	shalt  }
0x53: {  	_ =	shalt  }
0x54: {  	_ =	shalt  }
0x55: {  	_ =	shalt  }
0x56: {  	_ =	shalt  }
0x57: {  	_ =	shalt  }
0x58: {  	_ =	shalt  }
0x59: {  	_ =	shalt  }
0x5a: {  	_ =	shalt  }
0x5b: {  	_ =	shalt  }
0x5c: {  	_ =	shalt  }
0x5d: {  	_ =	shalt  }
0x5e: {  	_ =	shalt  }
0x5f: {  	_ =	shalt  }
0x60: {  	_ =	shalt  }
0x61: {  	_ =	shalt  }
0x62: {  	_ =	shalt  }
0x63: {  	_ =	shalt  }
0x64: {  	_ =	shalt  }
0x65: {  	_ =	shalt  }
0x66: {  	_ =	shalt  }
0x67: {  	_ =	shalt  }
0x68: {  	_ =	shalt  }
0x69: {  	_ =	shalt  }
0x6a: {  	_ =	shalt  }
0x6b: {  	_ =	shalt  }
0x6c: {  	_ =	shalt  }
0x6d: {  	_ =	shalt  }
0x6e: {  	_ =	shalt  }
0x6f: {  	_ =	shalt  }
0x70: {  	_ =	shalt  }
0x71: {  	_ =	shalt  }
0x72: {  	_ =	shalt  }
0x73: {  	_ =	shalt  }
0x74: {  	_ =	shalt  }
0x75: {  	_ =	shalt  }
0x76: {  	_ =	shalt  }
0x77: {  	_ =	shalt  }
0x78: {  	_ =	shalt  }
0x79: {  	_ =	shalt  }
0x7a: {  	_ =	shalt  }
0x7b: {  	_ =	shalt  }
0x7c: {  	_ =	shalt  }
0x7d: {  	_ =	shalt  }
0x7e: {  	_ =	shalt  }
0x7f: {  	_ =	shalt  }
0x80: {  	_ =	shalt  }
0x81: {  	_ =	shalt  }
0x82: {  	_ =	shalt  }
0x83: {  	_ =	shalt  }
0x84: {  	_ =	shalt  }
0x85: {  	_ =	shalt  }
0x86: {  	_ =	shalt  }
0x87: {  	_ =	shalt  }
.Lfunc_end0:
.L_simem_size_0:
called_computation_lowered:
.L_overlay_start_0:
0x88: {  	s2 =	sld [smem:$0x3FD9]  }
0x89: {  	s3 =	sld [smem:$0x3FFE];
	_ =	sdelay $0x1  }
0x8a: {  	s1 =	srdreg.scid  }
0x8b: {  	s0 =	sand.u32 $0x1, s1  }
0x8c: {  	s17 =	sshll.u32 s0, $0xA;
	s2 =	sadd.s32 s3, s2  }
0x8d: {  	s2 =	sadd.s32 s2, s17  }
0x8e: {  	[smem:$0x3FBE] =	sst s2  }
0x8f: {  	_ = 	snop  }
0x90: {  	s2 =	sld [smem:$0x3FC8];
	(tm) =	ssettm $0x1  }
0x91: {  	s18 =	sld [smem:$0x3FFB];
	_ =	sdelay $0x3  }
0x92: {  	_ =	strace s18  }
0x93: {  	s3 =	sld [smem:$0x3FFC];
	_ =	sdelay $0x3  }
0x94: {  	_ =	strace s3  }
0x95: {  	s3 =	sld [smem:$0x3FFD];
	_ =	sdelay $0x3  }
0x96: {  	_ =	strace s3  }
0x97: {  	_ =	strace $0x8FFFFFFF  }
0x98: {  	s19 =	sld [smem:$0x3FDB];
	_ =	sdelay $0x1  }
0x99: {  	s4 =	simm.s32 $_scs_section_size  }
0x9a: {  	s5 =	simm.s32 $_size__tile_overlayer_lowered;
	s6 =	simm.s32 $_tile_overlayer_lowered  }
0x9b: {  	s22 =	simm.s32 $0x1BFF;
	s21 =	sshll.u32 s6, $0x1;
	s3 =	sadd.s32 s4, s19  }
0x9c: {  	s7 =	simm.s32 $0x0;
	s20 =	sshll.u32 s5, $0x1;
	s5 =	sadd.s32 s21, s3  }
0x9d: {  	[timem:s7], [sflag:s22] =	dma.local [hbm:s5], s20  }
0x9e: {  	_ =	swait.ge [sflag:s22], s20  }
0x9f: {  	s4 =	ssub.s32 $0x0, s20;
	[sflag:s22] =	ssyncset.done $0x0  }
0xa0: {  	[sflag:s22] =	ssyncadd.s32 s4;
	_ =	sdelay $0x1  }
0xa1: {  	s23 =	simm.s32 $0x1B8B  }
0xa2: {  	_ =	swait.ge [sflag:s23], $0x1  }
0xa3: {  	[sflag:s23] =	ssyncset.done $0x0  }
0xa4: {  	s25 =	simm.s32 $0x1B8E;
	s24 =	sld [smem:$0x3FFE];
	[sflag:s23] =	ssyncadd.s32 $0xFFFFFFFF  }
0xa5: {  	s26 =	simm.s32 $execute0_lowered;
	[smem:$0x3FD2] =	sst s25  }
0xa6: {  	s5 =	sshll.u32 s26, $0x1;
	_ =	strace $0x80000046;
	[dreg:$0x1] =	wrdreg $0xFFFFFFFF  }
0xa7: {  	s28 =	simm.s32 $_size_execute0_lowered;
	s3 =	sadd.s32 s3, s5;
	[dreg:$0x0] =	wrdreg $0x0  }
0xa8: {  	s5 =	sshll.u32 s28, $0x1;
	[dreg:$0x2] =	wrdreg s3  }
0xa9: {  	[dreg:$0x3] =	wrdreg s5  }
0xaa: {  	[dreg:$0x4] =	wrdreg $0xC0  }
0xab: {  	_ =	task [dreg:s7], $0x5FFFF  }
0xac: {  	[dreg:$0x1] =	wrdreg $0xFFFFFFFF  }
0xad: {  	[dreg:$0x0] =	wrdreg $0x60  }
0xae: {  	[dreg:$0x2] =	wrdreg s2  }
0xaf: {  	[dreg:$0x3] =	wrdreg s24  }
0xb0: {  	[dreg:$0x4] =	wrdreg $0x9F800  }
0xb1: {  	[dreg:$0x5] =	wrdreg $0x9  }
0xb2: {  	_ =	task.clear_ibuf [dreg:s7], $0x6FFFF;
	_ =	strace $0x90000046  }
0xb3: {  	s29 =	simm.s32 $0x9;
	_ =	strace $0x80000048  }
0xb4: {  	_ =	swait.ge [sflag:s29], $0x1  }
0xb5: {  	[sflag:s29] =	ssyncadd.s32 $0xFFFFFFFF  }
0xb6: {  	_ =	strace $0x90000048  }
0xb7: {  	_ =	sfence  }
0xb8: {  	s30 =	sld [smem:$0x0];
	_ =	sdelay $0x2  }
0xb9: {  	s31 =	sshll.u32 s1, $0xD;
	s1 =	sshrl.u32 s1, $0x2  }
0xba: {  	s3 =	sand.u32 $0x4000, s31;
	s1 =	sadd.s32 s1, s30  }
0xbb: {  	s0 =	sor.u32 s3, s0;
	s1 =	sshll.u32 s1, $0x11  }
0xbc: {  	s0 =	sor.u32 s1, s0  }
0xbd: {  	s0 =	sadd.s32 $0x8F2B, s0  }
0xbe: {  	[sflag:s0] =	ssyncadd.remote.s32 $0x1  }
0xbf: {  	_ =	sfence.sel $0xFFFF  }
0xc0: {  	[dreg:$0x0] =	wrdreg $0xFFFFFFFF;
	(pc) =	sbr.abs _section_cstart, $3  }
0xc1: {  	[dreg:$0x1] =	wrdreg $0xFFFFFFFF  }
0xc2: {  	_ =	task.clear_ibuf [dreg:s7], $0x2FFFF;
	_ =	strace $0x9FFFFFFF  }
0xc3: {  	(tm) =	ssettm $0x7FFFFFFF  }
tec
execute0_lowered:
.L_overlay_start_1:
0x0: {  	(tag) =	ssettag $0x1  }
0x1: {  	s9 =	rddreg [dreg:$0x0]  }
0x2: {  	s11 =	rddreg [dreg:$0x1];
	s0 =	srdreg.scid  }
0x3: {  	s2 =	rddreg [dreg:$0x2];
	s1 =	stileid.u32  }
0x4: {  	s3 =	simm.s32 $0x0;
	s15 =	simm.s32 $0x41400;
	s16 =	simm.s32 $0x7700  }
0x5: {  	s17 =	simm.s32 $0x1;
	s18 =	simm.s32 $0x2;
	s19 =	simm.s32 $0x10  }
0x6: {  	s20 =	simm.s32 $0xA;
	s10 =	sand.u32 $0x1, s0;
	s0 =	rddreg [dreg:$0x3]  }
0x7: {  	s21 =	simm.s32 $0x0;
	s29 =	smul.u32 $0x31600, s1;
	[smem:$0x7FF] =	sst s3  }
0x8: {  	s14 =	sshll.u32 s1, $0x5;
	s31 =	smul.u32 $0x2780, s1;
	s4 =	sshll.u32 s10, $0x4  }
0x9: {  	s5 =	ssub.s32 $0x2, s10;
	_ =	strace $0x80000047;
	p0 =	seq.s32 s10, $0x1  }
0xa: {  	s30 =	sadd.s32 s14, s9;
	s14 =	simm.s32 $0x4;
	s13 =	sor.u32 s1, s4  }
0xb: {  	s7 =	sshrl.u32 s5, $0x1;
	s8 =	sshrl.u32 s29, $0x2;
	s15 =	simm.s32 @!p0 $0x19C00  }
0xc: {  	s10 =	sadd.s32 $0x13800, s30;
	s6 =	smul.u32 $0x9C0, s13;
	s12 =	ssub.s32 s5, s7  }
0xd: {  	s5 =	sadd.s32 s8, s2;
	s15 =	sadd.s32 s15, s11;
	p0 =	sgt.u32 s13, $0x3  }
0xe: {  	s13 =	simm.s32 $0x4F00;
	s7 =	sadd.s32 $0x5000, s5;
	s8 =	sadd.s32 $0x7800, s5  }
0xf: {  	s11 =	smax.u32 s12, $0x1;
	s12 =	sadd.s32 s15, s31;
	s15 =	simm.s32 $0x3  }
0x10: {  	v0 =	vimm.f32 $0.0e+00;
	v1 =	vimm.s32 $0x2710;
	s4 =	sadd.s32 s9, s6;
	s6 =	sadd.s32 $0x2800, s5;
	s9 =	sadd.s32 $0xA000, s5  }
.LBB2_1:
0x11: {  	[tilespmem:s3], [sflag:$0x3] =	stream.linear.gather [hbm4b:s4+s3], $0x4E00, $0x38;
	[tilespmem:$0x16500] =	vst v63  }
0x12: {  	s23 =	simm.s32 $0x140;
	s22 =	simm.s32 $0x0  }
.LBB2_2:
0x13: {  	p1 =	sne.s32 s23, $0x9EC0;
	[tilespmem:s22+$0x4F40] =	vst v0;
	s24 =	smov.u32 s23;
	s23 =	sadd.s32 $0x140, s23  }
.Ltmp0:
0x14: {  	[tilespmem:s22+$0x4F30] =	vst v0;
	(pc) =	sbr.rel @p1 .LBB2_2-.Ltmp0, $4  }
0x15: {  	[tilespmem:s22+$0x4F20] =	vst v0  }
0x16: {  	[tilespmem:s22+$0x4F00] =	vst v0  }
0x17: {  	[tilespmem:s22+$0x4F10] =	vst v0  }
0x18: {  	s22 =	sshra.s32 s24, $0x2  }
0x19: {  	[tilespmem:s22+$0x4F40] =	vst v0  }
0x1a: {  	[tilespmem:s22+$0x4F30] =	vst v0  }
0x1b: {  	[tilespmem:s22+$0x4F20] =	vst v0  }
0x1c: {  	[tilespmem:s22+$0x4F00] =	vst v0  }
0x1d: {  	[tilespmem:s22+$0x4F10] =	vst v0;
	s23 =	simm.s32 $0x140;
	s22 =	simm.s32 $0x0  }
.LBB2_4:
0x1e: {  	p1 =	sne.s32 s23, $0x9EC0;
	[tilespmem:s22+$0x7740] =	vst v0;
	s24 =	smov.u32 s23;
	s23 =	sadd.s32 $0x140, s23  }
.Ltmp1:
0x1f: {  	[tilespmem:s22+$0x7730] =	vst v0;
	(pc) =	sbr.rel @p1 .LBB2_4-.Ltmp1, $4  }
0x20: {  	[tilespmem:s22+$0x7720] =	vst v0  }
0x21: {  	[tilespmem:s22+$0x7700] =	vst v0  }
0x22: {  	[tilespmem:s22+$0x7710] =	vst v0  }
0x23: {  	s22 =	sshra.s32 s24, $0x2  }
0x24: {  	[tilespmem:s22+$0x7740] =	vst v0  }
0x25: {  	[tilespmem:s22+$0x7730] =	vst v0  }
0x26: {  	[tilespmem:s22+$0x7720] =	vst v0  }
0x27: {  	[tilespmem:s22+$0x7700] =	vst v0  }
0x28: {  	[tilespmem:s22+$0x7710] =	vst v0  }
0x29: {  	[tilespmem:$0x9F00] =	vst v1  }
0x2a: {  	[tilespmem:$0x9F10] =	vst v1  }
0x2b: {  	[tilespmem:$0x9F20] =	vst v1  }
0x2c: {  	[tilespmem:$0x9F30] =	vst v1  }
0x2d: {  	[tilespmem:$0x9F40] =	vst v1  }
0x2e: {  	[tilespmem:$0x9F50] =	vst v1  }
0x2f: {  	[tilespmem:$0x9F60] =	vst v1  }
0x30: {  	[tilespmem:$0x9F70] =	vst v1  }
0x31: {  	[spmem:s5] =	stream.linear.scatter [tilespmem:s13], [sflag:$0x4], $0x2800, $0x38;
	[tilespmem:$0x16500] =	vst v63  }
0x32: {  	_ =	swait.ge [sflag:s14], $0x2800  }
0x33: {  	[sflag:s14] =	ssyncset.done $0x0  }
0x34: {  	[sflag:s14] =	ssyncadd.s32 $0xFFFFD800  }
0x35: {  	[spmem:s6] =	stream.linear.scatter [tilespmem:s13], [sflag:$0x4], $0x2800, $0x38;
	[tilespmem:$0x16500] =	vst v63  }
0x36: {  	_ =	swait.ge [sflag:s14], $0x2800  }
0x37: {  	[sflag:s14] =	ssyncset.done $0x0  }
0x38: {  	[sflag:s14] =	ssyncadd.s32 $0xFFFFD800  }
0x39: {  	[spmem:s7] =	stream.linear.scatter [tilespmem:s13], [sflag:$0x4], $0x2800, $0x38;
	[tilespmem:$0x16500] =	vst v63  }
0x3a: {  	_ =	swait.ge [sflag:s14], $0x2800  }
0x3b: {  	[sflag:s14] =	ssyncset.done $0x0  }
0x3c: {  	[sflag:s14] =	ssyncadd.s32 $0xFFFFD800  }
0x3d: {  	[spmem:s8] =	stream.linear.scatter [tilespmem:s13], [sflag:$0x4], $0x2800, $0x38;
	[tilespmem:$0x16500] =	vst v63  }
0x3e: {  	_ =	swait.ge [sflag:s14], $0x2800  }
0x3f: {  	[sflag:s14] =	ssyncset.done $0x0  }
0x40: {  	[sflag:s14] =	ssyncadd.s32 $0xFFFFD800  }
0x41: {  	[spmem:s9] =	stream.linear.scatter [tilespmem:s13], [sflag:$0x4], $0x2580, $0x38;
	[tilespmem:$0x16500] =	vst v63  }
0x42: {  	_ =	swait.ge [sflag:s14], $0x2580  }
0x43: {  	[sflag:s14] =	ssyncset.done $0x0  }
0x44: {  	[sflag:s14] =	ssyncadd.s32 $0xFFFFDA80  }
0x45: {  	_ =	swait.ge [sflag:s15], $0x4E00  }
0x46: {  	[sflag:s15] =	ssyncset.done $0x0  }
0x47: {  	s22 =	simm.s32 @!p0 $0x0;
	s23 =	simm.s32 @!p0 $0x4E00;
	[sflag:s15] =	ssyncadd.s32 $0xFFFFB200  }
0x48: {  	[tilespmem:s23], [sflag:$0x4] =	stream.linear.gather @!p0 [hbm4b:s10+s22], $0x100, $0x38;
	[tilespmem:$0x16500] =	vst v63  }
0x49: {  	s22 =	simm.s32 @!p0 $0x4  }
0x4a: {  	_ =	swait.ge @!p0 [sflag:s22], $0x100  }
0x4b: {  	[sflag:s22] =	ssyncset.done @!p0 $0x0  }
0x4c: {  	[sflag:s22] =	ssyncadd.s32 @!p0 $0xFFFFFF00  }
0x4d: {  	[bflag:$0x0] =	sbarrier.arrive $0xFFFF  }
0x4e: {  	[spmem:s5] =	stream.linear.scatter [tilespmem:s13], [sflag:$0x1], $0x280, $0x38;
	[tilespmem:$0x16500] =	vst v63  }
0x4f: {  	_ = 	snop  }
0x50: {  	[spmem:s5] =	stream.linear.scatter [tilespmem:s16], [sflag:$0x2], $0x280, $0x38;
	[tilespmem:$0x16500] =	vst v63  }
0x51: {  	_ =	swait.ge [sflag:s17], $0x280  }
0x52: {  	[sflag:s17] =	ssyncset.done $0x0  }
0x53: {  	[sflag:s17] =	ssyncadd.s32 $0xFFFFFD80  }
0x54: {  	[spmem:s5] =	stream.linear.scatter [tilespmem:s13], [sflag:$0x1], $0x280, $0x38;
	[tilespmem:$0x16500] =	vst v63  }
0x55: {  	_ =	swait.ge [sflag:s18], $0x280  }
0x56: {  	[sflag:s18] =	ssyncset.done $0x0  }
0x57: {  	s22 =	simm.s32 $0x26;
	[sflag:s18] =	ssyncadd.s32 $0xFFFFFD80  }
.LBB2_6:
0x58: {  	[spmem:s5] =	stream.linear.scatter [tilespmem:s16], [sflag:$0x2], $0x280, $0x38;
	[tilespmem:$0x16500] =	vst v63  }
0x59: {  	p1 =	sne.s32 s22, $0x1;
	s22 =	sadd.s32 $0xFFFFFFFF, s22;
	_ =	swait.ge [sflag:s17], $0x280  }
0x5a: {  	[sflag:s17] =	ssyncset.done $0x0  }
.Ltmp2:
0x5b: {  	[sflag:s17] =	ssyncadd.s32 $0xFFFFFD80;
	(pc) =	sbr.rel @p1 .LBB2_6-.Ltmp2, $4  }
0x5c: {  	[spmem:s5] =	stream.linear.scatter [tilespmem:s13], [sflag:$0x1], $0x280, $0x38;
	[tilespmem:$0x16500] =	vst v63  }
0x5d: {  	_ =	swait.ge [sflag:s18], $0x280  }
0x5e: {  	[sflag:s18] =	ssyncset.done $0x0  }
0x5f: {  	[sflag:s18] =	ssyncadd.s32 $0xFFFFFD80  }
0x60: {  	[spmem:s5] =	stream.linear.scatter [tilespmem:s16], [sflag:$0x2], $0x280, $0x38;
	[tilespmem:$0x16500] =	vst v63  }
0x61: {  	_ =	swait.ge [sflag:s17], $0x280  }
0x62: {  	[sflag:s17] =	ssyncset.done $0x0  }
0x63: {  	[sflag:s17] =	ssyncadd.s32 $0xFFFFFD80  }
0x64: {  	_ =	swait.ge [sflag:s18], $0x280  }
0x65: {  	s22 =	simm.s32 @!p0 $0x80;
	[sflag:s18] =	ssyncset.done $0x0  }
0x66: {  	s23 =	simm.s32 @!p0 $0x4E80;
	s24 =	simm.s32 @!p0 $0x4F00;
	[sflag:s18] =	ssyncadd.s32 $0xFFFFFD80  }
0x67: {  	[spmem:s2] =	stream.indirect.scatter.add.f32 @!p0 [tilespmem:s24], [sflag:$0x4], $0x50, s23, s22, $0xb8;
	[tilespmem:$0x16500] =	vst v63  }
0x68: {  	s22 =	simm.s32 @!p0 $0x4  }
0x69: {  	_ =	swait.ge @!p0 [sflag:s22], $0x2800  }
0x6a: {  	s30 =	sshll.u32 s1, $0x6;
	s21 =	sadd.s32 $0x1, s21;
	[sflag:s22] =	ssyncset.done @!p0 $0x0  }
0x6b: {  	s31 =	sshrl.u32 s5, $0x3;
	p1 =	sne.s32 s21, s11;
	[sflag:s22] =	ssyncadd.s32 @!p0 $0xFFFFD800  }
.Ltmp3:
0x6c: {  	s22 =	sor.u32 $0x1C04, s30;
	[bflag:$0x0] =	sbarrier.arrive $0xFFFF;
	(pc) =	sbr.rel @p1 .LBB2_1-.Ltmp3, $4  }
0x6d: {  	[hbm:s12@s19], [sflag:s22] =	dma.strided [spmem:s31@s20], $0x18B0, s17, $0xa   }
0x6e: {  	_ =	swait.ge [sflag:s14], $0x18B0  }
0x6f: {  	[sflag:s14] =	ssyncset.done $0x0  }
0x70: {  	[sflag:s14] =	ssyncadd.s32 $0xFFFFE750  }
0x71: {  	_ =	sfence.sel $0x180000  }
0x72: {  	[bflag:$0x0] =	sbarrier.arrive $0xFFFF  }
0x73: {  	p0 =	sne.s32 s1, $0x0;
	_ =	strace $0x90000047  }
0x74: {  	s0 =	sadd.s32 @!p0 $0x100000, s0;
	[bflag:$0x2] =	sbarrier.arrive $0xFFFF  }
0x75: {  	[sflag:s0] =	ssyncadd.tile.s32 @!p0 $0x1;
	_ =	shalt  }
.Lfunc_end2:
_tile_overlayer_lowered:
.L_overlay_start_2:
0x76: {  	(tag) =	ssettag $0x2  }
0x77: {  	s0 =	rddreg [dreg:$0x0];
	s2 =	stileid.u32  }
0x78: {  	s1 =	rddreg [dreg:$0x1];
	p0 =	sne.s32 s2, $0x0  }
0x79: {  	s3 =	rddreg [dreg:$0x2];
	[bflag:$0x3] =	sbarrier.arrive $0xFFFF;
	s2 =	simm.s32 @!p0 $0x1C04  }
0x7a: {  	[timem:s3], [sflag:s2] =	dma.local @!p0 [hbm:s0], s1  }
0x7b: {  	s0 =	simm.s32 @!p0 $0x4  }
0x7c: {  	_ =	swait.ge @!p0 [sflag:s0], s1  }
0x7d: {  	s1 =	ssub.s32 @!p0 $0x0, s1;
	[sflag:s0] =	ssyncset.done @!p0 $0x0  }
0x7e: {  	[sflag:s0] =	ssyncadd.s32 @!p0 s1  }
0x7f: {  	[bflag:$0x3] =	sbarrier.arrive $0xFFFF  }
0x80: {  	_ =	shalt  }

</sc_bundles>
